<compile_context>
chip_gen: v7x
topology: tpu7x:2x2x1
jax: 0.10.2.dev20260603
libtpu: 0.0.44.dev20260713+nightly
codegen_flags: <defaults>
</compile_context>

<pallas_src>
import jax
import jax.numpy as jnp
from jax import lax
from jax.experimental import pallas as pl
from jax.experimental.pallas import tpu as pltpu
from jax.experimental.pallas import tpu_sc as plsc

NUM_CORES = 2
NUM_SUBCORES = 16
LANES = 16
NUM_WORKERS = NUM_CORES * NUM_SUBCORES

BATCH = 16384
D = 32
TILE_W = 128
B_PER_W = BATCH // NUM_WORKERS
N_GROUPS = B_PER_W // LANES


def _gmf_body(uidx_hbm, iidx_hbm, eut_hbm, eit_hbm, w_hbm, b_hbm, out_hbm,
              uidx_v, iidx_v, utile_v, itile_v, w_v, b_v, out_v,
              sem0, sem1, sem2, sem3, sem4, sem5, sem6, sem7):
    wid = lax.axis_index("s") * NUM_CORES + lax.axis_index("c")
    base = wid * B_PER_W

    pltpu.sync_copy(uidx_hbm.at[pl.ds(base, B_PER_W)], uidx_v)
    pltpu.sync_copy(iidx_hbm.at[pl.ds(base, B_PER_W)], iidx_v)
    pltpu.sync_copy(w_hbm, w_v)
    pltpu.sync_copy(b_hbm, b_v.at[pl.ds(0, 1)])

    w_lo = w_v[0, pl.ds(0, LANES)]
    w_hi = w_v[0, pl.ds(LANES, LANES)]
    bias_bc = jnp.broadcast_to(b_v[pl.ds(0, LANES)][0], (LANES,))
    lane = lax.iota(jnp.int32, LANES)
    row_lo = lax.iota(jnp.int32, LANES)
    row_hi = row_lo + LANES
    sems = (sem0, sem1, sem2, sem3, sem4, sem5, sem6, sem7)

    def fire(ru, ri, slot):
        qu = pl.multiple_of((ru >> 7) * TILE_W, TILE_W)
        qi = pl.multiple_of((ri >> 7) * TILE_W, TILE_W)
        pltpu.async_copy(eut_hbm.at[pl.ds(0, D), pl.ds(qu, TILE_W)],
                         utile_v.at[pl.ds(0, D), pl.ds(slot * TILE_W, TILE_W)],
                         sems[slot])
        pltpu.async_copy(eit_hbm.at[pl.ds(0, D), pl.ds(qi, TILE_W)],
                         itile_v.at[pl.ds(0, D), pl.ds(slot * TILE_W, TILE_W)],
                         sems[slot])

    def drain(slot):
        pltpu.make_async_copy(
            eut_hbm.at[pl.ds(0, D), pl.ds(0, TILE_W)],
            utile_v.at[pl.ds(0, D), pl.ds(slot * TILE_W, TILE_W)],
            sems[slot]).wait()
        pltpu.make_async_copy(
            eit_hbm.at[pl.ds(0, D), pl.ds(0, TILE_W)],
            itile_v.at[pl.ds(0, D), pl.ds(slot * TILE_W, TILE_W)],
            sems[slot]).wait()

    def group_body(g, _):
        uvec = uidx_v[pl.ds(pl.multiple_of(g * LANES, LANES), LANES)]
        ivec = iidx_v[pl.ds(pl.multiple_of(g * LANES, LANES), LANES)]
        for k in range(7):
            fire(uvec[k], ivec[k], k)
        acc = bias_bc
        for j in range(LANES):
            if j + 7 < LANES:
                fire(uvec[j + 7], ivec[j + 7], (j + 7) % 8)
            drain(j % 8)
            cu = jnp.full((LANES,), (j % 8) * TILE_W, jnp.int32) + (uvec[j] & 127)
            ci = jnp.full((LANES,), (j % 8) * TILE_W, jnp.int32) + (ivec[j] & 127)
            u0 = plsc.load_gather(utile_v, [row_lo, cu])
            u1 = plsc.load_gather(utile_v, [row_hi, cu])
            v0 = plsc.load_gather(itile_v, [row_lo, ci])
            v1 = plsc.load_gather(itile_v, [row_hi, ci])
            s = u0 * v0 * w_lo + u1 * v1 * w_hi
            acc = jnp.where(lane == j, bias_bc + jnp.sum(s), acc)
        out_v[pl.ds(pl.multiple_of(g * LANES, LANES), LANES)] = acc
        return _

    lax.fori_loop(0, N_GROUPS, group_body, None)

    pltpu.sync_copy(out_v, out_hbm.at[pl.ds(base, B_PER_W)])


def kernel(user_indices, item_indices, embed_user, embed_item, W_out, b_out):
    mesh = plsc.VectorSubcoreMesh(core_axis_name="c", subcore_axis_name="s",
                                  num_cores=NUM_CORES, num_subcores=NUM_SUBCORES)
    gmf = pl.kernel(
        _gmf_body,
        out_type=jax.ShapeDtypeStruct((BATCH,), jnp.float32),
        mesh=mesh,
        compiler_params=pltpu.CompilerParams(needs_layout_passes=False),
        scratch_types=[
            pltpu.VMEM((B_PER_W,), jnp.int32),
            pltpu.VMEM((B_PER_W,), jnp.int32),
            pltpu.VMEM((D, 8 * TILE_W), jnp.float32),
            pltpu.VMEM((D, 8 * TILE_W), jnp.float32),
            pltpu.VMEM((1, D), jnp.float32),
            pltpu.VMEM((LANES,), jnp.float32),
            pltpu.VMEM((B_PER_W,), jnp.float32),
        ] + [pltpu.SemaphoreType.DMA] * 8,
    )
    return gmf(user_indices.astype(jnp.int32), item_indices.astype(jnp.int32),
               embed_user.T, embed_item.T, W_out, b_out)

# --- scband reference (transcript-rebuilt; emitter-appended) ---
"""Pipeline reference for scband-generalized-matrix-factorization-85358180041424 (READ-ONLY COPY).

The authoritative reference and input builder live on the scoring server;
editing this copy changes nothing except your own understanding.
"""

import jax, jax.numpy as jnp
import numpy as np

NUM_USERS = 1000000
NUM_ITEMS = 1000000
EMBED_DIM = 32
BATCH = 16384

def setup_inputs(seed: int = 0) -> dict:
    key = jax.random.key(seed)
    k1, k2, k3, k4, k5, k6 = jax.random.split(key, 6)
    user_indices = jax.random.randint(k1, (BATCH,), 0, NUM_USERS, dtype=jnp.int64 if jax.config.jax_enable_x64 else jnp.int32)
    item_indices = jax.random.randint(k2, (BATCH,), 0, NUM_ITEMS, dtype=jnp.int64 if jax.config.jax_enable_x64 else jnp.int32)
    embed_user = jax.random.normal(k3, (NUM_USERS, EMBED_DIM), dtype=jnp.float32)
    embed_item = jax.random.normal(k4, (NUM_ITEMS, EMBED_DIM), dtype=jnp.float32)
    # nn.Linear(embed_dim, 1): weight [1, embed_dim], bias [1]
    W_out = jax.random.normal(k5, (1, EMBED_DIM), dtype=jnp.float32) * (1.0 / np.sqrt(EMBED_DIM))
    b_out = jax.random.normal(k6, (1,), dtype=jnp.float32) * 0.01
    return {
        "user_indices": user_indices,
        "item_indices": item_indices,
        "embed_user": embed_user,
        "embed_item": embed_item,
        "W_out": W_out,
        "b_out": b_out,
    }

def reference(user_indices, item_indices, embed_user, embed_item, W_out, b_out):
    user_embedding_vector = jnp.take(embed_user, user_indices, axis=0)   # [B, D]
    item_embedding_vector = jnp.take(embed_item, item_indices, axis=0)   # [B, D]
    factorized_vector = user_embedding_vector * item_embedding_vector    # [B, D]
    predicted_rating = factorized_vector @ W_out.T + b_out               # [B, 1]
    return jnp.squeeze(predicted_rating, axis=-1)                        # [B]

if __name__ == "__main__":
    import jax
    _d = setup_inputs()
    print(jax.jit(kernel)(*tuple(_d.values())))

</pallas_src>

<mosaic_0001>
#map = affine_map<(d0, d1) -> (0)>
#map1 = affine_map<(d0, d1) -> (0, 0)>
module attributes {stable_mosaic.version = 14 : i64} {
  func.func @_gmf_body(%arg0: i32, %arg1: i32, %arg2: memref<16384xi32, #tpu.memory_space<hbm>>, %arg3: memref<16384xi32, #tpu.memory_space<hbm>>, %arg4: memref<32x1000000xf32, #tpu.memory_space<hbm>>, %arg5: memref<32x1000000xf32, #tpu.memory_space<hbm>>, %arg6: memref<1x32xf32, #tpu.memory_space<hbm>>, %arg7: memref<1xf32, #tpu.memory_space<hbm>>, %arg8: memref<16384xf32, #tpu.memory_space<hbm>>, %arg9: memref<512xi32, #tpu.memory_space<vmem>>, %arg10: memref<512xi32, #tpu.memory_space<vmem>>, %arg11: memref<32x1024xf32, #tpu.memory_space<vmem>>, %arg12: memref<32x1024xf32, #tpu.memory_space<vmem>>, %arg13: memref<1x32xf32, #tpu.memory_space<vmem>>, %arg14: memref<16xf32, #tpu.memory_space<vmem>>, %arg15: memref<512xf32, #tpu.memory_space<vmem>>, %arg16: memref<!tpu.dma_semaphore, #tpu.memory_space<semaphore_mem>>, %arg17: memref<!tpu.dma_semaphore, #tpu.memory_space<semaphore_mem>>, %arg18: memref<!tpu.dma_semaphore, #tpu.memory_space<semaphore_mem>>, %arg19: memref<!tpu.dma_semaphore, #tpu.memory_space<semaphore_mem>>, %arg20: memref<!tpu.dma_semaphore, #tpu.memory_space<semaphore_mem>>, %arg21: memref<!tpu.dma_semaphore, #tpu.memory_space<semaphore_mem>>, %arg22: memref<!tpu.dma_semaphore, #tpu.memory_space<semaphore_mem>>, %arg23: memref<!tpu.dma_semaphore, #tpu.memory_space<semaphore_mem>>) attributes {dimension_semantics = [#tpu.dimension_semantics<core_parallel>, #tpu.dimension_semantics<subcore_parallel>], iteration_bounds = array<i64: 2, 16>, scalar_prefetch = 0 : i64, scratch_operands = 15 : i64, tpu.core_type = #tpu.core_type<sc_vector_subcore>, window_params = [{transform_indices = #map}, {transform_indices = #map}, {transform_indices = #map1}, {transform_indices = #map1}, {transform_indices = #map1}, {transform_indices = #map}, {transform_indices = #map}]} {
    %mul3A = arith.constant 2 : i32
    %mul3A_0 = arith.muli %arg1, %mul3A : i32
    %add3A = arith.addi %mul3A_0, %arg0 : i32
    %mul3A_1 = arith.constant 512 : i32
    %mul3A_2 = arith.muli %add3A, %mul3A_1 : i32
    "tpu.region"() ({
      %run_scoped3A = tpu.sem_alloc : memref<!tpu.dma_semaphore, #tpu.memory_space<semaphore_mem>>
      %dma_start3A = tpu.memref_slice %arg2[%mul3A_2] : memref<16384xi32, #tpu.memory_space<hbm>> -> memref<512xi32, #tpu.memory_space<hbm>>
      %dma_start3A_20 = tpu.memref_slice %arg2[%mul3A_2] : memref<16384xi32, #tpu.memory_space<hbm>> -> memref<512xi32, #tpu.memory_space<hbm>>
      tpu.enqueue_dma source(%dma_start3A_20 : memref<512xi32, #tpu.memory_space<hbm>>) target(%arg9 : memref<512xi32, #tpu.memory_space<vmem>>) target_semaphore(%run_scoped3A : memref<!tpu.dma_semaphore, #tpu.memory_space<semaphore_mem>>)
      %dma_wait3A = tpu.memref_slice %arg2[%mul3A_2] : memref<16384xi32, #tpu.memory_space<hbm>> -> memref<512xi32, #tpu.memory_space<hbm>>
      %dma_wait3A_21 = tpu.memref_slice %arg2[%mul3A_2] : memref<16384xi32, #tpu.memory_space<hbm>> -> memref<512xi32, #tpu.memory_space<hbm>>
      tpu.wait_dma2 semaphore(%run_scoped3A : memref<!tpu.dma_semaphore, #tpu.memory_space<semaphore_mem>>) src(%dma_wait3A_21 : memref<512xi32, #tpu.memory_space<hbm>>) dst(%arg9 : memref<512xi32, #tpu.memory_space<vmem>>)
      tpu.yield
    }) : () -> ()
    "tpu.region"() ({
      %run_scoped3A = tpu.sem_alloc : memref<!tpu.dma_semaphore, #tpu.memory_space<semaphore_mem>>
      %dma_start3A = tpu.memref_slice %arg3[%mul3A_2] : memref<16384xi32, #tpu.memory_space<hbm>> -> memref<512xi32, #tpu.memory_space<hbm>>
      %dma_start3A_20 = tpu.memref_slice %arg3[%mul3A_2] : memref<16384xi32, #tpu.memory_space<hbm>> -> memref<512xi32, #tpu.memory_space<hbm>>
      tpu.enqueue_dma source(%dma_start3A_20 : memref<512xi32, #tpu.memory_space<hbm>>) target(%arg10 : memref<512xi32, #tpu.memory_space<vmem>>) target_semaphore(%run_scoped3A : memref<!tpu.dma_semaphore, #tpu.memory_space<semaphore_mem>>)
      %dma_wait3A = tpu.memref_slice %arg3[%mul3A_2] : memref<16384xi32, #tpu.memory_space<hbm>> -> memref<512xi32, #tpu.memory_space<hbm>>
      %dma_wait3A_21 = tpu.memref_slice %arg3[%mul3A_2] : memref<16384xi32, #tpu.memory_space<hbm>> -> memref<512xi32, #tpu.memory_space<hbm>>
      tpu.wait_dma2 semaphore(%run_scoped3A : memref<!tpu.dma_semaphore, #tpu.memory_space<semaphore_mem>>) src(%dma_wait3A_21 : memref<512xi32, #tpu.memory_space<hbm>>) dst(%arg10 : memref<512xi32, #tpu.memory_space<vmem>>)
      tpu.yield
    }) : () -> ()
    "tpu.region"() ({
      %run_scoped3A = tpu.sem_alloc : memref<!tpu.dma_semaphore, #tpu.memory_space<semaphore_mem>>
      tpu.enqueue_dma source(%arg6 : memref<1x32xf32, #tpu.memory_space<hbm>>) target(%arg13 : memref<1x32xf32, #tpu.memory_space<vmem>>) target_semaphore(%run_scoped3A : memref<!tpu.dma_semaphore, #tpu.memory_space<semaphore_mem>>)
      tpu.wait_dma2 semaphore(%run_scoped3A : memref<!tpu.dma_semaphore, #tpu.memory_space<semaphore_mem>>) src(%arg6 : memref<1x32xf32, #tpu.memory_space<hbm>>) dst(%arg13 : memref<1x32xf32, #tpu.memory_space<vmem>>)
      tpu.yield
    }) : () -> ()
    "tpu.region"() ({
      %run_scoped3A = tpu.sem_alloc : memref<!tpu.dma_semaphore, #tpu.memory_space<semaphore_mem>>
      %dma_start3A = arith.constant 0 : i32
      %dma_start3A_20 = tpu.memref_slice %arg14[%dma_start3A] : memref<16xf32, #tpu.memory_space<vmem>> -> memref<1xf32, #tpu.memory_space<vmem>>
      %dma_start3A_21 = arith.constant 0 : i32
      %dma_start3A_22 = tpu.memref_slice %arg14[%dma_start3A_21] : memref<16xf32, #tpu.memory_space<vmem>> -> memref<1xf32, #tpu.memory_space<vmem>>
      tpu.enqueue_dma source(%arg7 : memref<1xf32, #tpu.memory_space<hbm>>) target(%dma_start3A_22 : memref<1xf32, #tpu.memory_space<vmem>>) target_semaphore(%run_scoped3A : memref<!tpu.dma_semaphore, #tpu.memory_space<semaphore_mem>>)
      %dma_wait3A = arith.constant 0 : i32
      %dma_wait3A_23 = tpu.memref_slice %arg14[%dma_wait3A] : memref<16xf32, #tpu.memory_space<vmem>> -> memref<1xf32, #tpu.memory_space<vmem>>
      %dma_wait3A_24 = arith.constant 0 : i32
      %dma_wait3A_25 = tpu.memref_slice %arg14[%dma_wait3A_24] : memref<16xf32, #tpu.memory_space<vmem>> -> memref<1xf32, #tpu.memory_space<vmem>>
      tpu.wait_dma2 semaphore(%run_scoped3A : memref<!tpu.dma_semaphore, #tpu.memory_space<semaphore_mem>>) src(%arg7 : memref<1xf32, #tpu.memory_space<hbm>>) dst(%dma_wait3A_25 : memref<1xf32, #tpu.memory_space<vmem>>)
      tpu.yield
    }) : () -> ()
    %get3A = arith.constant 0 : i32
    %get3A_3 = arith.index_cast %get3A : i32 to index
    %get3A_4 = arith.constant 0 : index
    %get3A_5 = tpu.vector_load %arg13[%get3A_3, %get3A_4] {strides = array<i32>} : memref<1x32xf32, #tpu.memory_space<vmem>>, vector<16xf32>,
    %get3A_6 = arith.constant 0 : i32
    %get3A_7 = arith.index_cast %get3A_6 : i32 to index
    %get3A_8 = arith.constant 16 : index
    %get3A_9 = tpu.vector_load %arg13[%get3A_7, %get3A_8] {strides = array<i32>} : memref<1x32xf32, #tpu.memory_space<vmem>>, vector<16xf32>,
    %get3A_10 = arith.constant 0 : index
    %get3A_11 = tpu.vector_load %arg14[%get3A_10] {strides = array<i32>} : memref<16xf32, #tpu.memory_space<vmem>>, vector<16xf32>,
    %slice3A = vector.extract_strided_slice %get3A_11 {offsets = [0], sizes = [1], strides = [1]} : vector<16xf32> to vector<1xf32>
    %squeeze3A = vector.extract %slice3A[0] : f32 from vector<1xf32>
    %broadcast_in_dim3A = vector.broadcast %squeeze3A : f32 to vector<16xf32>
    %iota3A = tpu.iota {dimensions = array<i32: 0>} : vector<16xi32>
    %iota3A_12 = tpu.iota {dimensions = array<i32: 0>} : vector<16xi32>
    %add3A_13 = arith.constant 16 : i32
    %add3A_14 = vector.broadcast %add3A_13 : i32 to vector<16xi32>
    %add3A_15 = arith.addi %iota3A_12, %add3A_14 : vector<16xi32>
    %scan3A = arith.constant 0 : i32
    %scan3A_16 = arith.constant 32 : i32
    %scan3A_17 = arith.addi %scan3A, %scan3A_16 : i32
    %scan3A_18 = arith.constant 1 : i32
    scf.for %scan3A_20 = %scan3A to %scan3A_17 step %scan3A_18  : i32 {
      %mul3A_21 = arith.constant 16 : i32
      %mul3A_22 = arith.muli %scan3A_20, %mul3A_21 : i32
      %multiple_of3A = tpu.assume_multiple %mul3A_22, 16 : i32
      %get3A_23 = arith.index_cast %multiple_of3A : i32 to index
      %get3A_24 = tpu.vector_load %arg9[%get3A_23] {strides = array<i32>} : memref<512xi32, #tpu.memory_space<vmem>>, vector<16xi32>,
      %mul3A_25 = arith.constant 16 : i32
      %mul3A_26 = arith.muli %scan3A_20, %mul3A_25 : i32
      %multiple_of3A_27 = tpu.assume_multiple %mul3A_26, 16 : i32
      %get3A_28 = arith.index_cast %multiple_of3A_27 : i32 to index
      %get3A_29 = tpu.vector_load %arg10[%get3A_28] {strides = array<i32>} : memref<512xi32, #tpu.memory_space<vmem>>, vector<16xi32>,
      %slice3A_30 = vector.extract_strided_slice %get3A_24 {offsets = [0], sizes = [1], strides = [1]} : vector<16xi32> to vector<1xi32>
      %squeeze3A_31 = vector.extract %slice3A_30[0] : i32 from vector<1xi32>
      %slice3A_32 = vector.extract_strided_slice %get3A_29 {offsets = [0], sizes = [1], strides = [1]} : vector<16xi32> to vector<1xi32>
      %squeeze3A_33 = vector.extract %slice3A_32[0] : i32 from vector<1xi32>
      %shift_right_arithmetic3A = arith.constant 7 : i32
      %shift_right_arithmetic3A_34 = arith.shrsi %squeeze3A_31, %shift_right_arithmetic3A : i32
      %mul3A_35 = arith.constant 128 : i32
      %mul3A_36 = arith.muli %shift_right_arithmetic3A_34, %mul3A_35 : i32
      %multiple_of3A_37 = tpu.assume_multiple %mul3A_36, 128 : i32
      %shift_right_arithmetic3A_38 = arith.constant 7 : i32
      %shift_right_arithmetic3A_39 = arith.shrsi %squeeze3A_33, %shift_right_arithmetic3A_38 : i32
      %mul3A_40 = arith.constant 128 : i32
      %mul3A_41 = arith.muli %shift_right_arithmetic3A_39, %mul3A_40 : i32
      %multiple_of3A_42 = tpu.assume_multiple %mul3A_41, 128 : i32
      %dma_start3A = arith.constant 0 : i32
      %dma_start3A_43 = arith.constant 0 : i32
      %dma_start3A_44 = tpu.memref_slice %arg11[%dma_start3A, %dma_start3A_43] : memref<32x1024xf32, #tpu.memory_space<vmem>> -> memref<32x128xf32, #tpu.memory_space<vmem>>
      %dma_start3A_45 = arith.constant 0 : i32
      %dma_start3A_46 = tpu.memref_slice %arg4[%dma_start3A_45, %multiple_of3A_37] : memref<32x1000000xf32, #tpu.memory_space<hbm>> -> memref<32x128xf32, #tpu.memory_space<hbm>>
      %dma_start3A_47 = arith.constant 0 : i32
      %dma_start3A_48 = arith.constant 0 : i32
      %dma_start3A_49 = tpu.memref_slice %arg11[%dma_start3A_47, %dma_start3A_48] : memref<32x1024xf32, #tpu.memory_space<vmem>> -> memref<32x128xf32, #tpu.memory_space<vmem>>
      %dma_start3A_50 = arith.constant 0 : i32
      %dma_start3A_51 = tpu.memref_slice %arg4[%dma_start3A_50, %multiple_of3A_37] : memref<32x1000000xf32, #tpu.memory_space<hbm>> -> memref<32x128xf32, #tpu.memory_space<hbm>>
      tpu.enqueue_dma source(%dma_start3A_51 : memref<32x128xf32, #tpu.memory_space<hbm>>) target(%dma_start3A_49 : memref<32x128xf32, #tpu.memory_space<vmem>>) target_semaphore(%arg16 : memref<!tpu.dma_semaphore, #tpu.memory_space<semaphore_mem>>)
      %dma_start3A_52 = arith.constant 0 : i32
      %dma_start3A_53 = arith.constant 0 : i32
      %dma_start3A_54 = tpu.memref_slice %arg12[%dma_start3A_52, %dma_start3A_53] : memref<32x1024xf32, #tpu.memory_space<vmem>> -> memref<32x128xf32, #tpu.memory_space<vmem>>
      %dma_start3A_55 = arith.constant 0 : i32
      %dma_start3A_56 = tpu.memref_slice %arg5[%dma_start3A_55, %multiple_of3A_42] : memref<32x1000000xf32, #tpu.memory_space<hbm>> -> memref<32x128xf32, #tpu.memory_space<hbm>>
      %dma_start3A_57 = arith.constant 0 : i32
      %dma_start3A_58 = arith.constant 0 : i32
      %dma_start3A_59 = tpu.memref_slice %arg12[%dma_start3A_57, %dma_start3A_58] : memref<32x1024xf32, #tpu.memory_space<vmem>> -> memref<32x128xf32, #tpu.memory_space<vmem>>
      %dma_start3A_60 = arith.constant 0 : i32
      %dma_start3A_61 = tpu.memref_slice %arg5[%dma_start3A_60, %multiple_of3A_42] : memref<32x1000000xf32, #tpu.memory_space<hbm>> -> memref<32x128xf32, #tpu.memory_space<hbm>>
      tpu.enqueue_dma source(%dma_start3A_61 : memref<32x128xf32, #tpu.memory_space<hbm>>) target(%dma_start3A_59 : memref<32x128xf32, #tpu.memory_space<vmem>>) target_semaphore(%arg16 : memref<!tpu.dma_semaphore, #tpu.memory_space<semaphore_mem>>)
      %slice3A_62 = vector.extract_strided_slice %get3A_24 {offsets = [1], sizes = [1], strides = [1]} : vector<16xi32> to vector<1xi32>
      %squeeze3A_63 = vector.extract %slice3A_62[0] : i32 from vector<1xi32>
      %slice3A_64 = vector.extract_strided_slice %get3A_29 {offsets = [1], sizes = [1], strides = [1]} : vector<16xi32> to vector<1xi32>
      %squeeze3A_65 = vector.extract %slice3A_64[0] : i32 from vector<1xi32>
      %shift_right_arithmetic3A_66 = arith.constant 7 : i32
      %shift_right_arithmetic3A_67 = arith.shrsi %squeeze3A_63, %shift_right_arithmetic3A_66 : i32
      %mul3A_68 = arith.constant 128 : i32
      %mul3A_69 = arith.muli %shift_right_arithmetic3A_67, %mul3A_68 : i32
      %multiple_of3A_70 = tpu.assume_multiple %mul3A_69, 128 : i32
      %shift_right_arithmetic3A_71 = arith.constant 7 : i32
      %shift_right_arithmetic3A_72 = arith.shrsi %squeeze3A_65, %shift_right_arithmetic3A_71 : i32
      %mul3A_73 = arith.constant 128 : i32
      %mul3A_74 = arith.muli %shift_right_arithmetic3A_72, %mul3A_73 : i32
      %multiple_of3A_75 = tpu.assume_multiple %mul3A_74, 128 : i32
      %dma_start3A_76 = arith.constant 0 : i32
      %dma_start3A_77 = arith.constant 128 : i32
      %dma_start3A_78 = tpu.memref_slice %arg11[%dma_start3A_76, %dma_start3A_77] : memref<32x1024xf32, #tpu.memory_space<vmem>> -> memref<32x128xf32, #tpu.memory_space<vmem>>
      %dma_start3A_79 = arith.constant 0 : i32
      %dma_start3A_80 = tpu.memref_slice %arg4[%dma_start3A_79, %multiple_of3A_70] : memref<32x1000000xf32, #tpu.memory_space<hbm>> -> memref<32x128xf32, #tpu.memory_space<hbm>>
      %dma_start3A_81 = arith.constant 0 : i32
      %dma_start3A_82 = arith.constant 128 : i32
      %dma_start3A_83 = tpu.memref_slice %arg11[%dma_start3A_81, %dma_start3A_82] : memref<32x1024xf32, #tpu.memory_space<vmem>> -> memref<32x128xf32, #tpu.memory_space<vmem>>
      %dma_start3A_84 = arith.constant 0 : i32
      %dma_start3A_85 = tpu.memref_slice %arg4[%dma_start3A_84, %multiple_of3A_70] : memref<32x1000000xf32, #tpu.memory_space<hbm>> -> memref<32x128xf32, #tpu.memory_space<hbm>>
      tpu.enqueue_dma source(%dma_start3A_85 : memref<32x128xf32, #tpu.memory_space<hbm>>) target(%dma_start3A_83 : memref<32x128xf32, #tpu.memory_space<vmem>>) target_semaphore(%arg17 : memref<!tpu.dma_semaphore, #tpu.memory_space<semaphore_mem>>)
      %dma_start3A_86 = arith.constant 0 : i32
      %dma_start3A_87 = arith.constant 128 : i32
      %dma_start3A_88 = tpu.memref_slice %arg12[%dma_start3A_86, %dma_start3A_87] : memref<32x1024xf32, #tpu.memory_space<vmem>> -> memref<32x128xf32, #tpu.memory_space<vmem>>
      %dma_start3A_89 = arith.constant 0 : i32
      %dma_start3A_90 = tpu.memref_slice %arg5[%dma_start3A_89, %multiple_of3A_75] : memref<32x1000000xf32, #tpu.memory_space<hbm>> -> memref<32x128xf32, #tpu.memory_space<hbm>>
      %dma_start3A_91 = arith.constant 0 : i32
      %dma_start3A_92 = arith.constant 128 : i32
      %dma_start3A_93 = tpu.memref_slice %arg12[%dma_start3A_91, %dma_start3A_92] : memref<32x1024xf32, #tpu.memory_space<vmem>> -> memref<32x128xf32, #tpu.memory_space<vmem>>
      %dma_start3A_94 = arith.constant 0 : i32
      %dma_start3A_95 = tpu.memref_slice %arg5[%dma_start3A_94, %multiple_of3A_75] : memref<32x1000000xf32, #tpu.memory_space<hbm>> -> memref<32x128xf32, #tpu.memory_space<hbm>>
      tpu.enqueue_dma source(%dma_start3A_95 : memref<32x128xf32, #tpu.memory_space<hbm>>) target(%dma_start3A_93 : memref<32x128xf32, #tpu.memory_space<vmem>>) target_semaphore(%arg17 : memref<!tpu.dma_semaphore, #tpu.memory_space<semaphore_mem>>)
      %slice3A_96 = vector.extract_strided_slice %get3A_24 {offsets = [2], sizes = [1], strides = [1]} : vector<16xi32> to vector<1xi32>
      %squeeze3A_97 = vector.extract %slice3A_96[0] : i32 from vector<1xi32>
      %slice3A_98 = vector.extract_strided_slice %get3A_29 {offsets = [2], sizes = [1], strides = [1]} : vector<16xi32> to vector<1xi32>
      %squeeze3A_99 = vector.extract %slice3A_98[0] : i32 from vector<1xi32>
      %shift_right_arithmetic3A_100 = arith.constant 7 : i32
      %shift_right_arithmetic3A_101 = arith.shrsi %squeeze3A_97, %shift_right_arithmetic3A_100 : i32
      %mul3A_102 = arith.constant 128 : i32
      %mul3A_103 = arith.muli %shift_right_arithmetic3A_101, %mul3A_102 : i32
      %multiple_of3A_104 = tpu.assume_multiple %mul3A_103, 128 : i32
      %shift_right_arithmetic3A_105 = arith.constant 7 : i32
      %shift_right_arithmetic3A_106 = arith.shrsi %squeeze3A_99, %shift_right_arithmetic3A_105 : i32
      %mul3A_107 = arith.constant 128 : i32
      %mul3A_108 = arith.muli %shift_right_arithmetic3A_106, %mul3A_107 : i32
      %multiple_of3A_109 = tpu.assume_multiple %mul3A_108, 128 : i32
      %dma_start3A_110 = arith.constant 0 : i32
      %dma_start3A_111 = arith.constant 256 : i32
      %dma_start3A_112 = tpu.memref_slice %arg11[%dma_start3A_110, %dma_start3A_111] : memref<32x1024xf32, #tpu.memory_space<vmem>> -> memref<32x128xf32, #tpu.memory_space<vmem>>
      %dma_start3A_113 = arith.constant 0 : i32
      %dma_start3A_114 = tpu.memref_slice %arg4[%dma_start3A_113, %multiple_of3A_104] : memref<32x1000000xf32, #tpu.memory_space<hbm>> -> memref<32x128xf32, #tpu.memory_space<hbm>>
      %dma_start3A_115 = arith.constant 0 : i32
      %dma_start3A_116 = arith.constant 256 : i32
      %dma_start3A_117 = tpu.memref_slice %arg11[%dma_start3A_115, %dma_start3A_116] : memref<32x1024xf32, #tpu.memory_space<vmem>> -> memref<32x128xf32, #tpu.memory_space<vmem>>
      %dma_start3A_118 = arith.constant 0 : i32
      %dma_start3A_119 = tpu.memref_slice %arg4[%dma_start3A_118, %multiple_of3A_104] : memref<32x1000000xf32, #tpu.memory_space<hbm>> -> memref<32x128xf32, #tpu.memory_space<hbm>>
      tpu.enqueue_dma source(%dma_start3A_119 : memref<32x128xf32, #tpu.memory_space<hbm>>) target(%dma_start3A_117 : memref<32x128xf32, #tpu.memory_space<vmem>>) target_semaphore(%arg18 : memref<!tpu.dma_semaphore, #tpu.memory_space<semaphore_mem>>)
      %dma_start3A_120 = arith.constant 0 : i32
      %dma_start3A_121 = arith.constant 256 : i32
      %dma_start3A_122 = tpu.memref_slice %arg12[%dma_start3A_120, %dma_start3A_121] : memref<32x1024xf32, #tpu.memory_space<vmem>> -> memref<32x128xf32, #tpu.memory_space<vmem>>
      %dma_start3A_123 = arith.constant 0 : i32
      %dma_start3A_124 = tpu.memref_slice %arg5[%dma_start3A_123, %multiple_of3A_109] : memref<32x1000000xf32, #tpu.memory_space<hbm>> -> memref<32x128xf32, #tpu.memory_space<hbm>>
      %dma_start3A_125 = arith.constant 0 : i32
      %dma_start3A_126 = arith.constant 256 : i32
      %dma_start3A_127 = tpu.memref_slice %arg12[%dma_start3A_125, %dma_start3A_126] : memref<32x1024xf32, #tpu.memory_space<vmem>> -> memref<32x128xf32, #tpu.memory_space<vmem>>
      %dma_start3A_128 = arith.constant 0 : i32
      %dma_start3A_129 = tpu.memref_slice %arg5[%dma_start3A_128, %multiple_of3A_109] : memref<32x1000000xf32, #tpu.memory_space<hbm>> -> memref<32x128xf32, #tpu.memory_space<hbm>>
      tpu.enqueue_dma source(%dma_start3A_129 : memref<32x128xf32, #tpu.memory_space<hbm>>) target(%dma_start3A_127 : memref<32x128xf32, #tpu.memory_space<vmem>>) target_semaphore(%arg18 : memref<!tpu.dma_semaphore, #tpu.memory_space<semaphore_mem>>)
      %slice3A_130 = vector.extract_strided_slice %get3A_24 {offsets = [3], sizes = [1], strides = [1]} : vector<16xi32> to vector<1xi32>
      %squeeze3A_131 = vector.extract %slice3A_130[0] : i32 from vector<1xi32>
      %slice3A_132 = vector.extract_strided_slice %get3A_29 {offsets = [3], sizes = [1], strides = [1]} : vector<16xi32> to vector<1xi32>
      %squeeze3A_133 = vector.extract %slice3A_132[0] : i32 from vector<1xi32>
      %shift_right_arithmetic3A_134 = arith.constant 7 : i32
      %shift_right_arithmetic3A_135 = arith.shrsi %squeeze3A_131, %shift_right_arithmetic3A_134 : i32
      %mul3A_136 = arith.constant 128 : i32
      %mul3A_137 = arith.muli %shift_right_arithmetic3A_135, %mul3A_136 : i32
      %multiple_of3A_138 = tpu.assume_multiple %mul3A_137, 128 : i32
      %shift_right_arithmetic3A_139 = arith.constant 7 : i32
      %shift_right_arithmetic3A_140 = arith.shrsi %squeeze3A_133, %shift_right_arithmetic3A_139 : i32
      %mul3A_141 = arith.constant 128 : i32
      %mul3A_142 = arith.muli %shift_right_arithmetic3A_140, %mul3A_141 : i32
      %multiple_of3A_143 = tpu.assume_multiple %mul3A_142, 128 : i32
      %dma_start3A_144 = arith.constant 0 : i32
      %dma_start3A_145 = arith.constant 384 : i32
      %dma_start3A_146 = tpu.memref_slice %arg11[%dma_start3A_144, %dma_start3A_145] : memref<32x1024xf32, #tpu.memory_space<vmem>> -> memref<32x128xf32, #tpu.memory_space<vmem>>
      %dma_start3A_147 = arith.constant 0 : i32
      %dma_start3A_148 = tpu.memref_slice %arg4[%dma_start3A_147, %multiple_of3A_138] : memref<32x1000000xf32, #tpu.memory_space<hbm>> -> memref<32x128xf32, #tpu.memory_space<hbm>>
      %dma_start3A_149 = arith.constant 0 : i32
      %dma_start3A_150 = arith.constant 384 : i32
      %dma_start3A_151 = tpu.memref_slice %arg11[%dma_start3A_149, %dma_start3A_150] : memref<32x1024xf32, #tpu.memory_space<vmem>> -> memref<32x128xf32, #tpu.memory_space<vmem>>
      %dma_start3A_152 = arith.constant 0 : i32
      %dma_start3A_153 = tpu.memref_slice %arg4[%dma_start3A_152, %multiple_of3A_138] : memref<32x1000000xf32, #tpu.memory_space<hbm>> -> memref<32x128xf32, #tpu.memory_space<hbm>>
      tpu.enqueue_dma source(%dma_start3A_153 : memref<32x128xf32, #tpu.memory_space<hbm>>) target(%dma_start3A_151 : memref<32x128xf32, #tpu.memory_space<vmem>>) target_semaphore(%arg19 : memref<!tpu.dma_semaphore, #tpu.memory_space<semaphore_mem>>)
      %dma_start3A_154 = arith.constant 0 : i32
      %dma_start3A_155 = arith.constant 384 : i32
      %dma_start3A_156 = tpu.memref_slice %arg12[%dma_start3A_154, %dma_start3A_155] : memref<32x1024xf32, #tpu.memory_space<vmem>> -> memref<32x128xf32, #tpu.memory_space<vmem>>
      %dma_start3A_157 = arith.constant 0 : i32
      %dma_start3A_158 = tpu.memref_slice %arg5[%dma_start3A_157, %multiple_of3A_143] : memref<32x1000000xf32, #tpu.memory_space<hbm>> -> memref<32x128xf32, #tpu.memory_space<hbm>>
      %dma_start3A_159 = arith.constant 0 : i32
      %dma_start3A_160 = arith.constant 384 : i32
      %dma_start3A_161 = tpu.memref_slice %arg12[%dma_start3A_159, %dma_start3A_160] : memref<32x1024xf32, #tpu.memory_space<vmem>> -> memref<32x128xf32, #tpu.memory_space<vmem>>
      %dma_start3A_162 = arith.constant 0 : i32
      %dma_start3A_163 = tpu.memref_slice %arg5[%dma_start3A_162, %multiple_of3A_143] : memref<32x1000000xf32, #tpu.memory_space<hbm>> -> memref<32x128xf32, #tpu.memory_space<hbm>>
      tpu.enqueue_dma source(%dma_start3A_163 : memref<32x128xf32, #tpu.memory_space<hbm>>) target(%dma_start3A_161 : memref<32x128xf32, #tpu.memory_space<vmem>>) target_semaphore(%arg19 : memref<!tpu.dma_semaphore, #tpu.memory_space<semaphore_mem>>)
      %slice3A_164 = vector.extract_strided_slice %get3A_24 {offsets = [4], sizes = [1], strides = [1]} : vector<16xi32> to vector<1xi32>
      %squeeze3A_165 = vector.extract %slice3A_164[0] : i32 from vector<1xi32>
      %slice3A_166 = vector.extract_strided_slice %get3A_29 {offsets = [4], sizes = [1], strides = [1]} : vector<16xi32> to vector<1xi32>
      %squeeze3A_167 = vector.extract %slice3A_166[0] : i32 from vector<1xi32>
      %shift_right_arithmetic3A_168 = arith.constant 7 : i32
      %shift_right_arithmetic3A_169 = arith.shrsi %squeeze3A_165, %shift_right_arithmetic3A_168 : i32
      %mul3A_170 = arith.constant 128 : i32
      %mul3A_171 = arith.muli %shift_right_arithmetic3A_169, %mul3A_170 : i32
      %multiple_of3A_172 = tpu.assume_multiple %mul3A_171, 128 : i32
      %shift_right_arithmetic3A_173 = arith.constant 7 : i32
      %shift_right_arithmetic3A_174 = arith.shrsi %squeeze3A_167, %shift_right_arithmetic3A_173 : i32
      %mul3A_175 = arith.constant 128 : i32
      %mul3A_176 = arith.muli %shift_right_arithmetic3A_174, %mul3A_175 : i32
      %multiple_of3A_177 = tpu.assume_multiple %mul3A_176, 128 : i32
      %dma_start3A_178 = arith.constant 0 : i32
      %dma_start3A_179 = arith.constant 512 : i32
      %dma_start3A_180 = tpu.memref_slice %arg11[%dma_start3A_178, %dma_start3A_179] : memref<32x1024xf32, #tpu.memory_space<vmem>> -> memref<32x128xf32, #tpu.memory_space<vmem>>
      %dma_start3A_181 = arith.constant 0 : i32
      %dma_start3A_182 = tpu.memref_slice %arg4[%dma_start3A_181, %multiple_of3A_172] : memref<32x1000000xf32, #tpu.memory_space<hbm>> -> memref<32x128xf32, #tpu.memory_space<hbm>>
      %dma_start3A_183 = arith.constant 0 : i32
      %dma_start3A_184 = arith.constant 512 : i32
      %dma_start3A_185 = tpu.memref_slice %arg11[%dma_start3A_183, %dma_start3A_184] : memref<32x1024xf32, #tpu.memory_space<vmem>> -> memref<32x128xf32, #tpu.memory_space<vmem>>
      %dma_start3A_186 = arith.constant 0 : i32
      %dma_start3A_187 = tpu.memref_slice %arg4[%dma_start3A_186, %multiple_of3A_172] : memref<32x1000000xf32, #tpu.memory_space<hbm>> -> memref<32x128xf32, #tpu.memory_space<hbm>>
      tpu.enqueue_dma source(%dma_start3A_187 : memref<32x128xf32, #tpu.memory_space<hbm>>) target(%dma_start3A_185 : memref<32x128xf32, #tpu.memory_space<vmem>>) target_semaphore(%arg20 : memref<!tpu.dma_semaphore, #tpu.memory_space<semaphore_mem>>)
      %dma_start3A_188 = arith.constant 0 : i32
      %dma_start3A_189 = arith.constant 512 : i32
      %dma_start3A_190 = tpu.memref_slice %arg12[%dma_start3A_188, %dma_start3A_189] : memref<32x1024xf32, #tpu.memory_space<vmem>> -> memref<32x128xf32, #tpu.memory_space<vmem>>
      %dma_start3A_191 = arith.constant 0 : i32
      %dma_start3A_192 = tpu.memref_slice %arg5[%dma_start3A_191, %multiple_of3A_177] : memref<32x1000000xf32, #tpu.memory_space<hbm>> -> memref<32x128xf32, #tpu.memory_space<hbm>>
      %dma_start3A_193 = arith.constant 0 : i32
      %dma_start3A_194 = arith.constant 512 : i32
      %dma_start3A_195 = tpu.memref_slice %arg12[%dma_start3A_193, %dma_start3A_194] : memref<32x1024xf32, #tpu.memory_space<vmem>> -> memref<32x128xf32, #tpu.memory_space<vmem>>
      %dma_start3A_196 = arith.constant 0 : i32
      %dma_start3A_197 = tpu.memref_slice %arg5[%dma_start3A_196, %multiple_of3A_177] : memref<32x1000000xf32, #tpu.memory_space<hbm>> -> memref<32x128xf32, #tpu.memory_space<hbm>>
      tpu.enqueue_dma source(%dma_start3A_197 : memref<32x128xf32, #tpu.memory_space<hbm>>) target(%dma_start3A_195 : memref<32x128xf32, #tpu.memory_space<vmem>>) target_semaphore(%arg20 : memref<!tpu.dma_semaphore, #tpu.memory_space<semaphore_mem>>)
      %slice3A_198 = vector.extract_strided_slice %get3A_24 {offsets = [5], sizes = [1], strides = [1]} : vector<16xi32> to vector<1xi32>
      %squeeze3A_199 = vector.extract %slice3A_198[0] : i32 from vector<1xi32>
      %slice3A_200 = vector.extract_strided_slice %get3A_29 {offsets = [5], sizes = [1], strides = [1]} : vector<16xi32> to vector<1xi32>
      %squeeze3A_201 = vector.extract %slice3A_200[0] : i32 from vector<1xi32>
      %shift_right_arithmetic3A_202 = arith.constant 7 : i32
      %shift_right_arithmetic3A_203 = arith.shrsi %squeeze3A_199, %shift_right_arithmetic3A_202 : i32
      %mul3A_204 = arith.constant 128 : i32
      %mul3A_205 = arith.muli %shift_right_arithmetic3A_203, %mul3A_204 : i32
      %multiple_of3A_206 = tpu.assume_multiple %mul3A_205, 128 : i32
      %shift_right_arithmetic3A_207 = arith.constant 7 : i32
      %shift_right_arithmetic3A_208 = arith.shrsi %squeeze3A_201, %shift_right_arithmetic3A_207 : i32
      %mul3A_209 = arith.constant 128 : i32
      %mul3A_210 = arith.muli %shift_right_arithmetic3A_208, %mul3A_209 : i32
      %multiple_of3A_211 = tpu.assume_multiple %mul3A_210, 128 : i32
      %dma_start3A_212 = arith.constant 0 : i32
      %dma_start3A_213 = arith.constant 640 : i32
      %dma_start3A_214 = tpu.memref_slice %arg11[%dma_start3A_212, %dma_start3A_213] : memref<32x1024xf32, #tpu.memory_space<vmem>> -> memref<32x128xf32, #tpu.memory_space<vmem>>
      %dma_start3A_215 = arith.constant 0 : i32
      %dma_start3A_216 = tpu.memref_slice %arg4[%dma_start3A_215, %multiple_of3A_206] : memref<32x1000000xf32, #tpu.memory_space<hbm>> -> memref<32x128xf32, #tpu.memory_space<hbm>>
      %dma_start3A_217 = arith.constant 0 : i32
      %dma_start3A_218 = arith.constant 640 : i32
      %dma_start3A_219 = tpu.memref_slice %arg11[%dma_start3A_217, %dma_start3A_218] : memref<32x1024xf32, #tpu.memory_space<vmem>> -> memref<32x128xf32, #tpu.memory_space<vmem>>
      %dma_start3A_220 = arith.constant 0 : i32
      %dma_start3A_221 = tpu.memref_slice %arg4[%dma_start3A_220, %multiple_of3A_206] : memref<32x1000000xf32, #tpu.memory_space<hbm>> -> memref<32x128xf32, #tpu.memory_space<hbm>>
      tpu.enqueue_dma source(%dma_start3A_221 : memref<32x128xf32, #tpu.memory_space<hbm>>) target(%dma_start3A_219 : memref<32x128xf32, #tpu.memory_space<vmem>>) target_semaphore(%arg21 : memref<!tpu.dma_semaphore, #tpu.memory_space<semaphore_mem>>)
      %dma_start3A_222 = arith.constant 0 : i32
      %dma_start3A_223 = arith.constant 640 : i32
      %dma_start3A_224 = tpu.memref_slice %arg12[%dma_start3A_222, %dma_start3A_223] : memref<32x1024xf32, #tpu.memory_space<vmem>> -> memref<32x128xf32, #tpu.memory_space<vmem>>
      %dma_start3A_225 = arith.constant 0 : i32
      %dma_start3A_226 = tpu.memref_slice %arg5[%dma_start3A_225, %multiple_of3A_211] : memref<32x1000000xf32, #tpu.memory_space<hbm>> -> memref<32x128xf32, #tpu.memory_space<hbm>>
      %dma_start3A_227 = arith.constant 0 : i32
      %dma_start3A_228 = arith.constant 640 : i32
      %dma_start3A_229 = tpu.memref_slice %arg12[%dma_start3A_227, %dma_start3A_228] : memref<32x1024xf32, #tpu.memory_space<vmem>> -> memref<32x128xf32, #tpu.memory_space<vmem>>
      %dma_start3A_230 = arith.constant 0 : i32
      %dma_start3A_231 = tpu.memref_slice %arg5[%dma_start3A_230, %multiple_of3A_211] : memref<32x1000000xf32, #tpu.memory_space<hbm>> -> memref<32x128xf32, #tpu.memory_space<hbm>>
      tpu.enqueue_dma source(%dma_start3A_231 : memref<32x128xf32, #tpu.memory_space<hbm>>) target(%dma_start3A_229 : memref<32x128xf32, #tpu.memory_space<vmem>>) target_semaphore(%arg21 : memref<!tpu.dma_semaphore, #tpu.memory_space<semaphore_mem>>)
      %slice3A_232 = vector.extract_strided_slice %get3A_24 {offsets = [6], sizes = [1], strides = [1]} : vector<16xi32> to vector<1xi32>
      %squeeze3A_233 = vector.extract %slice3A_232[0] : i32 from vector<1xi32>
      %slice3A_234 = vector.extract_strided_slice %get3A_29 {offsets = [6], sizes = [1], strides = [1]} : vector<16xi32> to vector<1xi32>
      %squeeze3A_235 = vector.extract %slice3A_234[0] : i32 from vector<1xi32>
      %shift_right_arithmetic3A_236 = arith.constant 7 : i32
      %shift_right_arithmetic3A_237 = arith.shrsi %squeeze3A_233, %shift_right_arithmetic3A_236 : i32
      %mul3A_238 = arith.constant 128 : i32
      %mul3A_239 = arith.muli %shift_right_arithmetic3A_237, %mul3A_238 : i32
      %multiple_of3A_240 = tpu.assume_multiple %mul3A_239, 128 : i32
      %shift_right_arithmetic3A_241 = arith.constant 7 : i32
      %shift_right_arithmetic3A_242 = arith.shrsi %squeeze3A_235, %shift_right_arithmetic3A_241 : i32
      %mul3A_243 = arith.constant 128 : i32
      %mul3A_244 = arith.muli %shift_right_arithmetic3A_242, %mul3A_243 : i32
      %multiple_of3A_245 = tpu.assume_multiple %mul3A_244, 128 : i32
      %dma_start3A_246 = arith.constant 0 : i32
      %dma_start3A_247 = arith.constant 768 : i32
      %dma_start3A_248 = tpu.memref_slice %arg11[%dma_start3A_246, %dma_start3A_247] : memref<32x1024xf32, #tpu.memory_space<vmem>> -> memref<32x128xf32, #tpu.memory_space<vmem>>
      %dma_start3A_249 = arith.constant 0 : i32
      %dma_start3A_250 = tpu.memref_slice %arg4[%dma_start3A_249, %multiple_of3A_240] : memref<32x1000000xf32, #tpu.memory_space<hbm>> -> memref<32x128xf32, #tpu.memory_space<hbm>>
      %dma_start3A_251 = arith.constant 0 : i32
      %dma_start3A_252 = arith.constant 768 : i32
      %dma_start3A_253 = tpu.memref_slice %arg11[%dma_start3A_251, %dma_start3A_252] : memref<32x1024xf32, #tpu.memory_space<vmem>> -> memref<32x128xf32, #tpu.memory_space<vmem>>
      %dma_start3A_254 = arith.constant 0 : i32
      %dma_start3A_255 = tpu.memref_slice %arg4[%dma_start3A_254, %multiple_of3A_240] : memref<32x1000000xf32, #tpu.memory_space<hbm>> -> memref<32x128xf32, #tpu.memory_space<hbm>>
      tpu.enqueue_dma source(%dma_start3A_255 : memref<32x128xf32, #tpu.memory_space<hbm>>) target(%dma_start3A_253 : memref<32x128xf32, #tpu.memory_space<vmem>>) target_semaphore(%arg22 : memref<!tpu.dma_semaphore, #tpu.memory_space<semaphore_mem>>)
      %dma_start3A_256 = arith.constant 0 : i32
      %dma_start3A_257 = arith.constant 768 : i32
      %dma_start3A_258 = tpu.memref_slice %arg12[%dma_start3A_256, %dma_start3A_257] : memref<32x1024xf32, #tpu.memory_space<vmem>> -> memref<32x128xf32, #tpu.memory_space<vmem>>
      %dma_start3A_259 = arith.constant 0 : i32
      %dma_start3A_260 = tpu.memref_slice %arg5[%dma_start3A_259, %multiple_of3A_245] : memref<32x1000000xf32, #tpu.memory_space<hbm>> -> memref<32x128xf32, #tpu.memory_space<hbm>>
      %dma_start3A_261 = arith.constant 0 : i32
      %dma_start3A_262 = arith.constant 768 : i32
      %dma_start3A_263 = tpu.memref_slice %arg12[%dma_start3A_261, %dma_start3A_262] : memref<32x1024xf32, #tpu.memory_space<vmem>> -> memref<32x128xf32, #tpu.memory_space<vmem>>
      %dma_start3A_264 = arith.constant 0 : i32
      %dma_start3A_265 = tpu.memref_slice %arg5[%dma_start3A_264, %multiple_of3A_245] : memref<32x1000000xf32, #tpu.memory_space<hbm>> -> memref<32x128xf32, #tpu.memory_space<hbm>>
      tpu.enqueue_dma source(%dma_start3A_265 : memref<32x128xf32, #tpu.memory_space<hbm>>) target(%dma_start3A_263 : memref<32x128xf32, #tpu.memory_space<vmem>>) target_semaphore(%arg22 : memref<!tpu.dma_semaphore, #tpu.memory_space<semaphore_mem>>)
      %slice3A_266 = vector.extract_strided_slice %get3A_24 {offsets = [7], sizes = [1], strides = [1]} : vector<16xi32> to vector<1xi32>
      %squeeze3A_267 = vector.extract %slice3A_266[0] : i32 from vector<1xi32>
      %slice3A_268 = vector.extract_strided_slice %get3A_29 {offsets = [7], sizes = [1], strides = [1]} : vector<16xi32> to vector<1xi32>
      %squeeze3A_269 = vector.extract %slice3A_268[0] : i32 from vector<1xi32>
      %shift_right_arithmetic3A_270 = arith.constant 7 : i32
      %shift_right_arithmetic3A_271 = arith.shrsi %squeeze3A_267, %shift_right_arithmetic3A_270 : i32
      %mul3A_272 = arith.constant 128 : i32
      %mul3A_273 = arith.muli %shift_right_arithmetic3A_271, %mul3A_272 : i32
      %multiple_of3A_274 = tpu.assume_multiple %mul3A_273, 128 : i32
      %shift_right_arithmetic3A_275 = arith.constant 7 : i32
      %shift_right_arithmetic3A_276 = arith.shrsi %squeeze3A_269, %shift_right_arithmetic3A_275 : i32
      %mul3A_277 = arith.constant 128 : i32
      %mul3A_278 = arith.muli %shift_right_arithmetic3A_276, %mul3A_277 : i32
      %multiple_of3A_279 = tpu.assume_multiple %mul3A_278, 128 : i32
      %dma_start3A_280 = arith.constant 0 : i32
      %dma_start3A_281 = arith.constant 896 : i32
      %dma_start3A_282 = tpu.memref_slice %arg11[%dma_start3A_280, %dma_start3A_281] : memref<32x1024xf32, #tpu.memory_space<vmem>> -> memref<32x128xf32, #tpu.memory_space<vmem>>
      %dma_start3A_283 = arith.constant 0 : i32
      %dma_start3A_284 = tpu.memref_slice %arg4[%dma_start3A_283, %multiple_of3A_274] : memref<32x1000000xf32, #tpu.memory_space<hbm>> -> memref<32x128xf32, #tpu.memory_space<hbm>>
      %dma_start3A_285 = arith.constant 0 : i32
      %dma_start3A_286 = arith.constant 896 : i32
      %dma_start3A_287 = tpu.memref_slice %arg11[%dma_start3A_285, %dma_start3A_286] : memref<32x1024xf32, #tpu.memory_space<vmem>> -> memref<32x128xf32, #tpu.memory_space<vmem>>
      %dma_start3A_288 = arith.constant 0 : i32
      %dma_start3A_289 = tpu.memref_slice %arg4[%dma_start3A_288, %multiple_of3A_274] : memref<32x1000000xf32, #tpu.memory_space<hbm>> -> memref<32x128xf32, #tpu.memory_space<hbm>>
      tpu.enqueue_dma source(%dma_start3A_289 : memref<32x128xf32, #tpu.memory_space<hbm>>) target(%dma_start3A_287 : memref<32x128xf32, #tpu.memory_space<vmem>>) target_semaphore(%arg23 : memref<!tpu.dma_semaphore, #tpu.memory_space<semaphore_mem>>)
      %dma_start3A_290 = arith.constant 0 : i32
      %dma_start3A_291 = arith.constant 896 : i32
      %dma_start3A_292 = tpu.memref_slice %arg12[%dma_start3A_290, %dma_start3A_291] : memref<32x1024xf32, #tpu.memory_space<vmem>> -> memref<32x128xf32, #tpu.memory_space<vmem>>
      %dma_start3A_293 = arith.constant 0 : i32
      %dma_start3A_294 = tpu.memref_slice %arg5[%dma_start3A_293, %multiple_of3A_279] : memref<32x1000000xf32, #tpu.memory_space<hbm>> -> memref<32x128xf32, #tpu.memory_space<hbm>>
      %dma_start3A_295 = arith.constant 0 : i32
      %dma_start3A_296 = arith.constant 896 : i32
      %dma_start3A_297 = tpu.memref_slice %arg12[%dma_start3A_295, %dma_start3A_296] : memref<32x1024xf32, #tpu.memory_space<vmem>> -> memref<32x128xf32, #tpu.memory_space<vmem>>
      %dma_start3A_298 = arith.constant 0 : i32
      %dma_start3A_299 = tpu.memref_slice %arg5[%dma_start3A_298, %multiple_of3A_279] : memref<32x1000000xf32, #tpu.memory_space<hbm>> -> memref<32x128xf32, #tpu.memory_space<hbm>>
      tpu.enqueue_dma source(%dma_start3A_299 : memref<32x128xf32, #tpu.memory_space<hbm>>) target(%dma_start3A_297 : memref<32x128xf32, #tpu.memory_space<vmem>>) target_semaphore(%arg23 : memref<!tpu.dma_semaphore, #tpu.memory_space<semaphore_mem>>)
      %dma_wait3A = arith.constant 0 : i32
      %dma_wait3A_300 = arith.constant 0 : i32
      %dma_wait3A_301 = tpu.memref_slice %arg11[%dma_wait3A, %dma_wait3A_300] : memref<32x1024xf32, #tpu.memory_space<vmem>> -> memref<32x128xf32, #tpu.memory_space<vmem>>
      %dma_wait3A_302 = arith.constant 0 : i32
      %dma_wait3A_303 = arith.constant 0 : i32
      %dma_wait3A_304 = tpu.memref_slice %arg4[%dma_wait3A_302, %dma_wait3A_303] : memref<32x1000000xf32, #tpu.memory_space<hbm>> -> memref<32x128xf32, #tpu.memory_space<hbm>>
      %dma_wait3A_305 = arith.constant 0 : i32
      %dma_wait3A_306 = arith.constant 0 : i32
      %dma_wait3A_307 = tpu.memref_slice %arg11[%dma_wait3A_305, %dma_wait3A_306] : memref<32x1024xf32, #tpu.memory_space<vmem>> -> memref<32x128xf32, #tpu.memory_space<vmem>>
      %dma_wait3A_308 = arith.constant 0 : i32
      %dma_wait3A_309 = arith.constant 0 : i32
      %dma_wait3A_310 = tpu.memref_slice %arg4[%dma_wait3A_308, %dma_wait3A_309] : memref<32x1000000xf32, #tpu.memory_space<hbm>> -> memref<32x128xf32, #tpu.memory_space<hbm>>
      tpu.wait_dma2 semaphore(%arg16 : memref<!tpu.dma_semaphore, #tpu.memory_space<semaphore_mem>>) src(%dma_wait3A_310 : memref<32x128xf32, #tpu.memory_space<hbm>>) dst(%dma_wait3A_307 : memref<32x128xf32, #tpu.memory_space<vmem>>)
      %dma_wait3A_311 = arith.constant 0 : i32
      %dma_wait3A_312 = arith.constant 0 : i32
      %dma_wait3A_313 = tpu.memref_slice %arg12[%dma_wait3A_311, %dma_wait3A_312] : memref<32x1024xf32, #tpu.memory_space<vmem>> -> memref<32x128xf32, #tpu.memory_space<vmem>>
      %dma_wait3A_314 = arith.constant 0 : i32
      %dma_wait3A_315 = arith.constant 0 : i32
      %dma_wait3A_316 = tpu.memref_slice %arg5[%dma_wait3A_314, %dma_wait3A_315] : memref<32x1000000xf32, #tpu.memory_space<hbm>> -> memref<32x128xf32, #tpu.memory_space<hbm>>
      %dma_wait3A_317 = arith.constant 0 : i32
      %dma_wait3A_318 = arith.constant 0 : i32
      %dma_wait3A_319 = tpu.memref_slice %arg12[%dma_wait3A_317, %dma_wait3A_318] : memref<32x1024xf32, #tpu.memory_space<vmem>> -> memref<32x128xf32, #tpu.memory_space<vmem>>
      %dma_wait3A_320 = arith.constant 0 : i32
      %dma_wait3A_321 = arith.constant 0 : i32
      %dma_wait3A_322 = tpu.memref_slice %arg5[%dma_wait3A_320, %dma_wait3A_321] : memref<32x1000000xf32, #tpu.memory_space<hbm>> -> memref<32x128xf32, #tpu.memory_space<hbm>>
      tpu.wait_dma2 semaphore(%arg16 : memref<!tpu.dma_semaphore, #tpu.memory_space<semaphore_mem>>) src(%dma_wait3A_322 : memref<32x128xf32, #tpu.memory_space<hbm>>) dst(%dma_wait3A_319 : memref<32x128xf32, #tpu.memory_space<vmem>>)
      %broadcast_in_dim3A_323 = arith.constant 0 : i32
      %broadcast_in_dim3A_324 = vector.broadcast %broadcast_in_dim3A_323 : i32 to vector<16xi32>
      %slice3A_325 = vector.extract_strided_slice %get3A_24 {offsets = [0], sizes = [1], strides = [1]} : vector<16xi32> to vector<1xi32>
      %squeeze3A_326 = vector.extract %slice3A_325[0] : i32 from vector<1xi32>
      %and3A = arith.constant 127 : i32
      %and3A_327 = arith.andi %squeeze3A_326, %and3A : i32
      %add3A_328 = vector.broadcast %and3A_327 : i32 to vector<16xi32>
      %add3A_329 = arith.addi %broadcast_in_dim3A_324, %add3A_328 : vector<16xi32>
      %broadcast_in_dim3A_330 = arith.constant 0 : i32
      %broadcast_in_dim3A_331 = vector.broadcast %broadcast_in_dim3A_330 : i32 to vector<16xi32>
      %slice3A_332 = vector.extract_strided_slice %get3A_29 {offsets = [0], sizes = [1], strides = [1]} : vector<16xi32> to vector<1xi32>
      %squeeze3A_333 = vector.extract %slice3A_332[0] : i32 from vector<1xi32>
      %and3A_334 = arith.constant 127 : i32
      %and3A_335 = arith.andi %squeeze3A_333, %and3A_334 : i32
      %add3A_336 = vector.broadcast %and3A_335 : i32 to vector<16xi32>
      %add3A_337 = arith.addi %broadcast_in_dim3A_331, %add3A_336 : vector<16xi32>
      %gather3A = tpu.vector_load_idx %arg11[%iota3A_12, %add3A_329] : memref<32x1024xf32, #tpu.memory_space<vmem>>[vector<16xi32>, vector<16xi32>], vector<16xf32>,
      %gather3A_338 = tpu.vector_load_idx %arg11[%add3A_15, %add3A_329] : memref<32x1024xf32, #tpu.memory_space<vmem>>[vector<16xi32>, vector<16xi32>], vector<16xf32>,
      %gather3A_339 = tpu.vector_load_idx %arg12[%iota3A_12, %add3A_337] : memref<32x1024xf32, #tpu.memory_space<vmem>>[vector<16xi32>, vector<16xi32>], vector<16xf32>,
      %gather3A_340 = tpu.vector_load_idx %arg12[%add3A_15, %add3A_337] : memref<32x1024xf32, #tpu.memory_space<vmem>>[vector<16xi32>, vector<16xi32>], vector<16xf32>,
      %mul3A_341 = arith.mulf %gather3A, %gather3A_339 : vector<16xf32>
      %mul3A_342 = arith.mulf %mul3A_341, %get3A_5 : vector<16xf32>
      %mul3A_343 = arith.mulf %gather3A_338, %gather3A_340 : vector<16xf32>
      %mul3A_344 = arith.mulf %mul3A_343, %get3A_9 : vector<16xf32>
      %add3A_345 = arith.addf %mul3A_342, %mul3A_344 : vector<16xf32>
      %eq3A = arith.constant 0 : i32
      %eq3A_346 = vector.broadcast %eq3A : i32 to vector<16xi32>
      %eq3A_347 = arith.cmpi eq, %iota3A, %eq3A_346 : vector<16xi32>
      %reduce_sum3A = arith.constant true
      %reduce_sum3A_348 = vector.broadcast %reduce_sum3A : i1 to vector<16xi1>
      %reduce_sum3A_349 = tpu.scan <sum>, %add3A_345 masked %reduce_sum3A_348 : vector<16xf32>, vector<16xi1> -> vector<16xf32>
      %reduce_sum3A_350 = vector.extract %reduce_sum3A_349[15] : f32 from vector<16xf32>
      %add3A_351 = vector.broadcast %reduce_sum3A_350 : f32 to vector<16xf32>
      %add3A_352 = arith.addf %broadcast_in_dim3A, %add3A_351 : vector<16xf32>
      %select_n3A = arith.select %eq3A_347, %add3A_352, %broadcast_in_dim3A : vector<16xi1>, vector<16xf32>
      %slice3A_353 = vector.extract_strided_slice %get3A_24 {offsets = [8], sizes = [1], strides = [1]} : vector<16xi32> to vector<1xi32>
      %squeeze3A_354 = vector.extract %slice3A_353[0] : i32 from vector<1xi32>
      %slice3A_355 = vector.extract_strided_slice %get3A_29 {offsets = [8], sizes = [1], strides = [1]} : vector<16xi32> to vector<1xi32>
      %squeeze3A_356 = vector.extract %slice3A_355[0] : i32 from vector<1xi32>
      %shift_right_arithmetic3A_357 = arith.constant 7 : i32
      %shift_right_arithmetic3A_358 = arith.shrsi %squeeze3A_354, %shift_right_arithmetic3A_357 : i32
      %mul3A_359 = arith.constant 128 : i32
      %mul3A_360 = arith.muli %shift_right_arithmetic3A_358, %mul3A_359 : i32
      %multiple_of3A_361 = tpu.assume_multiple %mul3A_360, 128 : i32
      %shift_right_arithmetic3A_362 = arith.constant 7 : i32
      %shift_right_arithmetic3A_363 = arith.shrsi %squeeze3A_356, %shift_right_arithmetic3A_362 : i32
      %mul3A_364 = arith.constant 128 : i32
      %mul3A_365 = arith.muli %shift_right_arithmetic3A_363, %mul3A_364 : i32
      %multiple_of3A_366 = tpu.assume_multiple %mul3A_365, 128 : i32
      %dma_start3A_367 = arith.constant 0 : i32
      %dma_start3A_368 = arith.constant 0 : i32
      %dma_start3A_369 = tpu.memref_slice %arg11[%dma_start3A_367, %dma_start3A_368] : memref<32x1024xf32, #tpu.memory_space<vmem>> -> memref<32x128xf32, #tpu.memory_space<vmem>>
      %dma_start3A_370 = arith.constant 0 : i32
      %dma_start3A_371 = tpu.memref_slice %arg4[%dma_start3A_370, %multiple_of3A_361] : memref<32x1000000xf32, #tpu.memory_space<hbm>> -> memref<32x128xf32, #tpu.memory_space<hbm>>
      %dma_start3A_372 = arith.constant 0 : i32
      %dma_start3A_373 = arith.constant 0 : i32
      %dma_start3A_374 = tpu.memref_slice %arg11[%dma_start3A_372, %dma_start3A_373] : memref<32x1024xf32, #tpu.memory_space<vmem>> -> memref<32x128xf32, #tpu.memory_space<vmem>>
      %dma_start3A_375 = arith.constant 0 : i32
      %dma_start3A_376 = tpu.memref_slice %arg4[%dma_start3A_375, %multiple_of3A_361] : memref<32x1000000xf32, #tpu.memory_space<hbm>> -> memref<32x128xf32, #tpu.memory_space<hbm>>
      tpu.enqueue_dma source(%dma_start3A_376 : memref<32x128xf32, #tpu.memory_space<hbm>>) target(%dma_start3A_374 : memref<32x128xf32, #tpu.memory_space<vmem>>) target_semaphore(%arg16 : memref<!tpu.dma_semaphore, #tpu.memory_space<semaphore_mem>>)
      %dma_start3A_377 = arith.constant 0 : i32
      %dma_start3A_378 = arith.constant 0 : i32
      %dma_start3A_379 = tpu.memref_slice %arg12[%dma_start3A_377, %dma_start3A_378] : memref<32x1024xf32, #tpu.memory_space<vmem>> -> memref<32x128xf32, #tpu.memory_space<vmem>>
      %dma_start3A_380 = arith.constant 0 : i32
      %dma_start3A_381 = tpu.memref_slice %arg5[%dma_start3A_380, %multiple_of3A_366] : memref<32x1000000xf32, #tpu.memory_space<hbm>> -> memref<32x128xf32, #tpu.memory_space<hbm>>
      %dma_start3A_382 = arith.constant 0 : i32
      %dma_start3A_383 = arith.constant 0 : i32
      %dma_start3A_384 = tpu.memref_slice %arg12[%dma_start3A_382, %dma_start3A_383] : memref<32x1024xf32, #tpu.memory_space<vmem>> -> memref<32x128xf32, #tpu.memory_space<vmem>>
      %dma_start3A_385 = arith.constant 0 : i32
      %dma_start3A_386 = tpu.memref_slice %arg5[%dma_start3A_385, %multiple_of3A_366] : memref<32x1000000xf32, #tpu.memory_space<hbm>> -> memref<32x128xf32, #tpu.memory_space<hbm>>
      tpu.enqueue_dma source(%dma_start3A_386 : memref<32x128xf32, #tpu.memory_space<hbm>>) target(%dma_start3A_384 : memref<32x128xf32, #tpu.memory_space<vmem>>) target_semaphore(%arg16 : memref<!tpu.dma_semaphore, #tpu.memory_space<semaphore_mem>>)
      %dma_wait3A_387 = arith.constant 0 : i32
      %dma_wait3A_388 = arith.constant 128 : i32
      %dma_wait3A_389 = tpu.memref_slice %arg11[%dma_wait3A_387, %dma_wait3A_388] : memref<32x1024xf32, #tpu.memory_space<vmem>> -> memref<32x128xf32, #tpu.memory_space<vmem>>
      %dma_wait3A_390 = arith.constant 0 : i32
      %dma_wait3A_391 = arith.constant 0 : i32
      %dma_wait3A_392 = tpu.memref_slice %arg4[%dma_wait3A_390, %dma_wait3A_391] : memref<32x1000000xf32, #tpu.memory_space<hbm>> -> memref<32x128xf32, #tpu.memory_space<hbm>>
      %dma_wait3A_393 = arith.constant 0 : i32
      %dma_wait3A_394 = arith.constant 128 : i32
      %dma_wait3A_395 = tpu.memref_slice %arg11[%dma_wait3A_393, %dma_wait3A_394] : memref<32x1024xf32, #tpu.memory_space<vmem>> -> memref<32x128xf32, #tpu.memory_space<vmem>>
      %dma_wait3A_396 = arith.constant 0 : i32
      %dma_wait3A_397 = arith.constant 0 : i32
      %dma_wait3A_398 = tpu.memref_slice %arg4[%dma_wait3A_396, %dma_wait3A_397] : memref<32x1000000xf32, #tpu.memory_space<hbm>> -> memref<32x128xf32, #tpu.memory_space<hbm>>
      tpu.wait_dma2 semaphore(%arg17 : memref<!tpu.dma_semaphore, #tpu.memory_space<semaphore_mem>>) src(%dma_wait3A_398 : memref<32x128xf32, #tpu.memory_space<hbm>>) dst(%dma_wait3A_395 : memref<32x128xf32, #tpu.memory_space<vmem>>)
      %dma_wait3A_399 = arith.constant 0 : i32
      %dma_wait3A_400 = arith.constant 128 : i32
      %dma_wait3A_401 = tpu.memref_slice %arg12[%dma_wait3A_399, %dma_wait3A_400] : memref<32x1024xf32, #tpu.memory_space<vmem>> -> memref<32x128xf32, #tpu.memory_space<vmem>>
      %dma_wait3A_402 = arith.constant 0 : i32
      %dma_wait3A_403 = arith.constant 0 : i32
      %dma_wait3A_404 = tpu.memref_slice %arg5[%dma_wait3A_402, %dma_wait3A_403] : memref<32x1000000xf32, #tpu.memory_space<hbm>> -> memref<32x128xf32, #tpu.memory_space<hbm>>
      %dma_wait3A_405 = arith.constant 0 : i32
      %dma_wait3A_406 = arith.constant 128 : i32
      %dma_wait3A_407 = tpu.memref_slice %arg12[%dma_wait3A_405, %dma_wait3A_406] : memref<32x1024xf32, #tpu.memory_space<vmem>> -> memref<32x128xf32, #tpu.memory_space<vmem>>
      %dma_wait3A_408 = arith.constant 0 : i32
      %dma_wait3A_409 = arith.constant 0 : i32
      %dma_wait3A_410 = tpu.memref_slice %arg5[%dma_wait3A_408, %dma_wait3A_409] : memref<32x1000000xf32, #tpu.memory_space<hbm>> -> memref<32x128xf32, #tpu.memory_space<hbm>>
      tpu.wait_dma2 semaphore(%arg17 : memref<!tpu.dma_semaphore, #tpu.memory_space<semaphore_mem>>) src(%dma_wait3A_410 : memref<32x128xf32, #tpu.memory_space<hbm>>) dst(%dma_wait3A_407 : memref<32x128xf32, #tpu.memory_space<vmem>>)
      %broadcast_in_dim3A_411 = arith.constant 128 : i32
      %broadcast_in_dim3A_412 = vector.broadcast %broadcast_in_dim3A_411 : i32 to vector<16xi32>
      %slice3A_413 = vector.extract_strided_slice %get3A_24 {offsets = [1], sizes = [1], strides = [1]} : vector<16xi32> to vector<1xi32>
      %squeeze3A_414 = vector.extract %slice3A_413[0] : i32 from vector<1xi32>
      %and3A_415 = arith.constant 127 : i32
      %and3A_416 = arith.andi %squeeze3A_414, %and3A_415 : i32
      %add3A_417 = vector.broadcast %and3A_416 : i32 to vector<16xi32>
      %add3A_418 = arith.addi %broadcast_in_dim3A_412, %add3A_417 : vector<16xi32>
      %broadcast_in_dim3A_419 = arith.constant 128 : i32
      %broadcast_in_dim3A_420 = vector.broadcast %broadcast_in_dim3A_419 : i32 to vector<16xi32>
      %slice3A_421 = vector.extract_strided_slice %get3A_29 {offsets = [1], sizes = [1], strides = [1]} : vector<16xi32> to vector<1xi32>
      %squeeze3A_422 = vector.extract %slice3A_421[0] : i32 from vector<1xi32>
      %and3A_423 = arith.constant 127 : i32
      %and3A_424 = arith.andi %squeeze3A_422, %and3A_423 : i32
      %add3A_425 = vector.broadcast %and3A_424 : i32 to vector<16xi32>
      %add3A_426 = arith.addi %broadcast_in_dim3A_420, %add3A_425 : vector<16xi32>
      %gather3A_427 = tpu.vector_load_idx %arg11[%iota3A_12, %add3A_418] : memref<32x1024xf32, #tpu.memory_space<vmem>>[vector<16xi32>, vector<16xi32>], vector<16xf32>,
      %gather3A_428 = tpu.vector_load_idx %arg11[%add3A_15, %add3A_418] : memref<32x1024xf32, #tpu.memory_space<vmem>>[vector<16xi32>, vector<16xi32>], vector<16xf32>,
      %gather3A_429 = tpu.vector_load_idx %arg12[%iota3A_12, %add3A_426] : memref<32x1024xf32, #tpu.memory_space<vmem>>[vector<16xi32>, vector<16xi32>], vector<16xf32>,
      %gather3A_430 = tpu.vector_load_idx %arg12[%add3A_15, %add3A_426] : memref<32x1024xf32, #tpu.memory_space<vmem>>[vector<16xi32>, vector<16xi32>], vector<16xf32>,
      %mul3A_431 = arith.mulf %gather3A_427, %gather3A_429 : vector<16xf32>
      %mul3A_432 = arith.mulf %mul3A_431, %get3A_5 : vector<16xf32>
      %mul3A_433 = arith.mulf %gather3A_428, %gather3A_430 : vector<16xf32>
      %mul3A_434 = arith.mulf %mul3A_433, %get3A_9 : vector<16xf32>
      %add3A_435 = arith.addf %mul3A_432, %mul3A_434 : vector<16xf32>
      %eq3A_436 = arith.constant 1 : i32
      %eq3A_437 = vector.broadcast %eq3A_436 : i32 to vector<16xi32>
      %eq3A_438 = arith.cmpi eq, %iota3A, %eq3A_437 : vector<16xi32>
      %reduce_sum3A_439 = arith.constant true
      %reduce_sum3A_440 = vector.broadcast %reduce_sum3A_439 : i1 to vector<16xi1>
      %reduce_sum3A_441 = tpu.scan <sum>, %add3A_435 masked %reduce_sum3A_440 : vector<16xf32>, vector<16xi1> -> vector<16xf32>
      %reduce_sum3A_442 = vector.extract %reduce_sum3A_441[15] : f32 from vector<16xf32>
      %add3A_443 = vector.broadcast %reduce_sum3A_442 : f32 to vector<16xf32>
      %add3A_444 = arith.addf %broadcast_in_dim3A, %add3A_443 : vector<16xf32>
      %select_n3A_445 = arith.select %eq3A_438, %add3A_444, %select_n3A : vector<16xi1>, vector<16xf32>
      %slice3A_446 = vector.extract_strided_slice %get3A_24 {offsets = [9], sizes = [1], strides = [1]} : vector<16xi32> to vector<1xi32>
      %squeeze3A_447 = vector.extract %slice3A_446[0] : i32 from vector<1xi32>
      %slice3A_448 = vector.extract_strided_slice %get3A_29 {offsets = [9], sizes = [1], strides = [1]} : vector<16xi32> to vector<1xi32>
      %squeeze3A_449 = vector.extract %slice3A_448[0] : i32 from vector<1xi32>
      %shift_right_arithmetic3A_450 = arith.constant 7 : i32
      %shift_right_arithmetic3A_451 = arith.shrsi %squeeze3A_447, %shift_right_arithmetic3A_450 : i32
      %mul3A_452 = arith.constant 128 : i32
      %mul3A_453 = arith.muli %shift_right_arithmetic3A_451, %mul3A_452 : i32
      %multiple_of3A_454 = tpu.assume_multiple %mul3A_453, 128 : i32
      %shift_right_arithmetic3A_455 = arith.constant 7 : i32
      %shift_right_arithmetic3A_456 = arith.shrsi %squeeze3A_449, %shift_right_arithmetic3A_455 : i32
      %mul3A_457 = arith.constant 128 : i32
      %mul3A_458 = arith.muli %shift_right_arithmetic3A_456, %mul3A_457 : i32
      %multiple_of3A_459 = tpu.assume_multiple %mul3A_458, 128 : i32
      %dma_start3A_460 = arith.constant 0 : i32
      %dma_start3A_461 = arith.constant 128 : i32
      %dma_start3A_462 = tpu.memref_slice %arg11[%dma_start3A_460, %dma_start3A_461] : memref<32x1024xf32, #tpu.memory_space<vmem>> -> memref<32x128xf32, #tpu.memory_space<vmem>>
      %dma_start3A_463 = arith.constant 0 : i32
      %dma_start3A_464 = tpu.memref_slice %arg4[%dma_start3A_463, %multiple_of3A_454] : memref<32x1000000xf32, #tpu.memory_space<hbm>> -> memref<32x128xf32, #tpu.memory_space<hbm>>
      %dma_start3A_465 = arith.constant 0 : i32
      %dma_start3A_466 = arith.constant 128 : i32
      %dma_start3A_467 = tpu.memref_slice %arg11[%dma_start3A_465, %dma_start3A_466] : memref<32x1024xf32, #tpu.memory_space<vmem>> -> memref<32x128xf32, #tpu.memory_space<vmem>>
      %dma_start3A_468 = arith.constant 0 : i32
      %dma_start3A_469 = tpu.memref_slice %arg4[%dma_start3A_468, %multiple_of3A_454] : memref<32x1000000xf32, #tpu.memory_space<hbm>> -> memref<32x128xf32, #tpu.memory_space<hbm>>
      tpu.enqueue_dma source(%dma_start3A_469 : memref<32x128xf32, #tpu.memory_space<hbm>>) target(%dma_start3A_467 : memref<32x128xf32, #tpu.memory_space<vmem>>) target_semaphore(%arg17 : memref<!tpu.dma_semaphore, #tpu.memory_space<semaphore_mem>>)
      %dma_start3A_470 = arith.constant 0 : i32
      %dma_start3A_471 = arith.constant 128 : i32
      %dma_start3A_472 = tpu.memref_slice %arg12[%dma_start3A_470, %dma_start3A_471] : memref<32x1024xf32, #tpu.memory_space<vmem>> -> memref<32x128xf32, #tpu.memory_space<vmem>>
      %dma_start3A_473 = arith.constant 0 : i32
      %dma_start3A_474 = tpu.memref_slice %arg5[%dma_start3A_473, %multiple_of3A_459] : memref<32x1000000xf32, #tpu.memory_space<hbm>> -> memref<32x128xf32, #tpu.memory_space<hbm>>
      %dma_start3A_475 = arith.constant 0 : i32
      %dma_start3A_476 = arith.constant 128 : i32
      %dma_start3A_477 = tpu.memref_slice %arg12[%dma_start3A_475, %dma_start3A_476] : memref<32x1024xf32, #tpu.memory_space<vmem>> -> memref<32x128xf32, #tpu.memory_space<vmem>>
      %dma_start3A_478 = arith.constant 0 : i32
      %dma_start3A_479 = tpu.memref_slice %arg5[%dma_start3A_478, %multiple_of3A_459] : memref<32x1000000xf32, #tpu.memory_space<hbm>> -> memref<32x128xf32, #tpu.memory_space<hbm>>
      tpu.enqueue_dma source(%dma_start3A_479 : memref<32x128xf32, #tpu.memory_space<hbm>>) target(%dma_start3A_477 : memref<32x128xf32, #tpu.memory_space<vmem>>) target_semaphore(%arg17 : memref<!tpu.dma_semaphore, #tpu.memory_space<semaphore_mem>>)
      %dma_wait3A_480 = arith.constant 0 : i32
      %dma_wait3A_481 = arith.constant 256 : i32
      %dma_wait3A_482 = tpu.memref_slice %arg11[%dma_wait3A_480, %dma_wait3A_481] : memref<32x1024xf32, #tpu.memory_space<vmem>> -> memref<32x128xf32, #tpu.memory_space<vmem>>
      %dma_wait3A_483 = arith.constant 0 : i32
      %dma_wait3A_484 = arith.constant 0 : i32
      %dma_wait3A_485 = tpu.memref_slice %arg4[%dma_wait3A_483, %dma_wait3A_484] : memref<32x1000000xf32, #tpu.memory_space<hbm>> -> memref<32x128xf32, #tpu.memory_space<hbm>>
      %dma_wait3A_486 = arith.constant 0 : i32
      %dma_wait3A_487 = arith.constant 256 : i32
      %dma_wait3A_488 = tpu.memref_slice %arg11[%dma_wait3A_486, %dma_wait3A_487] : memref<32x1024xf32, #tpu.memory_space<vmem>> -> memref<32x128xf32, #tpu.memory_space<vmem>>
      %dma_wait3A_489 = arith.constant 0 : i32
      %dma_wait3A_490 = arith.constant 0 : i32
      %dma_wait3A_491 = tpu.memref_slice %arg4[%dma_wait3A_489, %dma_wait3A_490] : memref<32x1000000xf32, #tpu.memory_space<hbm>> -> memref<32x128xf32, #tpu.memory_space<hbm>>
      tpu.wait_dma2 semaphore(%arg18 : memref<!tpu.dma_semaphore, #tpu.memory_space<semaphore_mem>>) src(%dma_wait3A_491 : memref<32x128xf32, #tpu.memory_space<hbm>>) dst(%dma_wait3A_488 : memref<32x128xf32, #tpu.memory_space<vmem>>)
      %dma_wait3A_492 = arith.constant 0 : i32
      %dma_wait3A_493 = arith.constant 256 : i32
      %dma_wait3A_494 = tpu.memref_slice %arg12[%dma_wait3A_492, %dma_wait3A_493] : memref<32x1024xf32, #tpu.memory_space<vmem>> -> memref<32x128xf32, #tpu.memory_space<vmem>>
      %dma_wait3A_495 = arith.constant 0 : i32
      %dma_wait3A_496 = arith.constant 0 : i32
      %dma_wait3A_497 = tpu.memref_slice %arg5[%dma_wait3A_495, %dma_wait3A_496] : memref<32x1000000xf32, #tpu.memory_space<hbm>> -> memref<32x128xf32, #tpu.memory_space<hbm>>
      %dma_wait3A_498 = arith.constant 0 : i32
      %dma_wait3A_499 = arith.constant 256 : i32
      %dma_wait3A_500 = tpu.memref_slice %arg12[%dma_wait3A_498, %dma_wait3A_499] : memref<32x1024xf32, #tpu.memory_space<vmem>> -> memref<32x128xf32, #tpu.memory_space<vmem>>
      %dma_wait3A_501 = arith.constant 0 : i32
      %dma_wait3A_502 = arith.constant 0 : i32
      %dma_wait3A_503 = tpu.memref_slice %arg5[%dma_wait3A_501, %dma_wait3A_502] : memref<32x1000000xf32, #tpu.memory_space<hbm>> -> memref<32x128xf32, #tpu.memory_space<hbm>>
      tpu.wait_dma2 semaphore(%arg18 : memref<!tpu.dma_semaphore, #tpu.memory_space<semaphore_mem>>) src(%dma_wait3A_503 : memref<32x128xf32, #tpu.memory_space<hbm>>) dst(%dma_wait3A_500 : memref<32x128xf32, #tpu.memory_space<vmem>>)
      %broadcast_in_dim3A_504 = arith.constant 256 : i32
      %broadcast_in_dim3A_505 = vector.broadcast %broadcast_in_dim3A_504 : i32 to vector<16xi32>
      %slice3A_506 = vector.extract_strided_slice %get3A_24 {offsets = [2], sizes = [1], strides = [1]} : vector<16xi32> to vector<1xi32>
      %squeeze3A_507 = vector.extract %slice3A_506[0] : i32 from vector<1xi32>
      %and3A_508 = arith.constant 127 : i32
      %and3A_509 = arith.andi %squeeze3A_507, %and3A_508 : i32
      %add3A_510 = vector.broadcast %and3A_509 : i32 to vector<16xi32>
      %add3A_511 = arith.addi %broadcast_in_dim3A_505, %add3A_510 : vector<16xi32>
      %broadcast_in_dim3A_512 = arith.constant 256 : i32
      %broadcast_in_dim3A_513 = vector.broadcast %broadcast_in_dim3A_512 : i32 to vector<16xi32>
      %slice3A_514 = vector.extract_strided_slice %get3A_29 {offsets = [2], sizes = [1], strides = [1]} : vector<16xi32> to vector<1xi32>
      %squeeze3A_515 = vector.extract %slice3A_514[0] : i32 from vector<1xi32>
      %and3A_516 = arith.constant 127 : i32
      %and3A_517 = arith.andi %squeeze3A_515, %and3A_516 : i32
      %add3A_518 = vector.broadcast %and3A_517 : i32 to vector<16xi32>
      %add3A_519 = arith.addi %broadcast_in_dim3A_513, %add3A_518 : vector<16xi32>
      %gather3A_520 = tpu.vector_load_idx %arg11[%iota3A_12, %add3A_511] : memref<32x1024xf32, #tpu.memory_space<vmem>>[vector<16xi32>, vector<16xi32>], vector<16xf32>,
      %gather3A_521 = tpu.vector_load_idx %arg11[%add3A_15, %add3A_511] : memref<32x1024xf32, #tpu.memory_space<vmem>>[vector<16xi32>, vector<16xi32>], vector<16xf32>,
      %gather3A_522 = tpu.vector_load_idx %arg12[%iota3A_12, %add3A_519] : memref<32x1024xf32, #tpu.memory_space<vmem>>[vector<16xi32>, vector<16xi32>], vector<16xf32>,
      %gather3A_523 = tpu.vector_load_idx %arg12[%add3A_15, %add3A_519] : memref<32x1024xf32, #tpu.memory_space<vmem>>[vector<16xi32>, vector<16xi32>], vector<16xf32>,
      %mul3A_524 = arith.mulf %gather3A_520, %gather3A_522 : vector<16xf32>
      %mul3A_525 = arith.mulf %mul3A_524, %get3A_5 : vector<16xf32>
      %mul3A_526 = arith.mulf %gather3A_521, %gather3A_523 : vector<16xf32>
      %mul3A_527 = arith.mulf %mul3A_526, %get3A_9 : vector<16xf32>
      %add3A_528 = arith.addf %mul3A_525, %mul3A_527 : vector<16xf32>
      %eq3A_529 = arith.constant 2 : i32
      %eq3A_530 = vector.broadcast %eq3A_529 : i32 to vector<16xi32>
      %eq3A_531 = arith.cmpi eq, %iota3A, %eq3A_530 : vector<16xi32>
      %reduce_sum3A_532 = arith.constant true
      %reduce_sum3A_533 = vector.broadcast %reduce_sum3A_532 : i1 to vector<16xi1>
      %reduce_sum3A_534 = tpu.scan <sum>, %add3A_528 masked %reduce_sum3A_533 : vector<16xf32>, vector<16xi1> -> vector<16xf32>
      %reduce_sum3A_535 = vector.extract %reduce_sum3A_534[15] : f32 from vector<16xf32>
      %add3A_536 = vector.broadcast %reduce_sum3A_535 : f32 to vector<16xf32>
      %add3A_537 = arith.addf %broadcast_in_dim3A, %add3A_536 : vector<16xf32>
      %select_n3A_538 = arith.select %eq3A_531, %add3A_537, %select_n3A_445 : vector<16xi1>, vector<16xf32>
      %slice3A_539 = vector.extract_strided_slice %get3A_24 {offsets = [10], sizes = [1], strides = [1]} : vector<16xi32> to vector<1xi32>
      %squeeze3A_540 = vector.extract %slice3A_539[0] : i32 from vector<1xi32>
      %slice3A_541 = vector.extract_strided_slice %get3A_29 {offsets = [10], sizes = [1], strides = [1]} : vector<16xi32> to vector<1xi32>
      %squeeze3A_542 = vector.extract %slice3A_541[0] : i32 from vector<1xi32>
      %shift_right_arithmetic3A_543 = arith.constant 7 : i32
      %shift_right_arithmetic3A_544 = arith.shrsi %squeeze3A_540, %shift_right_arithmetic3A_543 : i32
      %mul3A_545 = arith.constant 128 : i32
      %mul3A_546 = arith.muli %shift_right_arithmetic3A_544, %mul3A_545 : i32
      %multiple_of3A_547 = tpu.assume_multiple %mul3A_546, 128 : i32
      %shift_right_arithmetic3A_548 = arith.constant 7 : i32
      %shift_right_arithmetic3A_549 = arith.shrsi %squeeze3A_542, %shift_right_arithmetic3A_548 : i32
      %mul3A_550 = arith.constant 128 : i32
      %mul3A_551 = arith.muli %shift_right_arithmetic3A_549, %mul3A_550 : i32
      %multiple_of3A_552 = tpu.assume_multiple %mul3A_551, 128 : i32
      %dma_start3A_553 = arith.constant 0 : i32
      %dma_start3A_554 = arith.constant 256 : i32
      %dma_start3A_555 = tpu.memref_slice %arg11[%dma_start3A_553, %dma_start3A_554] : memref<32x1024xf32, #tpu.memory_space<vmem>> -> memref<32x128xf32, #tpu.memory_space<vmem>>
      %dma_start3A_556 = arith.constant 0 : i32
      %dma_start3A_557 = tpu.memref_slice %arg4[%dma_start3A_556, %multiple_of3A_547] : memref<32x1000000xf32, #tpu.memory_space<hbm>> -> memref<32x128xf32, #tpu.memory_space<hbm>>
      %dma_start3A_558 = arith.constant 0 : i32
      %dma_start3A_559 = arith.constant 256 : i32
      %dma_start3A_560 = tpu.memref_slice %arg11[%dma_start3A_558, %dma_start3A_559] : memref<32x1024xf32, #tpu.memory_space<vmem>> -> memref<32x128xf32, #tpu.memory_space<vmem>>
      %dma_start3A_561 = arith.constant 0 : i32
      %dma_start3A_562 = tpu.memref_slice %arg4[%dma_start3A_561, %multiple_of3A_547] : memref<32x1000000xf32, #tpu.memory_space<hbm>> -> memref<32x128xf32, #tpu.memory_space<hbm>>
      tpu.enqueue_dma source(%dma_start3A_562 : memref<32x128xf32, #tpu.memory_space<hbm>>) target(%dma_start3A_560 : memref<32x128xf32, #tpu.memory_space<vmem>>) target_semaphore(%arg18 : memref<!tpu.dma_semaphore, #tpu.memory_space<semaphore_mem>>)
      %dma_start3A_563 = arith.constant 0 : i32
      %dma_start3A_564 = arith.constant 256 : i32
      %dma_start3A_565 = tpu.memref_slice %arg12[%dma_start3A_563, %dma_start3A_564] : memref<32x1024xf32, #tpu.memory_space<vmem>> -> memref<32x128xf32, #tpu.memory_space<vmem>>
      %dma_start3A_566 = arith.constant 0 : i32
      %dma_start3A_567 = tpu.memref_slice %arg5[%dma_start3A_566, %multiple_of3A_552] : memref<32x1000000xf32, #tpu.memory_space<hbm>> -> memref<32x128xf32, #tpu.memory_space<hbm>>
      %dma_start3A_568 = arith.constant 0 : i32
      %dma_start3A_569 = arith.constant 256 : i32
      %dma_start3A_570 = tpu.memref_slice %arg12[%dma_start3A_568, %dma_start3A_569] : memref<32x1024xf32, #tpu.memory_space<vmem>> -> memref<32x128xf32, #tpu.memory_space<vmem>>
      %dma_start3A_571 = arith.constant 0 : i32
      %dma_start3A_572 = tpu.memref_slice %arg5[%dma_start3A_571, %multiple_of3A_552] : memref<32x1000000xf32, #tpu.memory_space<hbm>> -> memref<32x128xf32, #tpu.memory_space<hbm>>
      tpu.enqueue_dma source(%dma_start3A_572 : memref<32x128xf32, #tpu.memory_space<hbm>>) target(%dma_start3A_570 : memref<32x128xf32, #tpu.memory_space<vmem>>) target_semaphore(%arg18 : memref<!tpu.dma_semaphore, #tpu.memory_space<semaphore_mem>>)
      %dma_wait3A_573 = arith.constant 0 : i32
      %dma_wait3A_574 = arith.constant 384 : i32
      %dma_wait3A_575 = tpu.memref_slice %arg11[%dma_wait3A_573, %dma_wait3A_574] : memref<32x1024xf32, #tpu.memory_space<vmem>> -> memref<32x128xf32, #tpu.memory_space<vmem>>
      %dma_wait3A_576 = arith.constant 0 : i32
      %dma_wait3A_577 = arith.constant 0 : i32
      %dma_wait3A_578 = tpu.memref_slice %arg4[%dma_wait3A_576, %dma_wait3A_577] : memref<32x1000000xf32, #tpu.memory_space<hbm>> -> memref<32x128xf32, #tpu.memory_space<hbm>>
      %dma_wait3A_579 = arith.constant 0 : i32
      %dma_wait3A_580 = arith.constant 384 : i32
      %dma_wait3A_581 = tpu.memref_slice %arg11[%dma_wait3A_579, %dma_wait3A_580] : memref<32x1024xf32, #tpu.memory_space<vmem>> -> memref<32x128xf32, #tpu.memory_space<vmem>>
      %dma_wait3A_582 = arith.constant 0 : i32
      %dma_wait3A_583 = arith.constant 0 : i32
      %dma_wait3A_584 = tpu.memref_slice %arg4[%dma_wait3A_582, %dma_wait3A_583] : memref<32x1000000xf32, #tpu.memory_space<hbm>> -> memref<32x128xf32, #tpu.memory_space<hbm>>
      tpu.wait_dma2 semaphore(%arg19 : memref<!tpu.dma_semaphore, #tpu.memory_space<semaphore_mem>>) src(%dma_wait3A_584 : memref<32x128xf32, #tpu.memory_space<hbm>>) dst(%dma_wait3A_581 : memref<32x128xf32, #tpu.memory_space<vmem>>)
      %dma_wait3A_585 = arith.constant 0 : i32
      %dma_wait3A_586 = arith.constant 384 : i32
      %dma_wait3A_587 = tpu.memref_slice %arg12[%dma_wait3A_585, %dma_wait3A_586] : memref<32x1024xf32, #tpu.memory_space<vmem>> -> memref<32x128xf32, #tpu.memory_space<vmem>>
      %dma_wait3A_588 = arith.constant 0 : i32
      %dma_wait3A_589 = arith.constant 0 : i32
      %dma_wait3A_590 = tpu.memref_slice %arg5[%dma_wait3A_588, %dma_wait3A_589] : memref<32x1000000xf32, #tpu.memory_space<hbm>> -> memref<32x128xf32, #tpu.memory_space<hbm>>
      %dma_wait3A_591 = arith.constant 0 : i32
      %dma_wait3A_592 = arith.constant 384 : i32
      %dma_wait3A_593 = tpu.memref_slice %arg12[%dma_wait3A_591, %dma_wait3A_592] : memref<32x1024xf32, #tpu.memory_space<vmem>> -> memref<32x128xf32, #tpu.memory_space<vmem>>
      %dma_wait3A_594 = arith.constant 0 : i32
      %dma_wait3A_595 = arith.constant 0 : i32
      %dma_wait3A_596 = tpu.memref_slice %arg5[%dma_wait3A_594, %dma_wait3A_595] : memref<32x1000000xf32, #tpu.memory_space<hbm>> -> memref<32x128xf32, #tpu.memory_space<hbm>>
      tpu.wait_dma2 semaphore(%arg19 : memref<!tpu.dma_semaphore, #tpu.memory_space<semaphore_mem>>) src(%dma_wait3A_596 : memref<32x128xf32, #tpu.memory_space<hbm>>) dst(%dma_wait3A_593 : memref<32x128xf32, #tpu.memory_space<vmem>>)
      %broadcast_in_dim3A_597 = arith.constant 384 : i32
      %broadcast_in_dim3A_598 = vector.broadcast %broadcast_in_dim3A_597 : i32 to vector<16xi32>
      %slice3A_599 = vector.extract_strided_slice %get3A_24 {offsets = [3], sizes = [1], strides = [1]} : vector<16xi32> to vector<1xi32>
      %squeeze3A_600 = vector.extract %slice3A_599[0] : i32 from vector<1xi32>
      %and3A_601 = arith.constant 127 : i32
      %and3A_602 = arith.andi %squeeze3A_600, %and3A_601 : i32
      %add3A_603 = vector.broadcast %and3A_602 : i32 to vector<16xi32>
      %add3A_604 = arith.addi %broadcast_in_dim3A_598, %add3A_603 : vector<16xi32>
      %broadcast_in_dim3A_605 = arith.constant 384 : i32
      %broadcast_in_dim3A_606 = vector.broadcast %broadcast_in_dim3A_605 : i32 to vector<16xi32>
      %slice3A_607 = vector.extract_strided_slice %get3A_29 {offsets = [3], sizes = [1], strides = [1]} : vector<16xi32> to vector<1xi32>
      %squeeze3A_608 = vector.extract %slice3A_607[0] : i32 from vector<1xi32>
      %and3A_609 = arith.constant 127 : i32
      %and3A_610 = arith.andi %squeeze3A_608, %and3A_609 : i32
      %add3A_611 = vector.broadcast %and3A_610 : i32 to vector<16xi32>
      %add3A_612 = arith.addi %broadcast_in_dim3A_606, %add3A_611 : vector<16xi32>
      %gather3A_613 = tpu.vector_load_idx %arg11[%iota3A_12, %add3A_604] : memref<32x1024xf32, #tpu.memory_space<vmem>>[vector<16xi32>, vector<16xi32>], vector<16xf32>,
      %gather3A_614 = tpu.vector_load_idx %arg11[%add3A_15, %add3A_604] : memref<32x1024xf32, #tpu.memory_space<vmem>>[vector<16xi32>, vector<16xi32>], vector<16xf32>,
      %gather3A_615 = tpu.vector_load_idx %arg12[%iota3A_12, %add3A_612] : memref<32x1024xf32, #tpu.memory_space<vmem>>[vector<16xi32>, vector<16xi32>], vector<16xf32>,
      %gather3A_616 = tpu.vector_load_idx %arg12[%add3A_15, %add3A_612] : memref<32x1024xf32, #tpu.memory_space<vmem>>[vector<16xi32>, vector<16xi32>], vector<16xf32>,
      %mul3A_617 = arith.mulf %gather3A_613, %gather3A_615 : vector<16xf32>
      %mul3A_618 = arith.mulf %mul3A_617, %get3A_5 : vector<16xf32>
      %mul3A_619 = arith.mulf %gather3A_614, %gather3A_616 : vector<16xf32>
      %mul3A_620 = arith.mulf %mul3A_619, %get3A_9 : vector<16xf32>
      %add3A_621 = arith.addf %mul3A_618, %mul3A_620 : vector<16xf32>
      %eq3A_622 = arith.constant 3 : i32
      %eq3A_623 = vector.broadcast %eq3A_622 : i32 to vector<16xi32>
      %eq3A_624 = arith.cmpi eq, %iota3A, %eq3A_623 : vector<16xi32>
      %reduce_sum3A_625 = arith.constant true
      %reduce_sum3A_626 = vector.broadcast %reduce_sum3A_625 : i1 to vector<16xi1>
      %reduce_sum3A_627 = tpu.scan <sum>, %add3A_621 masked %reduce_sum3A_626 : vector<16xf32>, vector<16xi1> -> vector<16xf32>
      %reduce_sum3A_628 = vector.extract %reduce_sum3A_627[15] : f32 from vector<16xf32>
      %add3A_629 = vector.broadcast %reduce_sum3A_628 : f32 to vector<16xf32>
      %add3A_630 = arith.addf %broadcast_in_dim3A, %add3A_629 : vector<16xf32>
      %select_n3A_631 = arith.select %eq3A_624, %add3A_630, %select_n3A_538 : vector<16xi1>, vector<16xf32>
      %slice3A_632 = vector.extract_strided_slice %get3A_24 {offsets = [11], sizes = [1], strides = [1]} : vector<16xi32> to vector<1xi32>
      %squeeze3A_633 = vector.extract %slice3A_632[0] : i32 from vector<1xi32>
      %slice3A_634 = vector.extract_strided_slice %get3A_29 {offsets = [11], sizes = [1], strides = [1]} : vector<16xi32> to vector<1xi32>
      %squeeze3A_635 = vector.extract %slice3A_634[0] : i32 from vector<1xi32>
      %shift_right_arithmetic3A_636 = arith.constant 7 : i32
      %shift_right_arithmetic3A_637 = arith.shrsi %squeeze3A_633, %shift_right_arithmetic3A_636 : i32
      %mul3A_638 = arith.constant 128 : i32
      %mul3A_639 = arith.muli %shift_right_arithmetic3A_637, %mul3A_638 : i32
      %multiple_of3A_640 = tpu.assume_multiple %mul3A_639, 128 : i32
      %shift_right_arithmetic3A_641 = arith.constant 7 : i32
      %shift_right_arithmetic3A_642 = arith.shrsi %squeeze3A_635, %shift_right_arithmetic3A_641 : i32
      %mul3A_643 = arith.constant 128 : i32
      %mul3A_644 = arith.muli %shift_right_arithmetic3A_642, %mul3A_643 : i32
      %multiple_of3A_645 = tpu.assume_multiple %mul3A_644, 128 : i32
      %dma_start3A_646 = arith.constant 0 : i32
      %dma_start3A_647 = arith.constant 384 : i32
      %dma_start3A_648 = tpu.memref_slice %arg11[%dma_start3A_646, %dma_start3A_647] : memref<32x1024xf32, #tpu.memory_space<vmem>> -> memref<32x128xf32, #tpu.memory_space<vmem>>
      %dma_start3A_649 = arith.constant 0 : i32
      %dma_start3A_650 = tpu.memref_slice %arg4[%dma_start3A_649, %multiple_of3A_640] : memref<32x1000000xf32, #tpu.memory_space<hbm>> -> memref<32x128xf32, #tpu.memory_space<hbm>>
      %dma_start3A_651 = arith.constant 0 : i32
      %dma_start3A_652 = arith.constant 384 : i32
      %dma_start3A_653 = tpu.memref_slice %arg11[%dma_start3A_651, %dma_start3A_652] : memref<32x1024xf32, #tpu.memory_space<vmem>> -> memref<32x128xf32, #tpu.memory_space<vmem>>
      %dma_start3A_654 = arith.constant 0 : i32
      %dma_start3A_655 = tpu.memref_slice %arg4[%dma_start3A_654, %multiple_of3A_640] : memref<32x1000000xf32, #tpu.memory_space<hbm>> -> memref<32x128xf32, #tpu.memory_space<hbm>>
      tpu.enqueue_dma source(%dma_start3A_655 : memref<32x128xf32, #tpu.memory_space<hbm>>) target(%dma_start3A_653 : memref<32x128xf32, #tpu.memory_space<vmem>>) target_semaphore(%arg19 : memref<!tpu.dma_semaphore, #tpu.memory_space<semaphore_mem>>)
      %dma_start3A_656 = arith.constant 0 : i32
      %dma_start3A_657 = arith.constant 384 : i32
      %dma_start3A_658 = tpu.memref_slice %arg12[%dma_start3A_656, %dma_start3A_657] : memref<32x1024xf32, #tpu.memory_space<vmem>> -> memref<32x128xf32, #tpu.memory_space<vmem>>
      %dma_start3A_659 = arith.constant 0 : i32
      %dma_start3A_660 = tpu.memref_slice %arg5[%dma_start3A_659, %multiple_of3A_645] : memref<32x1000000xf32, #tpu.memory_space<hbm>> -> memref<32x128xf32, #tpu.memory_space<hbm>>
      %dma_start3A_661 = arith.constant 0 : i32
      %dma_start3A_662 = arith.constant 384 : i32
      %dma_start3A_663 = tpu.memref_slice %arg12[%dma_start3A_661, %dma_start3A_662] : memref<32x1024xf32, #tpu.memory_space<vmem>> -> memref<32x128xf32, #tpu.memory_space<vmem>>
      %dma_start3A_664 = arith.constant 0 : i32
      %dma_start3A_665 = tpu.memref_slice %arg5[%dma_start3A_664, %multiple_of3A_645] : memref<32x1000000xf32, #tpu.memory_space<hbm>> -> memref<32x128xf32, #tpu.memory_space<hbm>>
      tpu.enqueue_dma source(%dma_start3A_665 : memref<32x128xf32, #tpu.memory_space<hbm>>) target(%dma_start3A_663 : memref<32x128xf32, #tpu.memory_space<vmem>>) target_semaphore(%arg19 : memref<!tpu.dma_semaphore, #tpu.memory_space<semaphore_mem>>)
      %dma_wait3A_666 = arith.constant 0 : i32
      %dma_wait3A_667 = arith.constant 512 : i32
      %dma_wait3A_668 = tpu.memref_slice %arg11[%dma_wait3A_666, %dma_wait3A_667] : memref<32x1024xf32, #tpu.memory_space<vmem>> -> memref<32x128xf32, #tpu.memory_space<vmem>>
      %dma_wait3A_669 = arith.constant 0 : i32
      %dma_wait3A_670 = arith.constant 0 : i32
      %dma_wait3A_671 = tpu.memref_slice %arg4[%dma_wait3A_669, %dma_wait3A_670] : memref<32x1000000xf32, #tpu.memory_space<hbm>> -> memref<32x128xf32, #tpu.memory_space<hbm>>
      %dma_wait3A_672 = arith.constant 0 : i32
      %dma_wait3A_673 = arith.constant 512 : i32
      %dma_wait3A_674 = tpu.memref_slice %arg11[%dma_wait3A_672, %dma_wait3A_673] : memref<32x1024xf32, #tpu.memory_space<vmem>> -> memref<32x128xf32, #tpu.memory_space<vmem>>
      %dma_wait3A_675 = arith.constant 0 : i32
      %dma_wait3A_676 = arith.constant 0 : i32
      %dma_wait3A_677 = tpu.memref_slice %arg4[%dma_wait3A_675, %dma_wait3A_676] : memref<32x1000000xf32, #tpu.memory_space<hbm>> -> memref<32x128xf32, #tpu.memory_space<hbm>>
      tpu.wait_dma2 semaphore(%arg20 : memref<!tpu.dma_semaphore, #tpu.memory_space<semaphore_mem>>) src(%dma_wait3A_677 : memref<32x128xf32, #tpu.memory_space<hbm>>) dst(%dma_wait3A_674 : memref<32x128xf32, #tpu.memory_space<vmem>>)
      %dma_wait3A_678 = arith.constant 0 : i32
      %dma_wait3A_679 = arith.constant 512 : i32
      %dma_wait3A_680 = tpu.memref_slice %arg12[%dma_wait3A_678, %dma_wait3A_679] : memref<32x1024xf32, #tpu.memory_space<vmem>> -> memref<32x128xf32, #tpu.memory_space<vmem>>
      %dma_wait3A_681 = arith.constant 0 : i32
      %dma_wait3A_682 = arith.constant 0 : i32
      %dma_wait3A_683 = tpu.memref_slice %arg5[%dma_wait3A_681, %dma_wait3A_682] : memref<32x1000000xf32, #tpu.memory_space<hbm>> -> memref<32x128xf32, #tpu.memory_space<hbm>>
      %dma_wait3A_684 = arith.constant 0 : i32
      %dma_wait3A_685 = arith.constant 512 : i32
      %dma_wait3A_686 = tpu.memref_slice %arg12[%dma_wait3A_684, %dma_wait3A_685] : memref<32x1024xf32, #tpu.memory_space<vmem>> -> memref<32x128xf32, #tpu.memory_space<vmem>>
      %dma_wait3A_687 = arith.constant 0 : i32
      %dma_wait3A_688 = arith.constant 0 : i32
      %dma_wait3A_689 = tpu.memref_slice %arg5[%dma_wait3A_687, %dma_wait3A_688] : memref<32x1000000xf32, #tpu.memory_space<hbm>> -> memref<32x128xf32, #tpu.memory_space<hbm>>
      tpu.wait_dma2 semaphore(%arg20 : memref<!tpu.dma_semaphore, #tpu.memory_space<semaphore_mem>>) src(%dma_wait3A_689 : memref<32x128xf32, #tpu.memory_space<hbm>>) dst(%dma_wait3A_686 : memref<32x128xf32, #tpu.memory_space<vmem>>)
      %broadcast_in_dim3A_690 = arith.constant 512 : i32
      %broadcast_in_dim3A_691 = vector.broadcast %broadcast_in_dim3A_690 : i32 to vector<16xi32>
      %slice3A_692 = vector.extract_strided_slice %get3A_24 {offsets = [4], sizes = [1], strides = [1]} : vector<16xi32> to vector<1xi32>
      %squeeze3A_693 = vector.extract %slice3A_692[0] : i32 from vector<1xi32>
      %and3A_694 = arith.constant 127 : i32
      %and3A_695 = arith.andi %squeeze3A_693, %and3A_694 : i32
      %add3A_696 = vector.broadcast %and3A_695 : i32 to vector<16xi32>
      %add3A_697 = arith.addi %broadcast_in_dim3A_691, %add3A_696 : vector<16xi32>
      %broadcast_in_dim3A_698 = arith.constant 512 : i32
      %broadcast_in_dim3A_699 = vector.broadcast %broadcast_in_dim3A_698 : i32 to vector<16xi32>
      %slice3A_700 = vector.extract_strided_slice %get3A_29 {offsets = [4], sizes = [1], strides = [1]} : vector<16xi32> to vector<1xi32>
      %squeeze3A_701 = vector.extract %slice3A_700[0] : i32 from vector<1xi32>
      %and3A_702 = arith.constant 127 : i32
      %and3A_703 = arith.andi %squeeze3A_701, %and3A_702 : i32
      %add3A_704 = vector.broadcast %and3A_703 : i32 to vector<16xi32>
      %add3A_705 = arith.addi %broadcast_in_dim3A_699, %add3A_704 : vector<16xi32>
      %gather3A_706 = tpu.vector_load_idx %arg11[%iota3A_12, %add3A_697] : memref<32x1024xf32, #tpu.memory_space<vmem>>[vector<16xi32>, vector<16xi32>], vector<16xf32>,
      %gather3A_707 = tpu.vector_load_idx %arg11[%add3A_15, %add3A_697] : memref<32x1024xf32, #tpu.memory_space<vmem>>[vector<16xi32>, vector<16xi32>], vector<16xf32>,
      %gather3A_708 = tpu.vector_load_idx %arg12[%iota3A_12, %add3A_705] : memref<32x1024xf32, #tpu.memory_space<vmem>>[vector<16xi32>, vector<16xi32>], vector<16xf32>,
      %gather3A_709 = tpu.vector_load_idx %arg12[%add3A_15, %add3A_705] : memref<32x1024xf32, #tpu.memory_space<vmem>>[vector<16xi32>, vector<16xi32>], vector<16xf32>,
      %mul3A_710 = arith.mulf %gather3A_706, %gather3A_708 : vector<16xf32>
      %mul3A_711 = arith.mulf %mul3A_710, %get3A_5 : vector<16xf32>
      %mul3A_712 = arith.mulf %gather3A_707, %gather3A_709 : vector<16xf32>
      %mul3A_713 = arith.mulf %mul3A_712, %get3A_9 : vector<16xf32>
      %add3A_714 = arith.addf %mul3A_711, %mul3A_713 : vector<16xf32>
      %eq3A_715 = arith.constant 4 : i32
      %eq3A_716 = vector.broadcast %eq3A_715 : i32 to vector<16xi32>
      %eq3A_717 = arith.cmpi eq, %iota3A, %eq3A_716 : vector<16xi32>
      %reduce_sum3A_718 = arith.constant true
      %reduce_sum3A_719 = vector.broadcast %reduce_sum3A_718 : i1 to vector<16xi1>
      %reduce_sum3A_720 = tpu.scan <sum>, %add3A_714 masked %reduce_sum3A_719 : vector<16xf32>, vector<16xi1> -> vector<16xf32>
      %reduce_sum3A_721 = vector.extract %reduce_sum3A_720[15] : f32 from vector<16xf32>
      %add3A_722 = vector.broadcast %reduce_sum3A_721 : f32 to vector<16xf32>
      %add3A_723 = arith.addf %broadcast_in_dim3A, %add3A_722 : vector<16xf32>
      %select_n3A_724 = arith.select %eq3A_717, %add3A_723, %select_n3A_631 : vector<16xi1>, vector<16xf32>
      %slice3A_725 = vector.extract_strided_slice %get3A_24 {offsets = [12], sizes = [1], strides = [1]} : vector<16xi32> to vector<1xi32>
      %squeeze3A_726 = vector.extract %slice3A_725[0] : i32 from vector<1xi32>
      %slice3A_727 = vector.extract_strided_slice %get3A_29 {offsets = [12], sizes = [1], strides = [1]} : vector<16xi32> to vector<1xi32>
      %squeeze3A_728 = vector.extract %slice3A_727[0] : i32 from vector<1xi32>
      %shift_right_arithmetic3A_729 = arith.constant 7 : i32
      %shift_right_arithmetic3A_730 = arith.shrsi %squeeze3A_726, %shift_right_arithmetic3A_729 : i32
      %mul3A_731 = arith.constant 128 : i32
      %mul3A_732 = arith.muli %shift_right_arithmetic3A_730, %mul3A_731 : i32
      %multiple_of3A_733 = tpu.assume_multiple %mul3A_732, 128 : i32
      %shift_right_arithmetic3A_734 = arith.constant 7 : i32
      %shift_right_arithmetic3A_735 = arith.shrsi %squeeze3A_728, %shift_right_arithmetic3A_734 : i32
      %mul3A_736 = arith.constant 128 : i32
      %mul3A_737 = arith.muli %shift_right_arithmetic3A_735, %mul3A_736 : i32
      %multiple_of3A_738 = tpu.assume_multiple %mul3A_737, 128 : i32
      %dma_start3A_739 = arith.constant 0 : i32
      %dma_start3A_740 = arith.constant 512 : i32
      %dma_start3A_741 = tpu.memref_slice %arg11[%dma_start3A_739, %dma_start3A_740] : memref<32x1024xf32, #tpu.memory_space<vmem>> -> memref<32x128xf32, #tpu.memory_space<vmem>>
      %dma_start3A_742 = arith.constant 0 : i32
      %dma_start3A_743 = tpu.memref_slice %arg4[%dma_start3A_742, %multiple_of3A_733] : memref<32x1000000xf32, #tpu.memory_space<hbm>> -> memref<32x128xf32, #tpu.memory_space<hbm>>
      %dma_start3A_744 = arith.constant 0 : i32
      %dma_start3A_745 = arith.constant 512 : i32
      %dma_start3A_746 = tpu.memref_slice %arg11[%dma_start3A_744, %dma_start3A_745] : memref<32x1024xf32, #tpu.memory_space<vmem>> -> memref<32x128xf32, #tpu.memory_space<vmem>>
      %dma_start3A_747 = arith.constant 0 : i32
      %dma_start3A_748 = tpu.memref_slice %arg4[%dma_start3A_747, %multiple_of3A_733] : memref<32x1000000xf32, #tpu.memory_space<hbm>> -> memref<32x128xf32, #tpu.memory_space<hbm>>
      tpu.enqueue_dma source(%dma_start3A_748 : memref<32x128xf32, #tpu.memory_space<hbm>>) target(%dma_start3A_746 : memref<32x128xf32, #tpu.memory_space<vmem>>) target_semaphore(%arg20 : memref<!tpu.dma_semaphore, #tpu.memory_space<semaphore_mem>>)
      %dma_start3A_749 = arith.constant 0 : i32
      %dma_start3A_750 = arith.constant 512 : i32
      %dma_start3A_751 = tpu.memref_slice %arg12[%dma_start3A_749, %dma_start3A_750] : memref<32x1024xf32, #tpu.memory_space<vmem>> -> memref<32x128xf32, #tpu.memory_space<vmem>>
      %dma_start3A_752 = arith.constant 0 : i32
      %dma_start3A_753 = tpu.memref_slice %arg5[%dma_start3A_752, %multiple_of3A_738] : memref<32x1000000xf32, #tpu.memory_space<hbm>> -> memref<32x128xf32, #tpu.memory_space<hbm>>
      %dma_start3A_754 = arith.constant 0 : i32
      %dma_start3A_755 = arith.constant 512 : i32
      %dma_start3A_756 = tpu.memref_slice %arg12[%dma_start3A_754, %dma_start3A_755] : memref<32x1024xf32, #tpu.memory_space<vmem>> -> memref<32x128xf32, #tpu.memory_space<vmem>>
      %dma_start3A_757 = arith.constant 0 : i32
      %dma_start3A_758 = tpu.memref_slice %arg5[%dma_start3A_757, %multiple_of3A_738] : memref<32x1000000xf32, #tpu.memory_space<hbm>> -> memref<32x128xf32, #tpu.memory_space<hbm>>
      tpu.enqueue_dma source(%dma_start3A_758 : memref<32x128xf32, #tpu.memory_space<hbm>>) target(%dma_start3A_756 : memref<32x128xf32, #tpu.memory_space<vmem>>) target_semaphore(%arg20 : memref<!tpu.dma_semaphore, #tpu.memory_space<semaphore_mem>>)
      %dma_wait3A_759 = arith.constant 0 : i32
      %dma_wait3A_760 = arith.constant 640 : i32
      %dma_wait3A_761 = tpu.memref_slice %arg11[%dma_wait3A_759, %dma_wait3A_760] : memref<32x1024xf32, #tpu.memory_space<vmem>> -> memref<32x128xf32, #tpu.memory_space<vmem>>
      %dma_wait3A_762 = arith.constant 0 : i32
      %dma_wait3A_763 = arith.constant 0 : i32
      %dma_wait3A_764 = tpu.memref_slice %arg4[%dma_wait3A_762, %dma_wait3A_763] : memref<32x1000000xf32, #tpu.memory_space<hbm>> -> memref<32x128xf32, #tpu.memory_space<hbm>>
      %dma_wait3A_765 = arith.constant 0 : i32
      %dma_wait3A_766 = arith.constant 640 : i32
      %dma_wait3A_767 = tpu.memref_slice %arg11[%dma_wait3A_765, %dma_wait3A_766] : memref<32x1024xf32, #tpu.memory_space<vmem>> -> memref<32x128xf32, #tpu.memory_space<vmem>>
      %dma_wait3A_768 = arith.constant 0 : i32
      %dma_wait3A_769 = arith.constant 0 : i32
      %dma_wait3A_770 = tpu.memref_slice %arg4[%dma_wait3A_768, %dma_wait3A_769] : memref<32x1000000xf32, #tpu.memory_space<hbm>> -> memref<32x128xf32, #tpu.memory_space<hbm>>
      tpu.wait_dma2 semaphore(%arg21 : memref<!tpu.dma_semaphore, #tpu.memory_space<semaphore_mem>>) src(%dma_wait3A_770 : memref<32x128xf32, #tpu.memory_space<hbm>>) dst(%dma_wait3A_767 : memref<32x128xf32, #tpu.memory_space<vmem>>)
      %dma_wait3A_771 = arith.constant 0 : i32
      %dma_wait3A_772 = arith.constant 640 : i32
      %dma_wait3A_773 = tpu.memref_slice %arg12[%dma_wait3A_771, %dma_wait3A_772] : memref<32x1024xf32, #tpu.memory_space<vmem>> -> memref<32x128xf32, #tpu.memory_space<vmem>>
      %dma_wait3A_774 = arith.constant 0 : i32
      %dma_wait3A_775 = arith.constant 0 : i32
      %dma_wait3A_776 = tpu.memref_slice %arg5[%dma_wait3A_774, %dma_wait3A_775] : memref<32x1000000xf32, #tpu.memory_space<hbm>> -> memref<32x128xf32, #tpu.memory_space<hbm>>
      %dma_wait3A_777 = arith.constant 0 : i32
      %dma_wait3A_778 = arith.constant 640 : i32
      %dma_wait3A_779 = tpu.memref_slice %arg12[%dma_wait3A_777, %dma_wait3A_778] : memref<32x1024xf32, #tpu.memory_space<vmem>> -> memref<32x128xf32, #tpu.memory_space<vmem>>
      %dma_wait3A_780 = arith.constant 0 : i32
      %dma_wait3A_781 = arith.constant 0 : i32
      %dma_wait3A_782 = tpu.memref_slice %arg5[%dma_wait3A_780, %dma_wait3A_781] : memref<32x1000000xf32, #tpu.memory_space<hbm>> -> memref<32x128xf32, #tpu.memory_space<hbm>>
      tpu.wait_dma2 semaphore(%arg21 : memref<!tpu.dma_semaphore, #tpu.memory_space<semaphore_mem>>) src(%dma_wait3A_782 : memref<32x128xf32, #tpu.memory_space<hbm>>) dst(%dma_wait3A_779 : memref<32x128xf32, #tpu.memory_space<vmem>>)
      %broadcast_in_dim3A_783 = arith.constant 640 : i32
      %broadcast_in_dim3A_784 = vector.broadcast %broadcast_in_dim3A_783 : i32 to vector<16xi32>
      %slice3A_785 = vector.extract_strided_slice %get3A_24 {offsets = [5], sizes = [1], strides = [1]} : vector<16xi32> to vector<1xi32>
      %squeeze3A_786 = vector.extract %slice3A_785[0] : i32 from vector<1xi32>
      %and3A_787 = arith.constant 127 : i32
      %and3A_788 = arith.andi %squeeze3A_786, %and3A_787 : i32
      %add3A_789 = vector.broadcast %and3A_788 : i32 to vector<16xi32>
      %add3A_790 = arith.addi %broadcast_in_dim3A_784, %add3A_789 : vector<16xi32>
      %broadcast_in_dim3A_791 = arith.constant 640 : i32
      %broadcast_in_dim3A_792 = vector.broadcast %broadcast_in_dim3A_791 : i32 to vector<16xi32>
      %slice3A_793 = vector.extract_strided_slice %get3A_29 {offsets = [5], sizes = [1], strides = [1]} : vector<16xi32> to vector<1xi32>
      %squeeze3A_794 = vector.extract %slice3A_793[0] : i32 from vector<1xi32>
      %and3A_795 = arith.constant 127 : i32
      %and3A_796 = arith.andi %squeeze3A_794, %and3A_795 : i32
      %add3A_797 = vector.broadcast %and3A_796 : i32 to vector<16xi32>
      %add3A_798 = arith.addi %broadcast_in_dim3A_792, %add3A_797 : vector<16xi32>
      %gather3A_799 = tpu.vector_load_idx %arg11[%iota3A_12, %add3A_790] : memref<32x1024xf32, #tpu.memory_space<vmem>>[vector<16xi32>, vector<16xi32>], vector<16xf32>,
      %gather3A_800 = tpu.vector_load_idx %arg11[%add3A_15, %add3A_790] : memref<32x1024xf32, #tpu.memory_space<vmem>>[vector<16xi32>, vector<16xi32>], vector<16xf32>,
      %gather3A_801 = tpu.vector_load_idx %arg12[%iota3A_12, %add3A_798] : memref<32x1024xf32, #tpu.memory_space<vmem>>[vector<16xi32>, vector<16xi32>], vector<16xf32>,
      %gather3A_802 = tpu.vector_load_idx %arg12[%add3A_15, %add3A_798] : memref<32x1024xf32, #tpu.memory_space<vmem>>[vector<16xi32>, vector<16xi32>], vector<16xf32>,
      %mul3A_803 = arith.mulf %gather3A_799, %gather3A_801 : vector<16xf32>
      %mul3A_804 = arith.mulf %mul3A_803, %get3A_5 : vector<16xf32>
      %mul3A_805 = arith.mulf %gather3A_800, %gather3A_802 : vector<16xf32>
      %mul3A_806 = arith.mulf %mul3A_805, %get3A_9 : vector<16xf32>
      %add3A_807 = arith.addf %mul3A_804, %mul3A_806 : vector<16xf32>
      %eq3A_808 = arith.constant 5 : i32
      %eq3A_809 = vector.broadcast %eq3A_808 : i32 to vector<16xi32>
      %eq3A_810 = arith.cmpi eq, %iota3A, %eq3A_809 : vector<16xi32>
      %reduce_sum3A_811 = arith.constant true
      %reduce_sum3A_812 = vector.broadcast %reduce_sum3A_811 : i1 to vector<16xi1>
      %reduce_sum3A_813 = tpu.scan <sum>, %add3A_807 masked %reduce_sum3A_812 : vector<16xf32>, vector<16xi1> -> vector<16xf32>
      %reduce_sum3A_814 = vector.extract %reduce_sum3A_813[15] : f32 from vector<16xf32>
      %add3A_815 = vector.broadcast %reduce_sum3A_814 : f32 to vector<16xf32>
      %add3A_816 = arith.addf %broadcast_in_dim3A, %add3A_815 : vector<16xf32>
      %select_n3A_817 = arith.select %eq3A_810, %add3A_816, %select_n3A_724 : vector<16xi1>, vector<16xf32>
      %slice3A_818 = vector.extract_strided_slice %get3A_24 {offsets = [13], sizes = [1], strides = [1]} : vector<16xi32> to vector<1xi32>
      %squeeze3A_819 = vector.extract %slice3A_818[0] : i32 from vector<1xi32>
      %slice3A_820 = vector.extract_strided_slice %get3A_29 {offsets = [13], sizes = [1], strides = [1]} : vector<16xi32> to vector<1xi32>
      %squeeze3A_821 = vector.extract %slice3A_820[0] : i32 from vector<1xi32>
      %shift_right_arithmetic3A_822 = arith.constant 7 : i32
      %shift_right_arithmetic3A_823 = arith.shrsi %squeeze3A_819, %shift_right_arithmetic3A_822 : i32
      %mul3A_824 = arith.constant 128 : i32
      %mul3A_825 = arith.muli %shift_right_arithmetic3A_823, %mul3A_824 : i32
      %multiple_of3A_826 = tpu.assume_multiple %mul3A_825, 128 : i32
      %shift_right_arithmetic3A_827 = arith.constant 7 : i32
      %shift_right_arithmetic3A_828 = arith.shrsi %squeeze3A_821, %shift_right_arithmetic3A_827 : i32
      %mul3A_829 = arith.constant 128 : i32
      %mul3A_830 = arith.muli %shift_right_arithmetic3A_828, %mul3A_829 : i32
      %multiple_of3A_831 = tpu.assume_multiple %mul3A_830, 128 : i32
      %dma_start3A_832 = arith.constant 0 : i32
      %dma_start3A_833 = arith.constant 640 : i32
      %dma_start3A_834 = tpu.memref_slice %arg11[%dma_start3A_832, %dma_start3A_833] : memref<32x1024xf32, #tpu.memory_space<vmem>> -> memref<32x128xf32, #tpu.memory_space<vmem>>
      %dma_start3A_835 = arith.constant 0 : i32
      %dma_start3A_836 = tpu.memref_slice %arg4[%dma_start3A_835, %multiple_of3A_826] : memref<32x1000000xf32, #tpu.memory_space<hbm>> -> memref<32x128xf32, #tpu.memory_space<hbm>>
      %dma_start3A_837 = arith.constant 0 : i32
      %dma_start3A_838 = arith.constant 640 : i32
      %dma_start3A_839 = tpu.memref_slice %arg11[%dma_start3A_837, %dma_start3A_838] : memref<32x1024xf32, #tpu.memory_space<vmem>> -> memref<32x128xf32, #tpu.memory_space<vmem>>
      %dma_start3A_840 = arith.constant 0 : i32
      %dma_start3A_841 = tpu.memref_slice %arg4[%dma_start3A_840, %multiple_of3A_826] : memref<32x1000000xf32, #tpu.memory_space<hbm>> -> memref<32x128xf32, #tpu.memory_space<hbm>>
      tpu.enqueue_dma source(%dma_start3A_841 : memref<32x128xf32, #tpu.memory_space<hbm>>) target(%dma_start3A_839 : memref<32x128xf32, #tpu.memory_space<vmem>>) target_semaphore(%arg21 : memref<!tpu.dma_semaphore, #tpu.memory_space<semaphore_mem>>)
      %dma_start3A_842 = arith.constant 0 : i32
      %dma_start3A_843 = arith.constant 640 : i32
      %dma_start3A_844 = tpu.memref_slice %arg12[%dma_start3A_842, %dma_start3A_843] : memref<32x1024xf32, #tpu.memory_space<vmem>> -> memref<32x128xf32, #tpu.memory_space<vmem>>
      %dma_start3A_845 = arith.constant 0 : i32
      %dma_start3A_846 = tpu.memref_slice %arg5[%dma_start3A_845, %multiple_of3A_831] : memref<32x1000000xf32, #tpu.memory_space<hbm>> -> memref<32x128xf32, #tpu.memory_space<hbm>>
      %dma_start3A_847 = arith.constant 0 : i32
      %dma_start3A_848 = arith.constant 640 : i32
      %dma_start3A_849 = tpu.memref_slice %arg12[%dma_start3A_847, %dma_start3A_848] : memref<32x1024xf32, #tpu.memory_space<vmem>> -> memref<32x128xf32, #tpu.memory_space<vmem>>
      %dma_start3A_850 = arith.constant 0 : i32
      %dma_start3A_851 = tpu.memref_slice %arg5[%dma_start3A_850, %multiple_of3A_831] : memref<32x1000000xf32, #tpu.memory_space<hbm>> -> memref<32x128xf32, #tpu.memory_space<hbm>>
      tpu.enqueue_dma source(%dma_start3A_851 : memref<32x128xf32, #tpu.memory_space<hbm>>) target(%dma_start3A_849 : memref<32x128xf32, #tpu.memory_space<vmem>>) target_semaphore(%arg21 : memref<!tpu.dma_semaphore, #tpu.memory_space<semaphore_mem>>)
      %dma_wait3A_852 = arith.constant 0 : i32
      %dma_wait3A_853 = arith.constant 768 : i32
      %dma_wait3A_854 = tpu.memref_slice %arg11[%dma_wait3A_852, %dma_wait3A_853] : memref<32x1024xf32, #tpu.memory_space<vmem>> -> memref<32x128xf32, #tpu.memory_space<vmem>>
      %dma_wait3A_855 = arith.constant 0 : i32
      %dma_wait3A_856 = arith.constant 0 : i32
      %dma_wait3A_857 = tpu.memref_slice %arg4[%dma_wait3A_855, %dma_wait3A_856] : memref<32x1000000xf32, #tpu.memory_space<hbm>> -> memref<32x128xf32, #tpu.memory_space<hbm>>
      %dma_wait3A_858 = arith.constant 0 : i32
      %dma_wait3A_859 = arith.constant 768 : i32
      %dma_wait3A_860 = tpu.memref_slice %arg11[%dma_wait3A_858, %dma_wait3A_859] : memref<32x1024xf32, #tpu.memory_space<vmem>> -> memref<32x128xf32, #tpu.memory_space<vmem>>
      %dma_wait3A_861 = arith.constant 0 : i32
      %dma_wait3A_862 = arith.constant 0 : i32
      %dma_wait3A_863 = tpu.memref_slice %arg4[%dma_wait3A_861, %dma_wait3A_862] : memref<32x1000000xf32, #tpu.memory_space<hbm>> -> memref<32x128xf32, #tpu.memory_space<hbm>>
      tpu.wait_dma2 semaphore(%arg22 : memref<!tpu.dma_semaphore, #tpu.memory_space<semaphore_mem>>) src(%dma_wait3A_863 : memref<32x128xf32, #tpu.memory_space<hbm>>) dst(%dma_wait3A_860 : memref<32x128xf32, #tpu.memory_space<vmem>>)
      %dma_wait3A_864 = arith.constant 0 : i32
      %dma_wait3A_865 = arith.constant 768 : i32
      %dma_wait3A_866 = tpu.memref_slice %arg12[%dma_wait3A_864, %dma_wait3A_865] : memref<32x1024xf32, #tpu.memory_space<vmem>> -> memref<32x128xf32, #tpu.memory_space<vmem>>
      %dma_wait3A_867 = arith.constant 0 : i32
      %dma_wait3A_868 = arith.constant 0 : i32
      %dma_wait3A_869 = tpu.memref_slice %arg5[%dma_wait3A_867, %dma_wait3A_868] : memref<32x1000000xf32, #tpu.memory_space<hbm>> -> memref<32x128xf32, #tpu.memory_space<hbm>>
      %dma_wait3A_870 = arith.constant 0 : i32
      %dma_wait3A_871 = arith.constant 768 : i32
      %dma_wait3A_872 = tpu.memref_slice %arg12[%dma_wait3A_870, %dma_wait3A_871] : memref<32x1024xf32, #tpu.memory_space<vmem>> -> memref<32x128xf32, #tpu.memory_space<vmem>>
      %dma_wait3A_873 = arith.constant 0 : i32
      %dma_wait3A_874 = arith.constant 0 : i32
      %dma_wait3A_875 = tpu.memref_slice %arg5[%dma_wait3A_873, %dma_wait3A_874] : memref<32x1000000xf32, #tpu.memory_space<hbm>> -> memref<32x128xf32, #tpu.memory_space<hbm>>
      tpu.wait_dma2 semaphore(%arg22 : memref<!tpu.dma_semaphore, #tpu.memory_space<semaphore_mem>>) src(%dma_wait3A_875 : memref<32x128xf32, #tpu.memory_space<hbm>>) dst(%dma_wait3A_872 : memref<32x128xf32, #tpu.memory_space<vmem>>)
      %broadcast_in_dim3A_876 = arith.constant 768 : i32
      %broadcast_in_dim3A_877 = vector.broadcast %broadcast_in_dim3A_876 : i32 to vector<16xi32>
      %slice3A_878 = vector.extract_strided_slice %get3A_24 {offsets = [6], sizes = [1], strides = [1]} : vector<16xi32> to vector<1xi32>
      %squeeze3A_879 = vector.extract %slice3A_878[0] : i32 from vector<1xi32>
      %and3A_880 = arith.constant 127 : i32
      %and3A_881 = arith.andi %squeeze3A_879, %and3A_880 : i32
      %add3A_882 = vector.broadcast %and3A_881 : i32 to vector<16xi32>
      %add3A_883 = arith.addi %broadcast_in_dim3A_877, %add3A_882 : vector<16xi32>
      %broadcast_in_dim3A_884 = arith.constant 768 : i32
      %broadcast_in_dim3A_885 = vector.broadcast %broadcast_in_dim3A_884 : i32 to vector<16xi32>
      %slice3A_886 = vector.extract_strided_slice %get3A_29 {offsets = [6], sizes = [1], strides = [1]} : vector<16xi32> to vector<1xi32>
      %squeeze3A_887 = vector.extract %slice3A_886[0] : i32 from vector<1xi32>
      %and3A_888 = arith.constant 127 : i32
      %and3A_889 = arith.andi %squeeze3A_887, %and3A_888 : i32
      %add3A_890 = vector.broadcast %and3A_889 : i32 to vector<16xi32>
      %add3A_891 = arith.addi %broadcast_in_dim3A_885, %add3A_890 : vector<16xi32>
      %gather3A_892 = tpu.vector_load_idx %arg11[%iota3A_12, %add3A_883] : memref<32x1024xf32, #tpu.memory_space<vmem>>[vector<16xi32>, vector<16xi32>], vector<16xf32>,
      %gather3A_893 = tpu.vector_load_idx %arg11[%add3A_15, %add3A_883] : memref<32x1024xf32, #tpu.memory_space<vmem>>[vector<16xi32>, vector<16xi32>], vector<16xf32>,
      %gather3A_894 = tpu.vector_load_idx %arg12[%iota3A_12, %add3A_891] : memref<32x1024xf32, #tpu.memory_space<vmem>>[vector<16xi32>, vector<16xi32>], vector<16xf32>,
      %gather3A_895 = tpu.vector_load_idx %arg12[%add3A_15, %add3A_891] : memref<32x1024xf32, #tpu.memory_space<vmem>>[vector<16xi32>, vector<16xi32>], vector<16xf32>,
      %mul3A_896 = arith.mulf %gather3A_892, %gather3A_894 : vector<16xf32>
      %mul3A_897 = arith.mulf %mul3A_896, %get3A_5 : vector<16xf32>
      %mul3A_898 = arith.mulf %gather3A_893, %gather3A_895 : vector<16xf32>
      %mul3A_899 = arith.mulf %mul3A_898, %get3A_9 : vector<16xf32>
      %add3A_900 = arith.addf %mul3A_897, %mul3A_899 : vector<16xf32>
      %eq3A_901 = arith.constant 6 : i32
      %eq3A_902 = vector.broadcast %eq3A_901 : i32 to vector<16xi32>
      %eq3A_903 = arith.cmpi eq, %iota3A, %eq3A_902 : vector<16xi32>
      %reduce_sum3A_904 = arith.constant true
      %reduce_sum3A_905 = vector.broadcast %reduce_sum3A_904 : i1 to vector<16xi1>
      %reduce_sum3A_906 = tpu.scan <sum>, %add3A_900 masked %reduce_sum3A_905 : vector<16xf32>, vector<16xi1> -> vector<16xf32>
      %reduce_sum3A_907 = vector.extract %reduce_sum3A_906[15] : f32 from vector<16xf32>
      %add3A_908 = vector.broadcast %reduce_sum3A_907 : f32 to vector<16xf32>
      %add3A_909 = arith.addf %broadcast_in_dim3A, %add3A_908 : vector<16xf32>
      %select_n3A_910 = arith.select %eq3A_903, %add3A_909, %select_n3A_817 : vector<16xi1>, vector<16xf32>
      %slice3A_911 = vector.extract_strided_slice %get3A_24 {offsets = [14], sizes = [1], strides = [1]} : vector<16xi32> to vector<1xi32>
      %squeeze3A_912 = vector.extract %slice3A_911[0] : i32 from vector<1xi32>
      %slice3A_913 = vector.extract_strided_slice %get3A_29 {offsets = [14], sizes = [1], strides = [1]} : vector<16xi32> to vector<1xi32>
      %squeeze3A_914 = vector.extract %slice3A_913[0] : i32 from vector<1xi32>
      %shift_right_arithmetic3A_915 = arith.constant 7 : i32
      %shift_right_arithmetic3A_916 = arith.shrsi %squeeze3A_912, %shift_right_arithmetic3A_915 : i32
      %mul3A_917 = arith.constant 128 : i32
      %mul3A_918 = arith.muli %shift_right_arithmetic3A_916, %mul3A_917 : i32
      %multiple_of3A_919 = tpu.assume_multiple %mul3A_918, 128 : i32
      %shift_right_arithmetic3A_920 = arith.constant 7 : i32
      %shift_right_arithmetic3A_921 = arith.shrsi %squeeze3A_914, %shift_right_arithmetic3A_920 : i32
      %mul3A_922 = arith.constant 128 : i32
      %mul3A_923 = arith.muli %shift_right_arithmetic3A_921, %mul3A_922 : i32
      %multiple_of3A_924 = tpu.assume_multiple %mul3A_923, 128 : i32
      %dma_start3A_925 = arith.constant 0 : i32
      %dma_start3A_926 = arith.constant 768 : i32
      %dma_start3A_927 = tpu.memref_slice %arg11[%dma_start3A_925, %dma_start3A_926] : memref<32x1024xf32, #tpu.memory_space<vmem>> -> memref<32x128xf32, #tpu.memory_space<vmem>>
      %dma_start3A_928 = arith.constant 0 : i32
      %dma_start3A_929 = tpu.memref_slice %arg4[%dma_start3A_928, %multiple_of3A_919] : memref<32x1000000xf32, #tpu.memory_space<hbm>> -> memref<32x128xf32, #tpu.memory_space<hbm>>
      %dma_start3A_930 = arith.constant 0 : i32
      %dma_start3A_931 = arith.constant 768 : i32
      %dma_start3A_932 = tpu.memref_slice %arg11[%dma_start3A_930, %dma_start3A_931] : memref<32x1024xf32, #tpu.memory_space<vmem>> -> memref<32x128xf32, #tpu.memory_space<vmem>>
      %dma_start3A_933 = arith.constant 0 : i32
      %dma_start3A_934 = tpu.memref_slice %arg4[%dma_start3A_933, %multiple_of3A_919] : memref<32x1000000xf32, #tpu.memory_space<hbm>> -> memref<32x128xf32, #tpu.memory_space<hbm>>
      tpu.enqueue_dma source(%dma_start3A_934 : memref<32x128xf32, #tpu.memory_space<hbm>>) target(%dma_start3A_932 : memref<32x128xf32, #tpu.memory_space<vmem>>) target_semaphore(%arg22 : memref<!tpu.dma_semaphore, #tpu.memory_space<semaphore_mem>>)
      %dma_start3A_935 = arith.constant 0 : i32
      %dma_start3A_936 = arith.constant 768 : i32
      %dma_start3A_937 = tpu.memref_slice %arg12[%dma_start3A_935, %dma_start3A_936] : memref<32x1024xf32, #tpu.memory_space<vmem>> -> memref<32x128xf32, #tpu.memory_space<vmem>>
      %dma_start3A_938 = arith.constant 0 : i32
      %dma_start3A_939 = tpu.memref_slice %arg5[%dma_start3A_938, %multiple_of3A_924] : memref<32x1000000xf32, #tpu.memory_space<hbm>> -> memref<32x128xf32, #tpu.memory_space<hbm>>
      %dma_start3A_940 = arith.constant 0 : i32
      %dma_start3A_941 = arith.constant 768 : i32
      %dma_start3A_942 = tpu.memref_slice %arg12[%dma_start3A_940, %dma_start3A_941] : memref<32x1024xf32, #tpu.memory_space<vmem>> -> memref<32x128xf32, #tpu.memory_space<vmem>>
      %dma_start3A_943 = arith.constant 0 : i32
      %dma_start3A_944 = tpu.memref_slice %arg5[%dma_start3A_943, %multiple_of3A_924] : memref<32x1000000xf32, #tpu.memory_space<hbm>> -> memref<32x128xf32, #tpu.memory_space<hbm>>
      tpu.enqueue_dma source(%dma_start3A_944 : memref<32x128xf32, #tpu.memory_space<hbm>>) target(%dma_start3A_942 : memref<32x128xf32, #tpu.memory_space<vmem>>) target_semaphore(%arg22 : memref<!tpu.dma_semaphore, #tpu.memory_space<semaphore_mem>>)
      %dma_wait3A_945 = arith.constant 0 : i32
      %dma_wait3A_946 = arith.constant 896 : i32
      %dma_wait3A_947 = tpu.memref_slice %arg11[%dma_wait3A_945, %dma_wait3A_946] : memref<32x1024xf32, #tpu.memory_space<vmem>> -> memref<32x128xf32, #tpu.memory_space<vmem>>
      %dma_wait3A_948 = arith.constant 0 : i32
      %dma_wait3A_949 = arith.constant 0 : i32
      %dma_wait3A_950 = tpu.memref_slice %arg4[%dma_wait3A_948, %dma_wait3A_949] : memref<32x1000000xf32, #tpu.memory_space<hbm>> -> memref<32x128xf32, #tpu.memory_space<hbm>>
      %dma_wait3A_951 = arith.constant 0 : i32
      %dma_wait3A_952 = arith.constant 896 : i32
      %dma_wait3A_953 = tpu.memref_slice %arg11[%dma_wait3A_951, %dma_wait3A_952] : memref<32x1024xf32, #tpu.memory_space<vmem>> -> memref<32x128xf32, #tpu.memory_space<vmem>>
      %dma_wait3A_954 = arith.constant 0 : i32
      %dma_wait3A_955 = arith.constant 0 : i32
      %dma_wait3A_956 = tpu.memref_slice %arg4[%dma_wait3A_954, %dma_wait3A_955] : memref<32x1000000xf32, #tpu.memory_space<hbm>> -> memref<32x128xf32, #tpu.memory_space<hbm>>
      tpu.wait_dma2 semaphore(%arg23 : memref<!tpu.dma_semaphore, #tpu.memory_space<semaphore_mem>>) src(%dma_wait3A_956 : memref<32x128xf32, #tpu.memory_space<hbm>>) dst(%dma_wait3A_953 : memref<32x128xf32, #tpu.memory_space<vmem>>)
      %dma_wait3A_957 = arith.constant 0 : i32
      %dma_wait3A_958 = arith.constant 896 : i32
      %dma_wait3A_959 = tpu.memref_slice %arg12[%dma_wait3A_957, %dma_wait3A_958] : memref<32x1024xf32, #tpu.memory_space<vmem>> -> memref<32x128xf32, #tpu.memory_space<vmem>>
      %dma_wait3A_960 = arith.constant 0 : i32
      %dma_wait3A_961 = arith.constant 0 : i32
      %dma_wait3A_962 = tpu.memref_slice %arg5[%dma_wait3A_960, %dma_wait3A_961] : memref<32x1000000xf32, #tpu.memory_space<hbm>> -> memref<32x128xf32, #tpu.memory_space<hbm>>
      %dma_wait3A_963 = arith.constant 0 : i32
      %dma_wait3A_964 = arith.constant 896 : i32
      %dma_wait3A_965 = tpu.memref_slice %arg12[%dma_wait3A_963, %dma_wait3A_964] : memref<32x1024xf32, #tpu.memory_space<vmem>> -> memref<32x128xf32, #tpu.memory_space<vmem>>
      %dma_wait3A_966 = arith.constant 0 : i32
      %dma_wait3A_967 = arith.constant 0 : i32
      %dma_wait3A_968 = tpu.memref_slice %arg5[%dma_wait3A_966, %dma_wait3A_967] : memref<32x1000000xf32, #tpu.memory_space<hbm>> -> memref<32x128xf32, #tpu.memory_space<hbm>>
      tpu.wait_dma2 semaphore(%arg23 : memref<!tpu.dma_semaphore, #tpu.memory_space<semaphore_mem>>) src(%dma_wait3A_968 : memref<32x128xf32, #tpu.memory_space<hbm>>) dst(%dma_wait3A_965 : memref<32x128xf32, #tpu.memory_space<vmem>>)
      %broadcast_in_dim3A_969 = arith.constant 896 : i32
      %broadcast_in_dim3A_970 = vector.broadcast %broadcast_in_dim3A_969 : i32 to vector<16xi32>
      %slice3A_971 = vector.extract_strided_slice %get3A_24 {offsets = [7], sizes = [1], strides = [1]} : vector<16xi32> to vector<1xi32>
      %squeeze3A_972 = vector.extract %slice3A_971[0] : i32 from vector<1xi32>
      %and3A_973 = arith.constant 127 : i32
      %and3A_974 = arith.andi %squeeze3A_972, %and3A_973 : i32
      %add3A_975 = vector.broadcast %and3A_974 : i32 to vector<16xi32>
      %add3A_976 = arith.addi %broadcast_in_dim3A_970, %add3A_975 : vector<16xi32>
      %broadcast_in_dim3A_977 = arith.constant 896 : i32
      %broadcast_in_dim3A_978 = vector.broadcast %broadcast_in_dim3A_977 : i32 to vector<16xi32>
      %slice3A_979 = vector.extract_strided_slice %get3A_29 {offsets = [7], sizes = [1], strides = [1]} : vector<16xi32> to vector<1xi32>
      %squeeze3A_980 = vector.extract %slice3A_979[0] : i32 from vector<1xi32>
      %and3A_981 = arith.constant 127 : i32
      %and3A_982 = arith.andi %squeeze3A_980, %and3A_981 : i32
      %add3A_983 = vector.broadcast %and3A_982 : i32 to vector<16xi32>
      %add3A_984 = arith.addi %broadcast_in_dim3A_978, %add3A_983 : vector<16xi32>
      %gather3A_985 = tpu.vector_load_idx %arg11[%iota3A_12, %add3A_976] : memref<32x1024xf32, #tpu.memory_space<vmem>>[vector<16xi32>, vector<16xi32>], vector<16xf32>,
      %gather3A_986 = tpu.vector_load_idx %arg11[%add3A_15, %add3A_976] : memref<32x1024xf32, #tpu.memory_space<vmem>>[vector<16xi32>, vector<16xi32>], vector<16xf32>,
      %gather3A_987 = tpu.vector_load_idx %arg12[%iota3A_12, %add3A_984] : memref<32x1024xf32, #tpu.memory_space<vmem>>[vector<16xi32>, vector<16xi32>], vector<16xf32>,
      %gather3A_988 = tpu.vector_load_idx %arg12[%add3A_15, %add3A_984] : memref<32x1024xf32, #tpu.memory_space<vmem>>[vector<16xi32>, vector<16xi32>], vector<16xf32>,
      %mul3A_989 = arith.mulf %gather3A_985, %gather3A_987 : vector<16xf32>
      %mul3A_990 = arith.mulf %mul3A_989, %get3A_5 : vector<16xf32>
      %mul3A_991 = arith.mulf %gather3A_986, %gather3A_988 : vector<16xf32>
      %mul3A_992 = arith.mulf %mul3A_991, %get3A_9 : vector<16xf32>
      %add3A_993 = arith.addf %mul3A_990, %mul3A_992 : vector<16xf32>
      %eq3A_994 = arith.constant 7 : i32
      %eq3A_995 = vector.broadcast %eq3A_994 : i32 to vector<16xi32>
      %eq3A_996 = arith.cmpi eq, %iota3A, %eq3A_995 : vector<16xi32>
      %reduce_sum3A_997 = arith.constant true
      %reduce_sum3A_998 = vector.broadcast %reduce_sum3A_997 : i1 to vector<16xi1>
      %reduce_sum3A_999 = tpu.scan <sum>, %add3A_993 masked %reduce_sum3A_998 : vector<16xf32>, vector<16xi1> -> vector<16xf32>
      %reduce_sum3A_1000 = vector.extract %reduce_sum3A_999[15] : f32 from vector<16xf32>
      %add3A_1001 = vector.broadcast %reduce_sum3A_1000 : f32 to vector<16xf32>
      %add3A_1002 = arith.addf %broadcast_in_dim3A, %add3A_1001 : vector<16xf32>
      %select_n3A_1003 = arith.select %eq3A_996, %add3A_1002, %select_n3A_910 : vector<16xi1>, vector<16xf32>
      %slice3A_1004 = vector.extract_strided_slice %get3A_24 {offsets = [15], sizes = [1], strides = [1]} : vector<16xi32> to vector<1xi32>
      %squeeze3A_1005 = vector.extract %slice3A_1004[0] : i32 from vector<1xi32>
      %slice3A_1006 = vector.extract_strided_slice %get3A_29 {offsets = [15], sizes = [1], strides = [1]} : vector<16xi32> to vector<1xi32>
      %squeeze3A_1007 = vector.extract %slice3A_1006[0] : i32 from vector<1xi32>
      %shift_right_arithmetic3A_1008 = arith.constant 7 : i32
      %shift_right_arithmetic3A_1009 = arith.shrsi %squeeze3A_1005, %shift_right_arithmetic3A_1008 : i32
      %mul3A_1010 = arith.constant 128 : i32
      %mul3A_1011 = arith.muli %shift_right_arithmetic3A_1009, %mul3A_1010 : i32
      %multiple_of3A_1012 = tpu.assume_multiple %mul3A_1011, 128 : i32
      %shift_right_arithmetic3A_1013 = arith.constant 7 : i32
      %shift_right_arithmetic3A_1014 = arith.shrsi %squeeze3A_1007, %shift_right_arithmetic3A_1013 : i32
      %mul3A_1015 = arith.constant 128 : i32
      %mul3A_1016 = arith.muli %shift_right_arithmetic3A_1014, %mul3A_1015 : i32
      %multiple_of3A_1017 = tpu.assume_multiple %mul3A_1016, 128 : i32
      %dma_start3A_1018 = arith.constant 0 : i32
      %dma_start3A_1019 = arith.constant 896 : i32
      %dma_start3A_1020 = tpu.memref_slice %arg11[%dma_start3A_1018, %dma_start3A_1019] : memref<32x1024xf32, #tpu.memory_space<vmem>> -> memref<32x128xf32, #tpu.memory_space<vmem>>
      %dma_start3A_1021 = arith.constant 0 : i32
      %dma_start3A_1022 = tpu.memref_slice %arg4[%dma_start3A_1021, %multiple_of3A_1012] : memref<32x1000000xf32, #tpu.memory_space<hbm>> -> memref<32x128xf32, #tpu.memory_space<hbm>>
      %dma_start3A_1023 = arith.constant 0 : i32
      %dma_start3A_1024 = arith.constant 896 : i32
      %dma_start3A_1025 = tpu.memref_slice %arg11[%dma_start3A_1023, %dma_start3A_1024] : memref<32x1024xf32, #tpu.memory_space<vmem>> -> memref<32x128xf32, #tpu.memory_space<vmem>>
      %dma_start3A_1026 = arith.constant 0 : i32
      %dma_start3A_1027 = tpu.memref_slice %arg4[%dma_start3A_1026, %multiple_of3A_1012] : memref<32x1000000xf32, #tpu.memory_space<hbm>> -> memref<32x128xf32, #tpu.memory_space<hbm>>
      tpu.enqueue_dma source(%dma_start3A_1027 : memref<32x128xf32, #tpu.memory_space<hbm>>) target(%dma_start3A_1025 : memref<32x128xf32, #tpu.memory_space<vmem>>) target_semaphore(%arg23 : memref<!tpu.dma_semaphore, #tpu.memory_space<semaphore_mem>>)
      %dma_start3A_1028 = arith.constant 0 : i32
      %dma_start3A_1029 = arith.constant 896 : i32
      %dma_start3A_1030 = tpu.memref_slice %arg12[%dma_start3A_1028, %dma_start3A_1029] : memref<32x1024xf32, #tpu.memory_space<vmem>> -> memref<32x128xf32, #tpu.memory_space<vmem>>
      %dma_start3A_1031 = arith.constant 0 : i32
      %dma_start3A_1032 = tpu.memref_slice %arg5[%dma_start3A_1031, %multiple_of3A_1017] : memref<32x1000000xf32, #tpu.memory_space<hbm>> -> memref<32x128xf32, #tpu.memory_space<hbm>>
      %dma_start3A_1033 = arith.constant 0 : i32
      %dma_start3A_1034 = arith.constant 896 : i32
      %dma_start3A_1035 = tpu.memref_slice %arg12[%dma_start3A_1033, %dma_start3A_1034] : memref<32x1024xf32, #tpu.memory_space<vmem>> -> memref<32x128xf32, #tpu.memory_space<vmem>>
      %dma_start3A_1036 = arith.constant 0 : i32
      %dma_start3A_1037 = tpu.memref_slice %arg5[%dma_start3A_1036, %multiple_of3A_1017] : memref<32x1000000xf32, #tpu.memory_space<hbm>> -> memref<32x128xf32, #tpu.memory_space<hbm>>
      tpu.enqueue_dma source(%dma_start3A_1037 : memref<32x128xf32, #tpu.memory_space<hbm>>) target(%dma_start3A_1035 : memref<32x128xf32, #tpu.memory_space<vmem>>) target_semaphore(%arg23 : memref<!tpu.dma_semaphore, #tpu.memory_space<semaphore_mem>>)
      %dma_wait3A_1038 = arith.constant 0 : i32
      %dma_wait3A_1039 = arith.constant 0 : i32
      %dma_wait3A_1040 = tpu.memref_slice %arg11[%dma_wait3A_1038, %dma_wait3A_1039] : memref<32x1024xf32, #tpu.memory_space<vmem>> -> memref<32x128xf32, #tpu.memory_space<vmem>>
      %dma_wait3A_1041 = arith.constant 0 : i32
      %dma_wait3A_1042 = arith.constant 0 : i32
      %dma_wait3A_1043 = tpu.memref_slice %arg4[%dma_wait3A_1041, %dma_wait3A_1042] : memref<32x1000000xf32, #tpu.memory_space<hbm>> -> memref<32x128xf32, #tpu.memory_space<hbm>>
      %dma_wait3A_1044 = arith.constant 0 : i32
      %dma_wait3A_1045 = arith.constant 0 : i32
      %dma_wait3A_1046 = tpu.memref_slice %arg11[%dma_wait3A_1044, %dma_wait3A_1045] : memref<32x1024xf32, #tpu.memory_space<vmem>> -> memref<32x128xf32, #tpu.memory_space<vmem>>
      %dma_wait3A_1047 = arith.constant 0 : i32
      %dma_wait3A_1048 = arith.constant 0 : i32
      %dma_wait3A_1049 = tpu.memref_slice %arg4[%dma_wait3A_1047, %dma_wait3A_1048] : memref<32x1000000xf32, #tpu.memory_space<hbm>> -> memref<32x128xf32, #tpu.memory_space<hbm>>
      tpu.wait_dma2 semaphore(%arg16 : memref<!tpu.dma_semaphore, #tpu.memory_space<semaphore_mem>>) src(%dma_wait3A_1049 : memref<32x128xf32, #tpu.memory_space<hbm>>) dst(%dma_wait3A_1046 : memref<32x128xf32, #tpu.memory_space<vmem>>)
      %dma_wait3A_1050 = arith.constant 0 : i32
      %dma_wait3A_1051 = arith.constant 0 : i32
      %dma_wait3A_1052 = tpu.memref_slice %arg12[%dma_wait3A_1050, %dma_wait3A_1051] : memref<32x1024xf32, #tpu.memory_space<vmem>> -> memref<32x128xf32, #tpu.memory_space<vmem>>
      %dma_wait3A_1053 = arith.constant 0 : i32
      %dma_wait3A_1054 = arith.constant 0 : i32
      %dma_wait3A_1055 = tpu.memref_slice %arg5[%dma_wait3A_1053, %dma_wait3A_1054] : memref<32x1000000xf32, #tpu.memory_space<hbm>> -> memref<32x128xf32, #tpu.memory_space<hbm>>
      %dma_wait3A_1056 = arith.constant 0 : i32
      %dma_wait3A_1057 = arith.constant 0 : i32
      %dma_wait3A_1058 = tpu.memref_slice %arg12[%dma_wait3A_1056, %dma_wait3A_1057] : memref<32x1024xf32, #tpu.memory_space<vmem>> -> memref<32x128xf32, #tpu.memory_space<vmem>>
      %dma_wait3A_1059 = arith.constant 0 : i32
      %dma_wait3A_1060 = arith.constant 0 : i32
      %dma_wait3A_1061 = tpu.memref_slice %arg5[%dma_wait3A_1059, %dma_wait3A_1060] : memref<32x1000000xf32, #tpu.memory_space<hbm>> -> memref<32x128xf32, #tpu.memory_space<hbm>>
      tpu.wait_dma2 semaphore(%arg16 : memref<!tpu.dma_semaphore, #tpu.memory_space<semaphore_mem>>) src(%dma_wait3A_1061 : memref<32x128xf32, #tpu.memory_space<hbm>>) dst(%dma_wait3A_1058 : memref<32x128xf32, #tpu.memory_space<vmem>>)
      %broadcast_in_dim3A_1062 = arith.constant 0 : i32
      %broadcast_in_dim3A_1063 = vector.broadcast %broadcast_in_dim3A_1062 : i32 to vector<16xi32>
      %slice3A_1064 = vector.extract_strided_slice %get3A_24 {offsets = [8], sizes = [1], strides = [1]} : vector<16xi32> to vector<1xi32>
      %squeeze3A_1065 = vector.extract %slice3A_1064[0] : i32 from vector<1xi32>
      %and3A_1066 = arith.constant 127 : i32
      %and3A_1067 = arith.andi %squeeze3A_1065, %and3A_1066 : i32
      %add3A_1068 = vector.broadcast %and3A_1067 : i32 to vector<16xi32>
      %add3A_1069 = arith.addi %broadcast_in_dim3A_1063, %add3A_1068 : vector<16xi32>
      %broadcast_in_dim3A_1070 = arith.constant 0 : i32
      %broadcast_in_dim3A_1071 = vector.broadcast %broadcast_in_dim3A_1070 : i32 to vector<16xi32>
      %slice3A_1072 = vector.extract_strided_slice %get3A_29 {offsets = [8], sizes = [1], strides = [1]} : vector<16xi32> to vector<1xi32>
      %squeeze3A_1073 = vector.extract %slice3A_1072[0] : i32 from vector<1xi32>
      %and3A_1074 = arith.constant 127 : i32
      %and3A_1075 = arith.andi %squeeze3A_1073, %and3A_1074 : i32
      %add3A_1076 = vector.broadcast %and3A_1075 : i32 to vector<16xi32>
      %add3A_1077 = arith.addi %broadcast_in_dim3A_1071, %add3A_1076 : vector<16xi32>
      %gather3A_1078 = tpu.vector_load_idx %arg11[%iota3A_12, %add3A_1069] : memref<32x1024xf32, #tpu.memory_space<vmem>>[vector<16xi32>, vector<16xi32>], vector<16xf32>,
      %gather3A_1079 = tpu.vector_load_idx %arg11[%add3A_15, %add3A_1069] : memref<32x1024xf32, #tpu.memory_space<vmem>>[vector<16xi32>, vector<16xi32>], vector<16xf32>,
      %gather3A_1080 = tpu.vector_load_idx %arg12[%iota3A_12, %add3A_1077] : memref<32x1024xf32, #tpu.memory_space<vmem>>[vector<16xi32>, vector<16xi32>], vector<16xf32>,
      %gather3A_1081 = tpu.vector_load_idx %arg12[%add3A_15, %add3A_1077] : memref<32x1024xf32, #tpu.memory_space<vmem>>[vector<16xi32>, vector<16xi32>], vector<16xf32>,
      %mul3A_1082 = arith.mulf %gather3A_1078, %gather3A_1080 : vector<16xf32>
      %mul3A_1083 = arith.mulf %mul3A_1082, %get3A_5 : vector<16xf32>
      %mul3A_1084 = arith.mulf %gather3A_1079, %gather3A_1081 : vector<16xf32>
      %mul3A_1085 = arith.mulf %mul3A_1084, %get3A_9 : vector<16xf32>
      %add3A_1086 = arith.addf %mul3A_1083, %mul3A_1085 : vector<16xf32>
      %eq3A_1087 = arith.constant 8 : i32
      %eq3A_1088 = vector.broadcast %eq3A_1087 : i32 to vector<16xi32>
      %eq3A_1089 = arith.cmpi eq, %iota3A, %eq3A_1088 : vector<16xi32>
      %reduce_sum3A_1090 = arith.constant true
      %reduce_sum3A_1091 = vector.broadcast %reduce_sum3A_1090 : i1 to vector<16xi1>
      %reduce_sum3A_1092 = tpu.scan <sum>, %add3A_1086 masked %reduce_sum3A_1091 : vector<16xf32>, vector<16xi1> -> vector<16xf32>
      %reduce_sum3A_1093 = vector.extract %reduce_sum3A_1092[15] : f32 from vector<16xf32>
      %add3A_1094 = vector.broadcast %reduce_sum3A_1093 : f32 to vector<16xf32>
      %add3A_1095 = arith.addf %broadcast_in_dim3A, %add3A_1094 : vector<16xf32>
      %select_n3A_1096 = arith.select %eq3A_1089, %add3A_1095, %select_n3A_1003 : vector<16xi1>, vector<16xf32>
      %dma_wait3A_1097 = arith.constant 0 : i32
      %dma_wait3A_1098 = arith.constant 128 : i32
      %dma_wait3A_1099 = tpu.memref_slice %arg11[%dma_wait3A_1097, %dma_wait3A_1098] : memref<32x1024xf32, #tpu.memory_space<vmem>> -> memref<32x128xf32, #tpu.memory_space<vmem>>
      %dma_wait3A_1100 = arith.constant 0 : i32
      %dma_wait3A_1101 = arith.constant 0 : i32
      %dma_wait3A_1102 = tpu.memref_slice %arg4[%dma_wait3A_1100, %dma_wait3A_1101] : memref<32x1000000xf32, #tpu.memory_space<hbm>> -> memref<32x128xf32, #tpu.memory_space<hbm>>
      %dma_wait3A_1103 = arith.constant 0 : i32
      %dma_wait3A_1104 = arith.constant 128 : i32
      %dma_wait3A_1105 = tpu.memref_slice %arg11[%dma_wait3A_1103, %dma_wait3A_1104] : memref<32x1024xf32, #tpu.memory_space<vmem>> -> memref<32x128xf32, #tpu.memory_space<vmem>>
      %dma_wait3A_1106 = arith.constant 0 : i32
      %dma_wait3A_1107 = arith.constant 0 : i32
      %dma_wait3A_1108 = tpu.memref_slice %arg4[%dma_wait3A_1106, %dma_wait3A_1107] : memref<32x1000000xf32, #tpu.memory_space<hbm>> -> memref<32x128xf32, #tpu.memory_space<hbm>>
      tpu.wait_dma2 semaphore(%arg17 : memref<!tpu.dma_semaphore, #tpu.memory_space<semaphore_mem>>) src(%dma_wait3A_1108 : memref<32x128xf32, #tpu.memory_space<hbm>>) dst(%dma_wait3A_1105 : memref<32x128xf32, #tpu.memory_space<vmem>>)
      %dma_wait3A_1109 = arith.constant 0 : i32
      %dma_wait3A_1110 = arith.constant 128 : i32
      %dma_wait3A_1111 = tpu.memref_slice %arg12[%dma_wait3A_1109, %dma_wait3A_1110] : memref<32x1024xf32, #tpu.memory_space<vmem>> -> memref<32x128xf32, #tpu.memory_space<vmem>>
      %dma_wait3A_1112 = arith.constant 0 : i32
      %dma_wait3A_1113 = arith.constant 0 : i32
      %dma_wait3A_1114 = tpu.memref_slice %arg5[%dma_wait3A_1112, %dma_wait3A_1113] : memref<32x1000000xf32, #tpu.memory_space<hbm>> -> memref<32x128xf32, #tpu.memory_space<hbm>>
      %dma_wait3A_1115 = arith.constant 0 : i32
      %dma_wait3A_1116 = arith.constant 128 : i32
      %dma_wait3A_1117 = tpu.memref_slice %arg12[%dma_wait3A_1115, %dma_wait3A_1116] : memref<32x1024xf32, #tpu.memory_space<vmem>> -> memref<32x128xf32, #tpu.memory_space<vmem>>
      %dma_wait3A_1118 = arith.constant 0 : i32
      %dma_wait3A_1119 = arith.constant 0 : i32
      %dma_wait3A_1120 = tpu.memref_slice %arg5[%dma_wait3A_1118, %dma_wait3A_1119] : memref<32x1000000xf32, #tpu.memory_space<hbm>> -> memref<32x128xf32, #tpu.memory_space<hbm>>
      tpu.wait_dma2 semaphore(%arg17 : memref<!tpu.dma_semaphore, #tpu.memory_space<semaphore_mem>>) src(%dma_wait3A_1120 : memref<32x128xf32, #tpu.memory_space<hbm>>) dst(%dma_wait3A_1117 : memref<32x128xf32, #tpu.memory_space<vmem>>)
      %broadcast_in_dim3A_1121 = arith.constant 128 : i32
      %broadcast_in_dim3A_1122 = vector.broadcast %broadcast_in_dim3A_1121 : i32 to vector<16xi32>
      %slice3A_1123 = vector.extract_strided_slice %get3A_24 {offsets = [9], sizes = [1], strides = [1]} : vector<16xi32> to vector<1xi32>
      %squeeze3A_1124 = vector.extract %slice3A_1123[0] : i32 from vector<1xi32>
      %and3A_1125 = arith.constant 127 : i32
      %and3A_1126 = arith.andi %squeeze3A_1124, %and3A_1125 : i32
      %add3A_1127 = vector.broadcast %and3A_1126 : i32 to vector<16xi32>
      %add3A_1128 = arith.addi %broadcast_in_dim3A_1122, %add3A_1127 : vector<16xi32>
      %broadcast_in_dim3A_1129 = arith.constant 128 : i32
      %broadcast_in_dim3A_1130 = vector.broadcast %broadcast_in_dim3A_1129 : i32 to vector<16xi32>
      %slice3A_1131 = vector.extract_strided_slice %get3A_29 {offsets = [9], sizes = [1], strides = [1]} : vector<16xi32> to vector<1xi32>
      %squeeze3A_1132 = vector.extract %slice3A_1131[0] : i32 from vector<1xi32>
      %and3A_1133 = arith.constant 127 : i32
      %and3A_1134 = arith.andi %squeeze3A_1132, %and3A_1133 : i32
      %add3A_1135 = vector.broadcast %and3A_1134 : i32 to vector<16xi32>
      %add3A_1136 = arith.addi %broadcast_in_dim3A_1130, %add3A_1135 : vector<16xi32>
      %gather3A_1137 = tpu.vector_load_idx %arg11[%iota3A_12, %add3A_1128] : memref<32x1024xf32, #tpu.memory_space<vmem>>[vector<16xi32>, vector<16xi32>], vector<16xf32>,
      %gather3A_1138 = tpu.vector_load_idx %arg11[%add3A_15, %add3A_1128] : memref<32x1024xf32, #tpu.memory_space<vmem>>[vector<16xi32>, vector<16xi32>], vector<16xf32>,
      %gather3A_1139 = tpu.vector_load_idx %arg12[%iota3A_12, %add3A_1136] : memref<32x1024xf32, #tpu.memory_space<vmem>>[vector<16xi32>, vector<16xi32>], vector<16xf32>,
      %gather3A_1140 = tpu.vector_load_idx %arg12[%add3A_15, %add3A_1136] : memref<32x1024xf32, #tpu.memory_space<vmem>>[vector<16xi32>, vector<16xi32>], vector<16xf32>,
      %mul3A_1141 = arith.mulf %gather3A_1137, %gather3A_1139 : vector<16xf32>
      %mul3A_1142 = arith.mulf %mul3A_1141, %get3A_5 : vector<16xf32>
      %mul3A_1143 = arith.mulf %gather3A_1138, %gather3A_1140 : vector<16xf32>
      %mul3A_1144 = arith.mulf %mul3A_1143, %get3A_9 : vector<16xf32>
      %add3A_1145 = arith.addf %mul3A_1142, %mul3A_1144 : vector<16xf32>
      %eq3A_1146 = arith.constant 9 : i32
      %eq3A_1147 = vector.broadcast %eq3A_1146 : i32 to vector<16xi32>
      %eq3A_1148 = arith.cmpi eq, %iota3A, %eq3A_1147 : vector<16xi32>
      %reduce_sum3A_1149 = arith.constant true
      %reduce_sum3A_1150 = vector.broadcast %reduce_sum3A_1149 : i1 to vector<16xi1>
      %reduce_sum3A_1151 = tpu.scan <sum>, %add3A_1145 masked %reduce_sum3A_1150 : vector<16xf32>, vector<16xi1> -> vector<16xf32>
      %reduce_sum3A_1152 = vector.extract %reduce_sum3A_1151[15] : f32 from vector<16xf32>
      %add3A_1153 = vector.broadcast %reduce_sum3A_1152 : f32 to vector<16xf32>
      %add3A_1154 = arith.addf %broadcast_in_dim3A, %add3A_1153 : vector<16xf32>
      %select_n3A_1155 = arith.select %eq3A_1148, %add3A_1154, %select_n3A_1096 : vector<16xi1>, vector<16xf32>
      %dma_wait3A_1156 = arith.constant 0 : i32
      %dma_wait3A_1157 = arith.constant 256 : i32
      %dma_wait3A_1158 = tpu.memref_slice %arg11[%dma_wait3A_1156, %dma_wait3A_1157] : memref<32x1024xf32, #tpu.memory_space<vmem>> -> memref<32x128xf32, #tpu.memory_space<vmem>>
      %dma_wait3A_1159 = arith.constant 0 : i32
      %dma_wait3A_1160 = arith.constant 0 : i32
      %dma_wait3A_1161 = tpu.memref_slice %arg4[%dma_wait3A_1159, %dma_wait3A_1160] : memref<32x1000000xf32, #tpu.memory_space<hbm>> -> memref<32x128xf32, #tpu.memory_space<hbm>>
      %dma_wait3A_1162 = arith.constant 0 : i32
      %dma_wait3A_1163 = arith.constant 256 : i32
      %dma_wait3A_1164 = tpu.memref_slice %arg11[%dma_wait3A_1162, %dma_wait3A_1163] : memref<32x1024xf32, #tpu.memory_space<vmem>> -> memref<32x128xf32, #tpu.memory_space<vmem>>
      %dma_wait3A_1165 = arith.constant 0 : i32
      %dma_wait3A_1166 = arith.constant 0 : i32
      %dma_wait3A_1167 = tpu.memref_slice %arg4[%dma_wait3A_1165, %dma_wait3A_1166] : memref<32x1000000xf32, #tpu.memory_space<hbm>> -> memref<32x128xf32, #tpu.memory_space<hbm>>
      tpu.wait_dma2 semaphore(%arg18 : memref<!tpu.dma_semaphore, #tpu.memory_space<semaphore_mem>>) src(%dma_wait3A_1167 : memref<32x128xf32, #tpu.memory_space<hbm>>) dst(%dma_wait3A_1164 : memref<32x128xf32, #tpu.memory_space<vmem>>)
      %dma_wait3A_1168 = arith.constant 0 : i32
      %dma_wait3A_1169 = arith.constant 256 : i32
      %dma_wait3A_1170 = tpu.memref_slice %arg12[%dma_wait3A_1168, %dma_wait3A_1169] : memref<32x1024xf32, #tpu.memory_space<vmem>> -> memref<32x128xf32, #tpu.memory_space<vmem>>
      %dma_wait3A_1171 = arith.constant 0 : i32
      %dma_wait3A_1172 = arith.constant 0 : i32
      %dma_wait3A_1173 = tpu.memref_slice %arg5[%dma_wait3A_1171, %dma_wait3A_1172] : memref<32x1000000xf32, #tpu.memory_space<hbm>> -> memref<32x128xf32, #tpu.memory_space<hbm>>
      %dma_wait3A_1174 = arith.constant 0 : i32
      %dma_wait3A_1175 = arith.constant 256 : i32
      %dma_wait3A_1176 = tpu.memref_slice %arg12[%dma_wait3A_1174, %dma_wait3A_1175] : memref<32x1024xf32, #tpu.memory_space<vmem>> -> memref<32x128xf32, #tpu.memory_space<vmem>>
      %dma_wait3A_1177 = arith.constant 0 : i32
      %dma_wait3A_1178 = arith.constant 0 : i32
      %dma_wait3A_1179 = tpu.memref_slice %arg5[%dma_wait3A_1177, %dma_wait3A_1178] : memref<32x1000000xf32, #tpu.memory_space<hbm>> -> memref<32x128xf32, #tpu.memory_space<hbm>>
      tpu.wait_dma2 semaphore(%arg18 : memref<!tpu.dma_semaphore, #tpu.memory_space<semaphore_mem>>) src(%dma_wait3A_1179 : memref<32x128xf32, #tpu.memory_space<hbm>>) dst(%dma_wait3A_1176 : memref<32x128xf32, #tpu.memory_space<vmem>>)
      %broadcast_in_dim3A_1180 = arith.constant 256 : i32
      %broadcast_in_dim3A_1181 = vector.broadcast %broadcast_in_dim3A_1180 : i32 to vector<16xi32>
      %slice3A_1182 = vector.extract_strided_slice %get3A_24 {offsets = [10], sizes = [1], strides = [1]} : vector<16xi32> to vector<1xi32>
      %squeeze3A_1183 = vector.extract %slice3A_1182[0] : i32 from vector<1xi32>
      %and3A_1184 = arith.constant 127 : i32
      %and3A_1185 = arith.andi %squeeze3A_1183, %and3A_1184 : i32
      %add3A_1186 = vector.broadcast %and3A_1185 : i32 to vector<16xi32>
      %add3A_1187 = arith.addi %broadcast_in_dim3A_1181, %add3A_1186 : vector<16xi32>
      %broadcast_in_dim3A_1188 = arith.constant 256 : i32
      %broadcast_in_dim3A_1189 = vector.broadcast %broadcast_in_dim3A_1188 : i32 to vector<16xi32>
      %slice3A_1190 = vector.extract_strided_slice %get3A_29 {offsets = [10], sizes = [1], strides = [1]} : vector<16xi32> to vector<1xi32>
      %squeeze3A_1191 = vector.extract %slice3A_1190[0] : i32 from vector<1xi32>
      %and3A_1192 = arith.constant 127 : i32
      %and3A_1193 = arith.andi %squeeze3A_1191, %and3A_1192 : i32
      %add3A_1194 = vector.broadcast %and3A_1193 : i32 to vector<16xi32>
      %add3A_1195 = arith.addi %broadcast_in_dim3A_1189, %add3A_1194 : vector<16xi32>
      %gather3A_1196 = tpu.vector_load_idx %arg11[%iota3A_12, %add3A_1187] : memref<32x1024xf32, #tpu.memory_space<vmem>>[vector<16xi32>, vector<16xi32>], vector<16xf32>,
      %gather3A_1197 = tpu.vector_load_idx %arg11[%add3A_15, %add3A_1187] : memref<32x1024xf32, #tpu.memory_space<vmem>>[vector<16xi32>, vector<16xi32>], vector<16xf32>,
      %gather3A_1198 = tpu.vector_load_idx %arg12[%iota3A_12, %add3A_1195] : memref<32x1024xf32, #tpu.memory_space<vmem>>[vector<16xi32>, vector<16xi32>], vector<16xf32>,
      %gather3A_1199 = tpu.vector_load_idx %arg12[%add3A_15, %add3A_1195] : memref<32x1024xf32, #tpu.memory_space<vmem>>[vector<16xi32>, vector<16xi32>], vector<16xf32>,
      %mul3A_1200 = arith.mulf %gather3A_1196, %gather3A_1198 : vector<16xf32>
      %mul3A_1201 = arith.mulf %mul3A_1200, %get3A_5 : vector<16xf32>
      %mul3A_1202 = arith.mulf %gather3A_1197, %gather3A_1199 : vector<16xf32>
      %mul3A_1203 = arith.mulf %mul3A_1202, %get3A_9 : vector<16xf32>
      %add3A_1204 = arith.addf %mul3A_1201, %mul3A_1203 : vector<16xf32>
      %eq3A_1205 = arith.constant 10 : i32
      %eq3A_1206 = vector.broadcast %eq3A_1205 : i32 to vector<16xi32>
      %eq3A_1207 = arith.cmpi eq, %iota3A, %eq3A_1206 : vector<16xi32>
      %reduce_sum3A_1208 = arith.constant true
      %reduce_sum3A_1209 = vector.broadcast %reduce_sum3A_1208 : i1 to vector<16xi1>
      %reduce_sum3A_1210 = tpu.scan <sum>, %add3A_1204 masked %reduce_sum3A_1209 : vector<16xf32>, vector<16xi1> -> vector<16xf32>
      %reduce_sum3A_1211 = vector.extract %reduce_sum3A_1210[15] : f32 from vector<16xf32>
      %add3A_1212 = vector.broadcast %reduce_sum3A_1211 : f32 to vector<16xf32>
      %add3A_1213 = arith.addf %broadcast_in_dim3A, %add3A_1212 : vector<16xf32>
      %select_n3A_1214 = arith.select %eq3A_1207, %add3A_1213, %select_n3A_1155 : vector<16xi1>, vector<16xf32>
      %dma_wait3A_1215 = arith.constant 0 : i32
      %dma_wait3A_1216 = arith.constant 384 : i32
      %dma_wait3A_1217 = tpu.memref_slice %arg11[%dma_wait3A_1215, %dma_wait3A_1216] : memref<32x1024xf32, #tpu.memory_space<vmem>> -> memref<32x128xf32, #tpu.memory_space<vmem>>
      %dma_wait3A_1218 = arith.constant 0 : i32
      %dma_wait3A_1219 = arith.constant 0 : i32
      %dma_wait3A_1220 = tpu.memref_slice %arg4[%dma_wait3A_1218, %dma_wait3A_1219] : memref<32x1000000xf32, #tpu.memory_space<hbm>> -> memref<32x128xf32, #tpu.memory_space<hbm>>
      %dma_wait3A_1221 = arith.constant 0 : i32
      %dma_wait3A_1222 = arith.constant 384 : i32
      %dma_wait3A_1223 = tpu.memref_slice %arg11[%dma_wait3A_1221, %dma_wait3A_1222] : memref<32x1024xf32, #tpu.memory_space<vmem>> -> memref<32x128xf32, #tpu.memory_space<vmem>>
      %dma_wait3A_1224 = arith.constant 0 : i32
      %dma_wait3A_1225 = arith.constant 0 : i32
      %dma_wait3A_1226 = tpu.memref_slice %arg4[%dma_wait3A_1224, %dma_wait3A_1225] : memref<32x1000000xf32, #tpu.memory_space<hbm>> -> memref<32x128xf32, #tpu.memory_space<hbm>>
      tpu.wait_dma2 semaphore(%arg19 : memref<!tpu.dma_semaphore, #tpu.memory_space<semaphore_mem>>) src(%dma_wait3A_1226 : memref<32x128xf32, #tpu.memory_space<hbm>>) dst(%dma_wait3A_1223 : memref<32x128xf32, #tpu.memory_space<vmem>>)
      %dma_wait3A_1227 = arith.constant 0 : i32
      %dma_wait3A_1228 = arith.constant 384 : i32
      %dma_wait3A_1229 = tpu.memref_slice %arg12[%dma_wait3A_1227, %dma_wait3A_1228] : memref<32x1024xf32, #tpu.memory_space<vmem>> -> memref<32x128xf32, #tpu.memory_space<vmem>>
      %dma_wait3A_1230 = arith.constant 0 : i32
      %dma_wait3A_1231 = arith.constant 0 : i32
      %dma_wait3A_1232 = tpu.memref_slice %arg5[%dma_wait3A_1230, %dma_wait3A_1231] : memref<32x1000000xf32, #tpu.memory_space<hbm>> -> memref<32x128xf32, #tpu.memory_space<hbm>>
      %dma_wait3A_1233 = arith.constant 0 : i32
      %dma_wait3A_1234 = arith.constant 384 : i32
      %dma_wait3A_1235 = tpu.memref_slice %arg12[%dma_wait3A_1233, %dma_wait3A_1234] : memref<32x1024xf32, #tpu.memory_space<vmem>> -> memref<32x128xf32, #tpu.memory_space<vmem>>
      %dma_wait3A_1236 = arith.constant 0 : i32
      %dma_wait3A_1237 = arith.constant 0 : i32
      %dma_wait3A_1238 = tpu.memref_slice %arg5[%dma_wait3A_1236, %dma_wait3A_1237] : memref<32x1000000xf32, #tpu.memory_space<hbm>> -> memref<32x128xf32, #tpu.memory_space<hbm>>
      tpu.wait_dma2 semaphore(%arg19 : memref<!tpu.dma_semaphore, #tpu.memory_space<semaphore_mem>>) src(%dma_wait3A_1238 : memref<32x128xf32, #tpu.memory_space<hbm>>) dst(%dma_wait3A_1235 : memref<32x128xf32, #tpu.memory_space<vmem>>)
      %broadcast_in_dim3A_1239 = arith.constant 384 : i32
      %broadcast_in_dim3A_1240 = vector.broadcast %broadcast_in_dim3A_1239 : i32 to vector<16xi32>
      %slice3A_1241 = vector.extract_strided_slice %get3A_24 {offsets = [11], sizes = [1], strides = [1]} : vector<16xi32> to vector<1xi32>
      %squeeze3A_1242 = vector.extract %slice3A_1241[0] : i32 from vector<1xi32>
      %and3A_1243 = arith.constant 127 : i32
      %and3A_1244 = arith.andi %squeeze3A_1242, %and3A_1243 : i32
      %add3A_1245 = vector.broadcast %and3A_1244 : i32 to vector<16xi32>
      %add3A_1246 = arith.addi %broadcast_in_dim3A_1240, %add3A_1245 : vector<16xi32>
      %broadcast_in_dim3A_1247 = arith.constant 384 : i32
      %broadcast_in_dim3A_1248 = vector.broadcast %broadcast_in_dim3A_1247 : i32 to vector<16xi32>
      %slice3A_1249 = vector.extract_strided_slice %get3A_29 {offsets = [11], sizes = [1], strides = [1]} : vector<16xi32> to vector<1xi32>
      %squeeze3A_1250 = vector.extract %slice3A_1249[0] : i32 from vector<1xi32>
      %and3A_1251 = arith.constant 127 : i32
      %and3A_1252 = arith.andi %squeeze3A_1250, %and3A_1251 : i32
      %add3A_1253 = vector.broadcast %and3A_1252 : i32 to vector<16xi32>
      %add3A_1254 = arith.addi %broadcast_in_dim3A_1248, %add3A_1253 : vector<16xi32>
      %gather3A_1255 = tpu.vector_load_idx %arg11[%iota3A_12, %add3A_1246] : memref<32x1024xf32, #tpu.memory_space<vmem>>[vector<16xi32>, vector<16xi32>], vector<16xf32>,
      %gather3A_1256 = tpu.vector_load_idx %arg11[%add3A_15, %add3A_1246] : memref<32x1024xf32, #tpu.memory_space<vmem>>[vector<16xi32>, vector<16xi32>], vector<16xf32>,
      %gather3A_1257 = tpu.vector_load_idx %arg12[%iota3A_12, %add3A_1254] : memref<32x1024xf32, #tpu.memory_space<vmem>>[vector<16xi32>, vector<16xi32>], vector<16xf32>,
      %gather3A_1258 = tpu.vector_load_idx %arg12[%add3A_15, %add3A_1254] : memref<32x1024xf32, #tpu.memory_space<vmem>>[vector<16xi32>, vector<16xi32>], vector<16xf32>,
      %mul3A_1259 = arith.mulf %gather3A_1255, %gather3A_1257 : vector<16xf32>
      %mul3A_1260 = arith.mulf %mul3A_1259, %get3A_5 : vector<16xf32>
      %mul3A_1261 = arith.mulf %gather3A_1256, %gather3A_1258 : vector<16xf32>
      %mul3A_1262 = arith.mulf %mul3A_1261, %get3A_9 : vector<16xf32>
      %add3A_1263 = arith.addf %mul3A_1260, %mul3A_1262 : vector<16xf32>
      %eq3A_1264 = arith.constant 11 : i32
      %eq3A_1265 = vector.broadcast %eq3A_1264 : i32 to vector<16xi32>
      %eq3A_1266 = arith.cmpi eq, %iota3A, %eq3A_1265 : vector<16xi32>
      %reduce_sum3A_1267 = arith.constant true
      %reduce_sum3A_1268 = vector.broadcast %reduce_sum3A_1267 : i1 to vector<16xi1>
      %reduce_sum3A_1269 = tpu.scan <sum>, %add3A_1263 masked %reduce_sum3A_1268 : vector<16xf32>, vector<16xi1> -> vector<16xf32>
      %reduce_sum3A_1270 = vector.extract %reduce_sum3A_1269[15] : f32 from vector<16xf32>
      %add3A_1271 = vector.broadcast %reduce_sum3A_1270 : f32 to vector<16xf32>
      %add3A_1272 = arith.addf %broadcast_in_dim3A, %add3A_1271 : vector<16xf32>
      %select_n3A_1273 = arith.select %eq3A_1266, %add3A_1272, %select_n3A_1214 : vector<16xi1>, vector<16xf32>
      %dma_wait3A_1274 = arith.constant 0 : i32
      %dma_wait3A_1275 = arith.constant 512 : i32
      %dma_wait3A_1276 = tpu.memref_slice %arg11[%dma_wait3A_1274, %dma_wait3A_1275] : memref<32x1024xf32, #tpu.memory_space<vmem>> -> memref<32x128xf32, #tpu.memory_space<vmem>>
      %dma_wait3A_1277 = arith.constant 0 : i32
      %dma_wait3A_1278 = arith.constant 0 : i32
      %dma_wait3A_1279 = tpu.memref_slice %arg4[%dma_wait3A_1277, %dma_wait3A_1278] : memref<32x1000000xf32, #tpu.memory_space<hbm>> -> memref<32x128xf32, #tpu.memory_space<hbm>>
      %dma_wait3A_1280 = arith.constant 0 : i32
      %dma_wait3A_1281 = arith.constant 512 : i32
      %dma_wait3A_1282 = tpu.memref_slice %arg11[%dma_wait3A_1280, %dma_wait3A_1281] : memref<32x1024xf32, #tpu.memory_space<vmem>> -> memref<32x128xf32, #tpu.memory_space<vmem>>
      %dma_wait3A_1283 = arith.constant 0 : i32
      %dma_wait3A_1284 = arith.constant 0 : i32
      %dma_wait3A_1285 = tpu.memref_slice %arg4[%dma_wait3A_1283, %dma_wait3A_1284] : memref<32x1000000xf32, #tpu.memory_space<hbm>> -> memref<32x128xf32, #tpu.memory_space<hbm>>
      tpu.wait_dma2 semaphore(%arg20 : memref<!tpu.dma_semaphore, #tpu.memory_space<semaphore_mem>>) src(%dma_wait3A_1285 : memref<32x128xf32, #tpu.memory_space<hbm>>) dst(%dma_wait3A_1282 : memref<32x128xf32, #tpu.memory_space<vmem>>)
      %dma_wait3A_1286 = arith.constant 0 : i32
      %dma_wait3A_1287 = arith.constant 512 : i32
      %dma_wait3A_1288 = tpu.memref_slice %arg12[%dma_wait3A_1286, %dma_wait3A_1287] : memref<32x1024xf32, #tpu.memory_space<vmem>> -> memref<32x128xf32, #tpu.memory_space<vmem>>
      %dma_wait3A_1289 = arith.constant 0 : i32
      %dma_wait3A_1290 = arith.constant 0 : i32
      %dma_wait3A_1291 = tpu.memref_slice %arg5[%dma_wait3A_1289, %dma_wait3A_1290] : memref<32x1000000xf32, #tpu.memory_space<hbm>> -> memref<32x128xf32, #tpu.memory_space<hbm>>
      %dma_wait3A_1292 = arith.constant 0 : i32
      %dma_wait3A_1293 = arith.constant 512 : i32
      %dma_wait3A_1294 = tpu.memref_slice %arg12[%dma_wait3A_1292, %dma_wait3A_1293] : memref<32x1024xf32, #tpu.memory_space<vmem>> -> memref<32x128xf32, #tpu.memory_space<vmem>>
      %dma_wait3A_1295 = arith.constant 0 : i32
      %dma_wait3A_1296 = arith.constant 0 : i32
      %dma_wait3A_1297 = tpu.memref_slice %arg5[%dma_wait3A_1295, %dma_wait3A_1296] : memref<32x1000000xf32, #tpu.memory_space<hbm>> -> memref<32x128xf32, #tpu.memory_space<hbm>>
      tpu.wait_dma2 semaphore(%arg20 : memref<!tpu.dma_semaphore, #tpu.memory_space<semaphore_mem>>) src(%dma_wait3A_1297 : memref<32x128xf32, #tpu.memory_space<hbm>>) dst(%dma_wait3A_1294 : memref<32x128xf32, #tpu.memory_space<vmem>>)
      %broadcast_in_dim3A_1298 = arith.constant 512 : i32
      %broadcast_in_dim3A_1299 = vector.broadcast %broadcast_in_dim3A_1298 : i32 to vector<16xi32>
      %slice3A_1300 = vector.extract_strided_slice %get3A_24 {offsets = [12], sizes = [1], strides = [1]} : vector<16xi32> to vector<1xi32>
      %squeeze3A_1301 = vector.extract %slice3A_1300[0] : i32 from vector<1xi32>
      %and3A_1302 = arith.constant 127 : i32
      %and3A_1303 = arith.andi %squeeze3A_1301, %and3A_1302 : i32
      %add3A_1304 = vector.broadcast %and3A_1303 : i32 to vector<16xi32>
      %add3A_1305 = arith.addi %broadcast_in_dim3A_1299, %add3A_1304 : vector<16xi32>
      %broadcast_in_dim3A_1306 = arith.constant 512 : i32
      %broadcast_in_dim3A_1307 = vector.broadcast %broadcast_in_dim3A_1306 : i32 to vector<16xi32>
      %slice3A_1308 = vector.extract_strided_slice %get3A_29 {offsets = [12], sizes = [1], strides = [1]} : vector<16xi32> to vector<1xi32>
      %squeeze3A_1309 = vector.extract %slice3A_1308[0] : i32 from vector<1xi32>
      %and3A_1310 = arith.constant 127 : i32
      %and3A_1311 = arith.andi %squeeze3A_1309, %and3A_1310 : i32
      %add3A_1312 = vector.broadcast %and3A_1311 : i32 to vector<16xi32>
      %add3A_1313 = arith.addi %broadcast_in_dim3A_1307, %add3A_1312 : vector<16xi32>
      %gather3A_1314 = tpu.vector_load_idx %arg11[%iota3A_12, %add3A_1305] : memref<32x1024xf32, #tpu.memory_space<vmem>>[vector<16xi32>, vector<16xi32>], vector<16xf32>,
      %gather3A_1315 = tpu.vector_load_idx %arg11[%add3A_15, %add3A_1305] : memref<32x1024xf32, #tpu.memory_space<vmem>>[vector<16xi32>, vector<16xi32>], vector<16xf32>,
      %gather3A_1316 = tpu.vector_load_idx %arg12[%iota3A_12, %add3A_1313] : memref<32x1024xf32, #tpu.memory_space<vmem>>[vector<16xi32>, vector<16xi32>], vector<16xf32>,
      %gather3A_1317 = tpu.vector_load_idx %arg12[%add3A_15, %add3A_1313] : memref<32x1024xf32, #tpu.memory_space<vmem>>[vector<16xi32>, vector<16xi32>], vector<16xf32>,
      %mul3A_1318 = arith.mulf %gather3A_1314, %gather3A_1316 : vector<16xf32>
      %mul3A_1319 = arith.mulf %mul3A_1318, %get3A_5 : vector<16xf32>
      %mul3A_1320 = arith.mulf %gather3A_1315, %gather3A_1317 : vector<16xf32>
      %mul3A_1321 = arith.mulf %mul3A_1320, %get3A_9 : vector<16xf32>
      %add3A_1322 = arith.addf %mul3A_1319, %mul3A_1321 : vector<16xf32>
      %eq3A_1323 = arith.constant 12 : i32
      %eq3A_1324 = vector.broadcast %eq3A_1323 : i32 to vector<16xi32>
      %eq3A_1325 = arith.cmpi eq, %iota3A, %eq3A_1324 : vector<16xi32>
      %reduce_sum3A_1326 = arith.constant true
      %reduce_sum3A_1327 = vector.broadcast %reduce_sum3A_1326 : i1 to vector<16xi1>
      %reduce_sum3A_1328 = tpu.scan <sum>, %add3A_1322 masked %reduce_sum3A_1327 : vector<16xf32>, vector<16xi1> -> vector<16xf32>
      %reduce_sum3A_1329 = vector.extract %reduce_sum3A_1328[15] : f32 from vector<16xf32>
      %add3A_1330 = vector.broadcast %reduce_sum3A_1329 : f32 to vector<16xf32>
      %add3A_1331 = arith.addf %broadcast_in_dim3A, %add3A_1330 : vector<16xf32>
      %select_n3A_1332 = arith.select %eq3A_1325, %add3A_1331, %select_n3A_1273 : vector<16xi1>, vector<16xf32>
      %dma_wait3A_1333 = arith.constant 0 : i32
      %dma_wait3A_1334 = arith.constant 640 : i32
      %dma_wait3A_1335 = tpu.memref_slice %arg11[%dma_wait3A_1333, %dma_wait3A_1334] : memref<32x1024xf32, #tpu.memory_space<vmem>> -> memref<32x128xf32, #tpu.memory_space<vmem>>
      %dma_wait3A_1336 = arith.constant 0 : i32
      %dma_wait3A_1337 = arith.constant 0 : i32
      %dma_wait3A_1338 = tpu.memref_slice %arg4[%dma_wait3A_1336, %dma_wait3A_1337] : memref<32x1000000xf32, #tpu.memory_space<hbm>> -> memref<32x128xf32, #tpu.memory_space<hbm>>
      %dma_wait3A_1339 = arith.constant 0 : i32
      %dma_wait3A_1340 = arith.constant 640 : i32
      %dma_wait3A_1341 = tpu.memref_slice %arg11[%dma_wait3A_1339, %dma_wait3A_1340] : memref<32x1024xf32, #tpu.memory_space<vmem>> -> memref<32x128xf32, #tpu.memory_space<vmem>>
      %dma_wait3A_1342 = arith.constant 0 : i32
      %dma_wait3A_1343 = arith.constant 0 : i32
      %dma_wait3A_1344 = tpu.memref_slice %arg4[%dma_wait3A_1342, %dma_wait3A_1343] : memref<32x1000000xf32, #tpu.memory_space<hbm>> -> memref<32x128xf32, #tpu.memory_space<hbm>>
      tpu.wait_dma2 semaphore(%arg21 : memref<!tpu.dma_semaphore, #tpu.memory_space<semaphore_mem>>) src(%dma_wait3A_1344 : memref<32x128xf32, #tpu.memory_space<hbm>>) dst(%dma_wait3A_1341 : memref<32x128xf32, #tpu.memory_space<vmem>>)
      %dma_wait3A_1345 = arith.constant 0 : i32
      %dma_wait3A_1346 = arith.constant 640 : i32
      %dma_wait3A_1347 = tpu.memref_slice %arg12[%dma_wait3A_1345, %dma_wait3A_1346] : memref<32x1024xf32, #tpu.memory_space<vmem>> -> memref<32x128xf32, #tpu.memory_space<vmem>>
      %dma_wait3A_1348 = arith.constant 0 : i32
      %dma_wait3A_1349 = arith.constant 0 : i32
      %dma_wait3A_1350 = tpu.memref_slice %arg5[%dma_wait3A_1348, %dma_wait3A_1349] : memref<32x1000000xf32, #tpu.memory_space<hbm>> -> memref<32x128xf32, #tpu.memory_space<hbm>>
      %dma_wait3A_1351 = arith.constant 0 : i32
      %dma_wait3A_1352 = arith.constant 640 : i32
      %dma_wait3A_1353 = tpu.memref_slice %arg12[%dma_wait3A_1351, %dma_wait3A_1352] : memref<32x1024xf32, #tpu.memory_space<vmem>> -> memref<32x128xf32, #tpu.memory_space<vmem>>
      %dma_wait3A_1354 = arith.constant 0 : i32
      %dma_wait3A_1355 = arith.constant 0 : i32
      %dma_wait3A_1356 = tpu.memref_slice %arg5[%dma_wait3A_1354, %dma_wait3A_1355] : memref<32x1000000xf32, #tpu.memory_space<hbm>> -> memref<32x128xf32, #tpu.memory_space<hbm>>
      tpu.wait_dma2 semaphore(%arg21 : memref<!tpu.dma_semaphore, #tpu.memory_space<semaphore_mem>>) src(%dma_wait3A_1356 : memref<32x128xf32, #tpu.memory_space<hbm>>) dst(%dma_wait3A_1353 : memref<32x128xf32, #tpu.memory_space<vmem>>)
      %broadcast_in_dim3A_1357 = arith.constant 640 : i32
      %broadcast_in_dim3A_1358 = vector.broadcast %broadcast_in_dim3A_1357 : i32 to vector<16xi32>
      %slice3A_1359 = vector.extract_strided_slice %get3A_24 {offsets = [13], sizes = [1], strides = [1]} : vector<16xi32> to vector<1xi32>
      %squeeze3A_1360 = vector.extract %slice3A_1359[0] : i32 from vector<1xi32>
      %and3A_1361 = arith.constant 127 : i32
      %and3A_1362 = arith.andi %squeeze3A_1360, %and3A_1361 : i32
      %add3A_1363 = vector.broadcast %and3A_1362 : i32 to vector<16xi32>
      %add3A_1364 = arith.addi %broadcast_in_dim3A_1358, %add3A_1363 : vector<16xi32>
      %broadcast_in_dim3A_1365 = arith.constant 640 : i32
      %broadcast_in_dim3A_1366 = vector.broadcast %broadcast_in_dim3A_1365 : i32 to vector<16xi32>
      %slice3A_1367 = vector.extract_strided_slice %get3A_29 {offsets = [13], sizes = [1], strides = [1]} : vector<16xi32> to vector<1xi32>
      %squeeze3A_1368 = vector.extract %slice3A_1367[0] : i32 from vector<1xi32>
      %and3A_1369 = arith.constant 127 : i32
      %and3A_1370 = arith.andi %squeeze3A_1368, %and3A_1369 : i32
      %add3A_1371 = vector.broadcast %and3A_1370 : i32 to vector<16xi32>
      %add3A_1372 = arith.addi %broadcast_in_dim3A_1366, %add3A_1371 : vector<16xi32>
      %gather3A_1373 = tpu.vector_load_idx %arg11[%iota3A_12, %add3A_1364] : memref<32x1024xf32, #tpu.memory_space<vmem>>[vector<16xi32>, vector<16xi32>], vector<16xf32>,
      %gather3A_1374 = tpu.vector_load_idx %arg11[%add3A_15, %add3A_1364] : memref<32x1024xf32, #tpu.memory_space<vmem>>[vector<16xi32>, vector<16xi32>], vector<16xf32>,
      %gather3A_1375 = tpu.vector_load_idx %arg12[%iota3A_12, %add3A_1372] : memref<32x1024xf32, #tpu.memory_space<vmem>>[vector<16xi32>, vector<16xi32>], vector<16xf32>,
      %gather3A_1376 = tpu.vector_load_idx %arg12[%add3A_15, %add3A_1372] : memref<32x1024xf32, #tpu.memory_space<vmem>>[vector<16xi32>, vector<16xi32>], vector<16xf32>,
      %mul3A_1377 = arith.mulf %gather3A_1373, %gather3A_1375 : vector<16xf32>
      %mul3A_1378 = arith.mulf %mul3A_1377, %get3A_5 : vector<16xf32>
      %mul3A_1379 = arith.mulf %gather3A_1374, %gather3A_1376 : vector<16xf32>
      %mul3A_1380 = arith.mulf %mul3A_1379, %get3A_9 : vector<16xf32>
      %add3A_1381 = arith.addf %mul3A_1378, %mul3A_1380 : vector<16xf32>
      %eq3A_1382 = arith.constant 13 : i32
      %eq3A_1383 = vector.broadcast %eq3A_1382 : i32 to vector<16xi32>
      %eq3A_1384 = arith.cmpi eq, %iota3A, %eq3A_1383 : vector<16xi32>
      %reduce_sum3A_1385 = arith.constant true
      %reduce_sum3A_1386 = vector.broadcast %reduce_sum3A_1385 : i1 to vector<16xi1>
      %reduce_sum3A_1387 = tpu.scan <sum>, %add3A_1381 masked %reduce_sum3A_1386 : vector<16xf32>, vector<16xi1> -> vector<16xf32>
      %reduce_sum3A_1388 = vector.extract %reduce_sum3A_1387[15] : f32 from vector<16xf32>
      %add3A_1389 = vector.broadcast %reduce_sum3A_1388 : f32 to vector<16xf32>
      %add3A_1390 = arith.addf %broadcast_in_dim3A, %add3A_1389 : vector<16xf32>
      %select_n3A_1391 = arith.select %eq3A_1384, %add3A_1390, %select_n3A_1332 : vector<16xi1>, vector<16xf32>
      %dma_wait3A_1392 = arith.constant 0 : i32
      %dma_wait3A_1393 = arith.constant 768 : i32
      %dma_wait3A_1394 = tpu.memref_slice %arg11[%dma_wait3A_1392, %dma_wait3A_1393] : memref<32x1024xf32, #tpu.memory_space<vmem>> -> memref<32x128xf32, #tpu.memory_space<vmem>>
      %dma_wait3A_1395 = arith.constant 0 : i32
      %dma_wait3A_1396 = arith.constant 0 : i32
      %dma_wait3A_1397 = tpu.memref_slice %arg4[%dma_wait3A_1395, %dma_wait3A_1396] : memref<32x1000000xf32, #tpu.memory_space<hbm>> -> memref<32x128xf32, #tpu.memory_space<hbm>>
      %dma_wait3A_1398 = arith.constant 0 : i32
      %dma_wait3A_1399 = arith.constant 768 : i32
      %dma_wait3A_1400 = tpu.memref_slice %arg11[%dma_wait3A_1398, %dma_wait3A_1399] : memref<32x1024xf32, #tpu.memory_space<vmem>> -> memref<32x128xf32, #tpu.memory_space<vmem>>
      %dma_wait3A_1401 = arith.constant 0 : i32
      %dma_wait3A_1402 = arith.constant 0 : i32
      %dma_wait3A_1403 = tpu.memref_slice %arg4[%dma_wait3A_1401, %dma_wait3A_1402] : memref<32x1000000xf32, #tpu.memory_space<hbm>> -> memref<32x128xf32, #tpu.memory_space<hbm>>
      tpu.wait_dma2 semaphore(%arg22 : memref<!tpu.dma_semaphore, #tpu.memory_space<semaphore_mem>>) src(%dma_wait3A_1403 : memref<32x128xf32, #tpu.memory_space<hbm>>) dst(%dma_wait3A_1400 : memref<32x128xf32, #tpu.memory_space<vmem>>)
      %dma_wait3A_1404 = arith.constant 0 : i32
      %dma_wait3A_1405 = arith.constant 768 : i32
      %dma_wait3A_1406 = tpu.memref_slice %arg12[%dma_wait3A_1404, %dma_wait3A_1405] : memref<32x1024xf32, #tpu.memory_space<vmem>> -> memref<32x128xf32, #tpu.memory_space<vmem>>
      %dma_wait3A_1407 = arith.constant 0 : i32
      %dma_wait3A_1408 = arith.constant 0 : i32
      %dma_wait3A_1409 = tpu.memref_slice %arg5[%dma_wait3A_1407, %dma_wait3A_1408] : memref<32x1000000xf32, #tpu.memory_space<hbm>> -> memref<32x128xf32, #tpu.memory_space<hbm>>
      %dma_wait3A_1410 = arith.constant 0 : i32
      %dma_wait3A_1411 = arith.constant 768 : i32
      %dma_wait3A_1412 = tpu.memref_slice %arg12[%dma_wait3A_1410, %dma_wait3A_1411] : memref<32x1024xf32, #tpu.memory_space<vmem>> -> memref<32x128xf32, #tpu.memory_space<vmem>>
      %dma_wait3A_1413 = arith.constant 0 : i32
      %dma_wait3A_1414 = arith.constant 0 : i32
      %dma_wait3A_1415 = tpu.memref_slice %arg5[%dma_wait3A_1413, %dma_wait3A_1414] : memref<32x1000000xf32, #tpu.memory_space<hbm>> -> memref<32x128xf32, #tpu.memory_space<hbm>>
      tpu.wait_dma2 semaphore(%arg22 : memref<!tpu.dma_semaphore, #tpu.memory_space<semaphore_mem>>) src(%dma_wait3A_1415 : memref<32x128xf32, #tpu.memory_space<hbm>>) dst(%dma_wait3A_1412 : memref<32x128xf32, #tpu.memory_space<vmem>>)
      %broadcast_in_dim3A_1416 = arith.constant 768 : i32
      %broadcast_in_dim3A_1417 = vector.broadcast %broadcast_in_dim3A_1416 : i32 to vector<16xi32>
      %slice3A_1418 = vector.extract_strided_slice %get3A_24 {offsets = [14], sizes = [1], strides = [1]} : vector<16xi32> to vector<1xi32>
      %squeeze3A_1419 = vector.extract %slice3A_1418[0] : i32 from vector<1xi32>
      %and3A_1420 = arith.constant 127 : i32
      %and3A_1421 = arith.andi %squeeze3A_1419, %and3A_1420 : i32
      %add3A_1422 = vector.broadcast %and3A_1421 : i32 to vector<16xi32>
      %add3A_1423 = arith.addi %broadcast_in_dim3A_1417, %add3A_1422 : vector<16xi32>
      %broadcast_in_dim3A_1424 = arith.constant 768 : i32
      %broadcast_in_dim3A_1425 = vector.broadcast %broadcast_in_dim3A_1424 : i32 to vector<16xi32>
      %slice3A_1426 = vector.extract_strided_slice %get3A_29 {offsets = [14], sizes = [1], strides = [1]} : vector<16xi32> to vector<1xi32>
      %squeeze3A_1427 = vector.extract %slice3A_1426[0] : i32 from vector<1xi32>
      %and3A_1428 = arith.constant 127 : i32
      %and3A_1429 = arith.andi %squeeze3A_1427, %and3A_1428 : i32
      %add3A_1430 = vector.broadcast %and3A_1429 : i32 to vector<16xi32>
      %add3A_1431 = arith.addi %broadcast_in_dim3A_1425, %add3A_1430 : vector<16xi32>
      %gather3A_1432 = tpu.vector_load_idx %arg11[%iota3A_12, %add3A_1423] : memref<32x1024xf32, #tpu.memory_space<vmem>>[vector<16xi32>, vector<16xi32>], vector<16xf32>,
      %gather3A_1433 = tpu.vector_load_idx %arg11[%add3A_15, %add3A_1423] : memref<32x1024xf32, #tpu.memory_space<vmem>>[vector<16xi32>, vector<16xi32>], vector<16xf32>,
      %gather3A_1434 = tpu.vector_load_idx %arg12[%iota3A_12, %add3A_1431] : memref<32x1024xf32, #tpu.memory_space<vmem>>[vector<16xi32>, vector<16xi32>], vector<16xf32>,
      %gather3A_1435 = tpu.vector_load_idx %arg12[%add3A_15, %add3A_1431] : memref<32x1024xf32, #tpu.memory_space<vmem>>[vector<16xi32>, vector<16xi32>], vector<16xf32>,
      %mul3A_1436 = arith.mulf %gather3A_1432, %gather3A_1434 : vector<16xf32>
      %mul3A_1437 = arith.mulf %mul3A_1436, %get3A_5 : vector<16xf32>
      %mul3A_1438 = arith.mulf %gather3A_1433, %gather3A_1435 : vector<16xf32>
      %mul3A_1439 = arith.mulf %mul3A_1438, %get3A_9 : vector<16xf32>
      %add3A_1440 = arith.addf %mul3A_1437, %mul3A_1439 : vector<16xf32>
      %eq3A_1441 = arith.constant 14 : i32
      %eq3A_1442 = vector.broadcast %eq3A_1441 : i32 to vector<16xi32>
      %eq3A_1443 = arith.cmpi eq, %iota3A, %eq3A_1442 : vector<16xi32>
      %reduce_sum3A_1444 = arith.constant true
      %reduce_sum3A_1445 = vector.broadcast %reduce_sum3A_1444 : i1 to vector<16xi1>
      %reduce_sum3A_1446 = tpu.scan <sum>, %add3A_1440 masked %reduce_sum3A_1445 : vector<16xf32>, vector<16xi1> -> vector<16xf32>
      %reduce_sum3A_1447 = vector.extract %reduce_sum3A_1446[15] : f32 from vector<16xf32>
      %add3A_1448 = vector.broadcast %reduce_sum3A_1447 : f32 to vector<16xf32>
      %add3A_1449 = arith.addf %broadcast_in_dim3A, %add3A_1448 : vector<16xf32>
      %select_n3A_1450 = arith.select %eq3A_1443, %add3A_1449, %select_n3A_1391 : vector<16xi1>, vector<16xf32>
      %dma_wait3A_1451 = arith.constant 0 : i32
      %dma_wait3A_1452 = arith.constant 896 : i32
      %dma_wait3A_1453 = tpu.memref_slice %arg11[%dma_wait3A_1451, %dma_wait3A_1452] : memref<32x1024xf32, #tpu.memory_space<vmem>> -> memref<32x128xf32, #tpu.memory_space<vmem>>
      %dma_wait3A_1454 = arith.constant 0 : i32
      %dma_wait3A_1455 = arith.constant 0 : i32
      %dma_wait3A_1456 = tpu.memref_slice %arg4[%dma_wait3A_1454, %dma_wait3A_1455] : memref<32x1000000xf32, #tpu.memory_space<hbm>> -> memref<32x128xf32, #tpu.memory_space<hbm>>
      %dma_wait3A_1457 = arith.constant 0 : i32
      %dma_wait3A_1458 = arith.constant 896 : i32
      %dma_wait3A_1459 = tpu.memref_slice %arg11[%dma_wait3A_1457, %dma_wait3A_1458] : memref<32x1024xf32, #tpu.memory_space<vmem>> -> memref<32x128xf32, #tpu.memory_space<vmem>>
      %dma_wait3A_1460 = arith.constant 0 : i32
      %dma_wait3A_1461 = arith.constant 0 : i32
      %dma_wait3A_1462 = tpu.memref_slice %arg4[%dma_wait3A_1460, %dma_wait3A_1461] : memref<32x1000000xf32, #tpu.memory_space<hbm>> -> memref<32x128xf32, #tpu.memory_space<hbm>>
      tpu.wait_dma2 semaphore(%arg23 : memref<!tpu.dma_semaphore, #tpu.memory_space<semaphore_mem>>) src(%dma_wait3A_1462 : memref<32x128xf32, #tpu.memory_space<hbm>>) dst(%dma_wait3A_1459 : memref<32x128xf32, #tpu.memory_space<vmem>>)
      %dma_wait3A_1463 = arith.constant 0 : i32
      %dma_wait3A_1464 = arith.constant 896 : i32
      %dma_wait3A_1465 = tpu.memref_slice %arg12[%dma_wait3A_1463, %dma_wait3A_1464] : memref<32x1024xf32, #tpu.memory_space<vmem>> -> memref<32x128xf32, #tpu.memory_space<vmem>>
      %dma_wait3A_1466 = arith.constant 0 : i32
      %dma_wait3A_1467 = arith.constant 0 : i32
      %dma_wait3A_1468 = tpu.memref_slice %arg5[%dma_wait3A_1466, %dma_wait3A_1467] : memref<32x1000000xf32, #tpu.memory_space<hbm>> -> memref<32x128xf32, #tpu.memory_space<hbm>>
      %dma_wait3A_1469 = arith.constant 0 : i32
      %dma_wait3A_1470 = arith.constant 896 : i32
      %dma_wait3A_1471 = tpu.memref_slice %arg12[%dma_wait3A_1469, %dma_wait3A_1470] : memref<32x1024xf32, #tpu.memory_space<vmem>> -> memref<32x128xf32, #tpu.memory_space<vmem>>
      %dma_wait3A_1472 = arith.constant 0 : i32
      %dma_wait3A_1473 = arith.constant 0 : i32
      %dma_wait3A_1474 = tpu.memref_slice %arg5[%dma_wait3A_1472, %dma_wait3A_1473] : memref<32x1000000xf32, #tpu.memory_space<hbm>> -> memref<32x128xf32, #tpu.memory_space<hbm>>
      tpu.wait_dma2 semaphore(%arg23 : memref<!tpu.dma_semaphore, #tpu.memory_space<semaphore_mem>>) src(%dma_wait3A_1474 : memref<32x128xf32, #tpu.memory_space<hbm>>) dst(%dma_wait3A_1471 : memref<32x128xf32, #tpu.memory_space<vmem>>)
      %broadcast_in_dim3A_1475 = arith.constant 896 : i32
      %broadcast_in_dim3A_1476 = vector.broadcast %broadcast_in_dim3A_1475 : i32 to vector<16xi32>
      %slice3A_1477 = vector.extract_strided_slice %get3A_24 {offsets = [15], sizes = [1], strides = [1]} : vector<16xi32> to vector<1xi32>
      %squeeze3A_1478 = vector.extract %slice3A_1477[0] : i32 from vector<1xi32>
      %and3A_1479 = arith.constant 127 : i32
      %and3A_1480 = arith.andi %squeeze3A_1478, %and3A_1479 : i32
      %add3A_1481 = vector.broadcast %and3A_1480 : i32 to vector<16xi32>
      %add3A_1482 = arith.addi %broadcast_in_dim3A_1476, %add3A_1481 : vector<16xi32>
      %broadcast_in_dim3A_1483 = arith.constant 896 : i32
      %broadcast_in_dim3A_1484 = vector.broadcast %broadcast_in_dim3A_1483 : i32 to vector<16xi32>
      %slice3A_1485 = vector.extract_strided_slice %get3A_29 {offsets = [15], sizes = [1], strides = [1]} : vector<16xi32> to vector<1xi32>
      %squeeze3A_1486 = vector.extract %slice3A_1485[0] : i32 from vector<1xi32>
      %and3A_1487 = arith.constant 127 : i32
      %and3A_1488 = arith.andi %squeeze3A_1486, %and3A_1487 : i32
      %add3A_1489 = vector.broadcast %and3A_1488 : i32 to vector<16xi32>
      %add3A_1490 = arith.addi %broadcast_in_dim3A_1484, %add3A_1489 : vector<16xi32>
      %gather3A_1491 = tpu.vector_load_idx %arg11[%iota3A_12, %add3A_1482] : memref<32x1024xf32, #tpu.memory_space<vmem>>[vector<16xi32>, vector<16xi32>], vector<16xf32>,
      %gather3A_1492 = tpu.vector_load_idx %arg11[%add3A_15, %add3A_1482] : memref<32x1024xf32, #tpu.memory_space<vmem>>[vector<16xi32>, vector<16xi32>], vector<16xf32>,
      %gather3A_1493 = tpu.vector_load_idx %arg12[%iota3A_12, %add3A_1490] : memref<32x1024xf32, #tpu.memory_space<vmem>>[vector<16xi32>, vector<16xi32>], vector<16xf32>,
      %gather3A_1494 = tpu.vector_load_idx %arg12[%add3A_15, %add3A_1490] : memref<32x1024xf32, #tpu.memory_space<vmem>>[vector<16xi32>, vector<16xi32>], vector<16xf32>,
      %mul3A_1495 = arith.mulf %gather3A_1491, %gather3A_1493 : vector<16xf32>
      %mul3A_1496 = arith.mulf %mul3A_1495, %get3A_5 : vector<16xf32>
      %mul3A_1497 = arith.mulf %gather3A_1492, %gather3A_1494 : vector<16xf32>
      %mul3A_1498 = arith.mulf %mul3A_1497, %get3A_9 : vector<16xf32>
      %add3A_1499 = arith.addf %mul3A_1496, %mul3A_1498 : vector<16xf32>
      %eq3A_1500 = arith.constant 15 : i32
      %eq3A_1501 = vector.broadcast %eq3A_1500 : i32 to vector<16xi32>
      %eq3A_1502 = arith.cmpi eq, %iota3A, %eq3A_1501 : vector<16xi32>
      %reduce_sum3A_1503 = arith.constant true
      %reduce_sum3A_1504 = vector.broadcast %reduce_sum3A_1503 : i1 to vector<16xi1>
      %reduce_sum3A_1505 = tpu.scan <sum>, %add3A_1499 masked %reduce_sum3A_1504 : vector<16xf32>, vector<16xi1> -> vector<16xf32>
      %reduce_sum3A_1506 = vector.extract %reduce_sum3A_1505[15] : f32 from vector<16xf32>
      %add3A_1507 = vector.broadcast %reduce_sum3A_1506 : f32 to vector<16xf32>
      %add3A_1508 = arith.addf %broadcast_in_dim3A, %add3A_1507 : vector<16xf32>
      %select_n3A_1509 = arith.select %eq3A_1502, %add3A_1508, %select_n3A_1450 : vector<16xi1>, vector<16xf32>
      %mul3A_1510 = arith.constant 16 : i32
      %mul3A_1511 = arith.muli %scan3A_20, %mul3A_1510 : i32
      %multiple_of3A_1512 = tpu.assume_multiple %mul3A_1511, 16 : i32
      %swap3A = arith.index_cast %multiple_of3A_1512 : i32 to index
      %swap3A_1513 = tpu.vector_load %arg15[%swap3A] {strides = array<i32>} : memref<512xf32, #tpu.memory_space<vmem>>, vector<16xf32>,
      tpu.vector_store %arg15[%swap3A], %select_n3A_1509 {strides = array<i32>} : memref<512xf32, #tpu.memory_space<vmem>>, vector<16xf32>,
    }
    %scan3A_19 = arith.constant 32 : i32
    "tpu.region"() ({
      %run_scoped3A = tpu.sem_alloc : memref<!tpu.dma_semaphore, #tpu.memory_space<semaphore_mem>>
      %dma_start3A = tpu.memref_slice %arg8[%mul3A_2] : memref<16384xf32, #tpu.memory_space<hbm>> -> memref<512xf32, #tpu.memory_space<hbm>>
      %dma_start3A_20 = tpu.memref_slice %arg8[%mul3A_2] : memref<16384xf32, #tpu.memory_space<hbm>> -> memref<512xf32, #tpu.memory_space<hbm>>
      tpu.enqueue_dma source(%arg15 : memref<512xf32, #tpu.memory_space<vmem>>) target(%dma_start3A_20 : memref<512xf32, #tpu.memory_space<hbm>>) target_semaphore(%run_scoped3A : memref<!tpu.dma_semaphore, #tpu.memory_space<semaphore_mem>>)
      %dma_wait3A = tpu.memref_slice %arg8[%mul3A_2] : memref<16384xf32, #tpu.memory_space<hbm>> -> memref<512xf32, #tpu.memory_space<hbm>>
      %dma_wait3A_21 = tpu.memref_slice %arg8[%mul3A_2] : memref<16384xf32, #tpu.memory_space<hbm>> -> memref<512xf32, #tpu.memory_space<hbm>>
      tpu.wait_dma2 semaphore(%run_scoped3A : memref<!tpu.dma_semaphore, #tpu.memory_space<semaphore_mem>>) src(%arg15 : memref<512xf32, #tpu.memory_space<vmem>>) dst(%dma_wait3A_21 : memref<512xf32, #tpu.memory_space<hbm>>)
      tpu.yield
    }) : () -> ()
    return
  }
}

</mosaic_0001>

<sc_bundles>
// kernel: kernel.3.cloned.1.call-start
scs
__scs_entry_jumppad:
0x0: {  	(pc) =	sbr.rel $0x88, $3  }
0x1: {  	(tag) =	ssettag $0x0;
	lr =	simm.s32 $0x1  }
0x2: {  	[smem:$0x3F9B] =	sst lr;
	_ =	strace $0xD0000000  }
0x3: {  	_ = 	snop  }
0x4: {  	_ = 	snop  }
0x5: {  	_ = 	snop  }
0x6: {  	_ = 	snop  }
0x7: {  	_ = 	snop  }
__scs_overlays_trampoline_lowered:
0x8: {  	[smem:$0x3FAA] =	sst s0  }
0x9: {  	[smem:$0x3FAB] =	sst s1  }
0xa: {  	[smem:$0x3FAC] =	sst s2  }
0xb: {  	[smem:$0x3FAD] =	sst s3  }
0xc: {  	[smem:$0x3FAE] =	sst s4  }
0xd: {  	[smem:$0x3FAF] =	sst s5  }
0xe: {  	[smem:$0x3FB0] =	sst s6  }
0xf: {  	[smem:$0x3FB1] =	sst s7  }
0x10: {  	[smem:$0x3FB2] =	sst s8  }
0x11: {  	[smem:$0x3FB3] =	sst s9;
	s0 =	simm.s32 @!p0 $0x0  }
0x12: {  	s1 =	sld [smem:$0x3F99];
	s0 =	simm.s32 @p0 $0x1  }
0x13: {  	[smem:$0x3FB4] =	sst s0;
	s0 =	simm.s32 @!p1 $0x0  }
0x14: {  	s2 =	sld [smem:$0x3F98];
	s0 =	simm.s32 @p1 $0x1  }
0x15: {  	[smem:$0x3FB5] =	sst s0;
	s0 =	simm.s32 @!p2 $0x0  }
0x16: {  	s3 =	sld [smem:$0x3FDB];
	s0 =	simm.s32 @p2 $0x1  }
0x17: {  	s4 =	simm.s32 $0x1BF5;
	[smem:$0x3FB7] =	sst s0  }
0x18: {  	s0 =	sld [smem:$0x3F9A];
	_ =	swait.ge [sflag:s4], $0x0  }
0x19: {  	s7 =	sld [smem:$0x3F9B]  }
0x1a: {  	s8 =	sadd.s32 $0xFFFFE003, lr  }
0x1b: {  	s9 =	sadd.s32 $0xFFFFFEF7, lr;
	s5 =	simm.s32 $0xFFFFFFFF;
	p2 =	slt.u32 s8, $0xFFFFF086  }
0x1c: {  	p1 =	slt.u32 s9, $0xF7A;
	s5 =	simm.s32 @!p2 $0x0  }
0x1d: {  	s5 =	simm.s32 @p1 $0x1;
	p0 =	seq.s32 s7, s2  }
0x1e: {  	s7 =	smul.u32 @!p0 $0xF7A, s2;
	p2 =	seq.s32 @!p0 s5, $0x0  }
0x1f: {  	s9 =	smul.u32 $0xF7A, s1;
	s8 =	simm.s32 @!p0 $0x1BF5;
	p2 =	por !p2, p0  }
0x20: {  	[sflag:s8] =	ssyncset.s32 @!p0 $0xFFFFF086;
	s6 =	sadd.s32 @!p0 s3, s7;
	s7 =	simm.s32 @!p0 $0x108  }
0x21: {  	s3 =	sadd.s32 s3, s9;
	s6 =	sadd.s32 @!p0 $0x88, s6;
	s7 =	simm.s32 @p2 $0x1082  }
0x22: {  	[simem:s7], [sflag:s8] =	dma.local @!p0 [hbm:s6], $0xF7A  }
0x23: {  	s9 =	sor.u32 $0xD0000000, s2;
	s6 =	simm.s32 $0x108;
	_ =	swait.ge @!p0 [sflag:s8], $0x0  }
0x24: {  	s3 =	sadd.s32 $0x88, s3;
	s6 =	simm.s32 @!p1 $0x1082;
	[sflag:s4] =	ssyncset.s32 $0xFFFFF086  }
0x25: {  	[simem:s6], [sflag:s4] =	dma.local [hbm:s3], $0xF7A  }
0x26: {  	[smem:$0x3F9B] =	sst s1;
	(tag) =	ssettag s2;
	_ =	strace s9  }
0x27: {  	s1 =	sld [smem:$0x3FAB]  }
0x28: {  	s2 =	sld [smem:$0x3FAC]  }
0x29: {  	s4 =	sld [smem:$0x3FAE]  }
0x2a: {  	p0 =	seq.s32 s5, $0x0;
	s5 =	sld [smem:$0x3FAF]  }
0x2b: {  	s6 =	sld [smem:$0x3FB0]  }
0x2c: {  	s7 =	sld [smem:$0x3FB1]  }
0x2d: {  	s3 =	simm.s32 $0x108;
	s8 =	sld [smem:$0x3FB2]  }
0x2e: {  	s3 =	simm.s32 @!p0 $0x1082;
	s9 =	sld [smem:$0x3FB3]  }
0x2f: {  	lr =	sadd.s32 s0, s3;
	s0 =	sld [smem:$0x3FAA]  }
0x30: {  	s3 =	sld [smem:$0x3FAD]  }
0x31: {  	[smem:$0x3FB6] =	sst s10  }
0x32: {  	s10 =	sld [smem:$0x3FB4];
	_ =	sdelay $0x3  }
0x33: {  	p0 =	seq.s32 s10, $0x1;
	s10 =	sld [smem:$0x3FB6];
	_ =	sdelay $0x3  }
0x34: {  	[smem:$0x3FB6] =	sst s10  }
0x35: {  	s10 =	sld [smem:$0x3FB5];
	_ =	sdelay $0x3  }
0x36: {  	p1 =	seq.s32 s10, $0x1;
	s10 =	sld [smem:$0x3FB6];
	_ =	sdelay $0x3  }
0x37: {  	[smem:$0x3FB6] =	sst s10  }
0x38: {  	s10 =	sld [smem:$0x3FB7]  }
0x39: {  	_ = 	snop;
	(pc) =	sbr.ind lr, $3  }
0x3a: {  	_ = 	snop  }
0x3b: {  	_ = 	snop  }
0x3c: {  	p2 =	seq.s32 s10, $0x1;
	s10 =	sld [smem:$0x3FB6]  }
0x3d: {  	_ =	shalt  }
0x3e: {  	_ =	shalt  }
0x3f: {  	_ =	shalt  }
0x40: {  	_ =	shalt  }
0x41: {  	_ =	shalt  }
0x42: {  	_ =	shalt  }
0x43: {  	_ =	shalt  }
0x44: {  	_ =	shalt  }
0x45: {  	_ =	shalt  }
0x46: {  	_ =	shalt  }
0x47: {  	_ =	shalt  }
0x48: {  	_ =	shalt  }
0x49: {  	_ =	shalt  }
0x4a: {  	_ =	shalt  }
0x4b: {  	_ =	shalt  }
0x4c: {  	_ =	shalt  }
0x4d: {  	_ =	shalt  }
0x4e: {  	_ =	shalt  }
0x4f: {  	_ =	shalt  }
0x50: {  	_ =	shalt  }
0x51: {  	_ =	shalt  }
0x52: {  	_ =	shalt  }
0x53: {  	_ =	shalt  }
0x54: {  	_ =	shalt  }
0x55: {  	_ =	shalt  }
0x56: {  	_ =	shalt  }
0x57: {  	_ =	shalt  }
0x58: {  	_ =	shalt  }
0x59: {  	_ =	shalt  }
0x5a: {  	_ =	shalt  }
0x5b: {  	_ =	shalt  }
0x5c: {  	_ =	shalt  }
0x5d: {  	_ =	shalt  }
0x5e: {  	_ =	shalt  }
0x5f: {  	_ =	shalt  }
0x60: {  	_ =	shalt  }
0x61: {  	_ =	shalt  }
0x62: {  	_ =	shalt  }
0x63: {  	_ =	shalt  }
0x64: {  	_ =	shalt  }
0x65: {  	_ =	shalt  }
0x66: {  	_ =	shalt  }
0x67: {  	_ =	shalt  }
0x68: {  	_ =	shalt  }
0x69: {  	_ =	shalt  }
0x6a: {  	_ =	shalt  }
0x6b: {  	_ =	shalt  }
0x6c: {  	_ =	shalt  }
0x6d: {  	_ =	shalt  }
0x6e: {  	_ =	shalt  }
0x6f: {  	_ =	shalt  }
0x70: {  	_ =	shalt  }
0x71: {  	_ =	shalt  }
0x72: {  	_ =	shalt  }
0x73: {  	_ =	shalt  }
0x74: {  	_ =	shalt  }
0x75: {  	_ =	shalt  }
0x76: {  	_ =	shalt  }
0x77: {  	_ =	shalt  }
0x78: {  	_ =	shalt  }
0x79: {  	_ =	shalt  }
0x7a: {  	_ =	shalt  }
0x7b: {  	_ =	shalt  }
0x7c: {  	_ =	shalt  }
0x7d: {  	_ =	shalt  }
0x7e: {  	_ =	shalt  }
0x7f: {  	_ =	shalt  }
0x80: {  	_ =	shalt  }
0x81: {  	_ =	shalt  }
0x82: {  	_ =	shalt  }
0x83: {  	_ =	shalt  }
0x84: {  	_ =	shalt  }
0x85: {  	_ =	shalt  }
0x86: {  	_ =	shalt  }
0x87: {  	_ =	shalt  }
.Lfunc_end0:
.L_simem_size_0:
called_computation_lowered:
.L_overlay_start_0:
0x88: {  	s2 =	sld [smem:$0x3FD9]  }
0x89: {  	s3 =	sld [smem:$0x3FFE];
	_ =	sdelay $0x1  }
0x8a: {  	s1 =	srdreg.scid  }
0x8b: {  	s0 =	sand.u32 $0x1, s1  }
0x8c: {  	s18 =	sshll.u32 s0, $0xA;
	s2 =	sadd.s32 s3, s2  }
0x8d: {  	s2 =	sadd.s32 s2, s18  }
0x8e: {  	[smem:$0x3FC2] =	sst s2  }
0x8f: {  	_ = 	snop  }
0x90: {  	s2 =	sld [smem:$0x3FC9]  }
0x91: {  	s19 =	sld [smem:$0x3FC8]  }
0x92: {  	s4 =	sld [smem:$0x3FC7]  }
0x93: {  	s5 =	sld [smem:$0x3FC6]  }
0x94: {  	s6 =	sld [smem:$0x3FC5]  }
0x95: {  	s7 =	sld [smem:$0x3FC4]  }
0x96: {  	s8 =	sld [smem:$0x3FD0];
	(tm) =	ssettm $0x1  }
0x97: {  	s9 =	sld [smem:$0x3FFB];
	_ =	sdelay $0x3  }
0x98: {  	_ =	strace s9  }
0x99: {  	s9 =	sld [smem:$0x3FFC];
	_ =	sdelay $0x3  }
0x9a: {  	_ =	strace s9  }
0x9b: {  	s9 =	sld [smem:$0x3FFD];
	_ =	sdelay $0x3  }
0x9c: {  	_ =	strace s9  }
0x9d: {  	_ =	strace $0x8FFFFFFF  }
0x9e: {  	s20 =	sld [smem:$0x3FDB];
	_ =	sdelay $0x1  }
0x9f: {  	s10 =	simm.s32 $_scs_section_size  }
0xa0: {  	s11 =	simm.s32 $_size__tile_overlayer_lowered;
	s12 =	simm.s32 $_tile_overlayer_lowered  }
0xa1: {  	s23 =	simm.s32 $0x1BFF;
	s22 =	sshll.u32 s12, $0x1;
	s9 =	sadd.s32 s10, s20  }
0xa2: {  	s13 =	simm.s32 $0x0;
	s21 =	sshll.u32 s11, $0x1;
	s11 =	sadd.s32 s22, s9  }
0xa3: {  	[timem:s13], [sflag:s23] =	dma.local [hbm:s11], s21  }
0xa4: {  	_ =	swait.ge [sflag:s23], s21  }
0xa5: {  	s10 =	ssub.s32 $0x0, s21;
	[sflag:s23] =	ssyncset.done $0x0  }
0xa6: {  	[sflag:s23] =	ssyncadd.s32 s10;
	_ =	sdelay $0x1  }
0xa7: {  	s24 =	simm.s32 $0x1B8B  }
0xa8: {  	_ =	swait.ge [sflag:s24], $0x1  }
0xa9: {  	[sflag:s24] =	ssyncset.done $0x0  }
0xaa: {  	s25 =	simm.s32 $0x1B8E;
	[sflag:s24] =	ssyncadd.s32 $0xFFFFFFFF  }
0xab: {  	s26 =	simm.s32 $execute0_lowered;
	[smem:$0x3FD2] =	sst s25  }
0xac: {  	s10 =	sshll.u32 s26, $0x1;
	_ =	strace $0x80000046;
	[dreg:$0x1] =	wrdreg $0xFFFFFFFF  }
0xad: {  	s28 =	simm.s32 $_size_execute0_lowered;
	s9 =	sadd.s32 s9, s10;
	[dreg:$0x0] =	wrdreg $0x0  }
0xae: {  	s10 =	sshll.u32 s28, $0x1;
	[dreg:$0x2] =	wrdreg s9  }
0xaf: {  	[dreg:$0x3] =	wrdreg s10  }
0xb0: {  	[dreg:$0x4] =	wrdreg $0xC0  }
0xb1: {  	_ =	task [dreg:s13], $0x5FFFF  }
0xb2: {  	[dreg:$0x1] =	wrdreg $0xFFFFFFFF  }
0xb3: {  	[dreg:$0x0] =	wrdreg $0x60  }
0xb4: {  	[dreg:$0x2] =	wrdreg s2  }
0xb5: {  	[dreg:$0x3] =	wrdreg s19  }
0xb6: {  	[dreg:$0x4] =	wrdreg s4  }
0xb7: {  	[dreg:$0x5] =	wrdreg s5  }
0xb8: {  	[dreg:$0x6] =	wrdreg s6  }
0xb9: {  	[dreg:$0x7] =	wrdreg s7  }
0xba: {  	[dreg:$0x8] =	wrdreg s8  }
0xbb: {  	[dreg:$0x9] =	wrdreg $0x9  }
0xbc: {  	_ =	task.clear_ibuf [dreg:s13], $0xAFFFF;
	_ =	strace $0x90000046  }
0xbd: {  	s29 =	simm.s32 $0x9;
	_ =	strace $0x80000048  }
0xbe: {  	_ =	swait.ge [sflag:s29], $0x1  }
0xbf: {  	[sflag:s29] =	ssyncadd.s32 $0xFFFFFFFF  }
0xc0: {  	_ =	strace $0x90000048  }
0xc1: {  	_ =	sfence  }
0xc2: {  	s30 =	sld [smem:$0x0];
	_ =	sdelay $0x2  }
0xc3: {  	s31 =	sshll.u32 s1, $0xD;
	s1 =	sshrl.u32 s1, $0x2  }
0xc4: {  	s3 =	sand.u32 $0x4000, s31;
	s1 =	sadd.s32 s1, s30  }
0xc5: {  	s0 =	sor.u32 s3, s0;
	s1 =	sshll.u32 s1, $0x11  }
0xc6: {  	s0 =	sor.u32 s1, s0  }
0xc7: {  	s0 =	sadd.s32 $0x8F2B, s0  }
0xc8: {  	[sflag:s0] =	ssyncadd.remote.s32 $0x1  }
0xc9: {  	_ =	sfence.sel $0xFFFF  }
0xca: {  	[dreg:$0x0] =	wrdreg $0xFFFFFFFF;
	(pc) =	sbr.abs _section_cstart, $3  }
0xcb: {  	[dreg:$0x1] =	wrdreg $0xFFFFFFFF  }
0xcc: {  	_ =	task.clear_ibuf [dreg:s13], $0x2FFFF;
	_ =	strace $0x9FFFFFFF  }
0xcd: {  	(tm) =	ssettm $0x7FFFFFFF  }
tec
execute0_lowered:
.L_overlay_start_1:
0x0: {  	(tag) =	ssettag $0x1  }
0x1: {  	v0 =	vimm.s32 $0x2380  }
0x2: {  	vm14 =	vcmask $0x300;
	vm13 =	vcmask $0x704;
	vm12 =	vcmask $0xB08  }
0x3: {  	vm11 =	vcmask $0xF0C;
	vm10 =	vcmask $0x1310;
	vm9 =	vcmask $0x1714  }
0x4: {  	vm8 =	vcmask $0x1B18;
	vm7 =	vcmask $0x1F1C;
	vm6 =	vcmask $0x2320  }
0x5: {  	vm5 =	vcmask $0x2724;
	vm4 =	vcmask $0x2B28;
	vm3 =	vcmask $0x2F2C  }
0x6: {  	vm2 =	vcmask $0x3330;
	vm1 =	vcmask $0x3734;
	vm0 =	vcmask $0x3B38  }
0x7: {  	v1 =	vimm.s32 $0x6380;
	v2 =	vimm.s32 $0x2780;
	v3 =	vimm.s32 $0x6780  }
0x8: {  	v4 =	vimm.s32 $0x2B80;
	v5 =	vimm.s32 $0x6B80;
	v6 =	vimm.s32 $0x2F80  }
0x9: {  	v7 =	vimm.s32 $0x6F80;
	v8 =	vimm.s32 $0x3380;
	v9 =	vimm.s32 $0x7380  }
0xa: {  	v10 =	vimm.s32 $0x3780;
	v11 =	vimm.s32 $0x7780;
	v12 =	vimm.s32 $0x3B80  }
0xb: {  	v13 =	vimm.s32 $0x7B80;
	v14 =	vimm.s32 $0x3F80;
	v15 =	vimm.s32 $0x7F80  }
0xc: {  	v0 =	vsel vm14, $0x0, v0;
	v1 =	vsel vm14, $0x4000, v1;
	v2 =	vsel vm14, $0x400, v2  }
0xd: {  	v3 =	vsel vm14, $0x4400, v3;
	v4 =	vsel vm14, $0x800, v4;
	v5 =	vsel vm14, $0x4800, v5  }
0xe: {  	v6 =	vsel vm14, $0xC00, v6;
	v7 =	vsel vm14, $0x4C00, v7;
	v8 =	vsel vm14, $0x1000, v8  }
0xf: {  	v9 =	vsel vm14, $0x5000, v9;
	v10 =	vsel vm14, $0x1400, v10;
	v11 =	vsel vm14, $0x5400, v11  }
0x10: {  	v12 =	vsel vm14, $0x1800, v12;
	v13 =	vsel vm14, $0x5800, v13;
	v14 =	vsel vm14, $0x1C00, v14  }
0x11: {  	v15 =	vsel vm14, $0x5C00, v15;
	vm14 =	vmmov $0x7fff;
	v0 =	vsel vm13, $0x80, v0  }
0x12: {  	v1 =	vsel vm13, $0x4080, v1;
	v2 =	vsel vm13, $0x480, v2;
	v3 =	vsel vm13, $0x4480, v3  }
0x13: {  	v4 =	vsel vm13, $0x880, v4;
	v5 =	vsel vm13, $0x4880, v5;
	v6 =	vsel vm13, $0xC80, v6  }
0x14: {  	v7 =	vsel vm13, $0x4C80, v7;
	v8 =	vsel vm13, $0x1080, v8;
	v9 =	vsel vm13, $0x5080, v9  }
0x15: {  	v10 =	vsel vm13, $0x1480, v10;
	v11 =	vsel vm13, $0x5480, v11;
	v12 =	vsel vm13, $0x1880, v12  }
0x16: {  	v13 =	vsel vm13, $0x5880, v13;
	v14 =	vsel vm13, $0x1C80, v14;
	v15 =	vsel vm13, $0x5C80, v15  }
0x17: {  	vm13 =	vmmov $0x3fff;
	v0 =	vsel vm12, $0x100, v0;
	v1 =	vsel vm12, $0x4100, v1  }
0x18: {  	v2 =	vsel vm12, $0x500, v2;
	v3 =	vsel vm12, $0x4500, v3;
	v4 =	vsel vm12, $0x900, v4  }
0x19: {  	v5 =	vsel vm12, $0x4900, v5;
	v6 =	vsel vm12, $0xD00, v6;
	v7 =	vsel vm12, $0x4D00, v7  }
0x1a: {  	v8 =	vsel vm12, $0x1100, v8;
	v9 =	vsel vm12, $0x5100, v9;
	v10 =	vsel vm12, $0x1500, v10  }
0x1b: {  	v11 =	vsel vm12, $0x5500, v11;
	v12 =	vsel vm12, $0x1900, v12;
	v13 =	vsel vm12, $0x5900, v13  }
0x1c: {  	v14 =	vsel vm12, $0x1D00, v14;
	v15 =	vsel vm12, $0x5D00, v15;
	vm12 =	vmmov $0x1fff  }
0x1d: {  	v0 =	vsel vm11, $0x180, v0;
	v1 =	vsel vm11, $0x4180, v1;
	v2 =	vsel vm11, $0x580, v2  }
0x1e: {  	v3 =	vsel vm11, $0x4580, v3;
	v4 =	vsel vm11, $0x980, v4;
	v5 =	vsel vm11, $0x4980, v5  }
0x1f: {  	v6 =	vsel vm11, $0xD80, v6;
	v7 =	vsel vm11, $0x4D80, v7;
	v8 =	vsel vm11, $0x1180, v8  }
0x20: {  	v9 =	vsel vm11, $0x5180, v9;
	v10 =	vsel vm11, $0x1580, v10;
	v11 =	vsel vm11, $0x5580, v11  }
0x21: {  	v12 =	vsel vm11, $0x1980, v12;
	v13 =	vsel vm11, $0x5980, v13;
	v14 =	vsel vm11, $0x1D80, v14  }
0x22: {  	v15 =	vsel vm11, $0x5D80, v15;
	vm11 =	vmmov $0xfff;
	v0 =	vsel vm10, $0x200, v0  }
0x23: {  	v1 =	vsel vm10, $0x4200, v1;
	v2 =	vsel vm10, $0x600, v2;
	v3 =	vsel vm10, $0x4600, v3  }
0x24: {  	v4 =	vsel vm10, $0xA00, v4;
	v5 =	vsel vm10, $0x4A00, v5;
	v6 =	vsel vm10, $0xE00, v6  }
0x25: {  	v7 =	vsel vm10, $0x4E00, v7;
	v8 =	vsel vm10, $0x1200, v8;
	v9 =	vsel vm10, $0x5200, v9  }
0x26: {  	v10 =	vsel vm10, $0x1600, v10;
	v11 =	vsel vm10, $0x5600, v11;
	v12 =	vsel vm10, $0x1A00, v12  }
0x27: {  	v13 =	vsel vm10, $0x5A00, v13;
	v14 =	vsel vm10, $0x1E00, v14;
	v15 =	vsel vm10, $0x5E00, v15  }
0x28: {  	vm10 =	vmmov $0x7ff;
	v0 =	vsel vm9, $0x280, v0;
	v1 =	vsel vm9, $0x4280, v1  }
0x29: {  	v2 =	vsel vm9, $0x680, v2;
	v3 =	vsel vm9, $0x4680, v3;
	v4 =	vsel vm9, $0xA80, v4  }
0x2a: {  	v5 =	vsel vm9, $0x4A80, v5;
	v6 =	vsel vm9, $0xE80, v6;
	v7 =	vsel vm9, $0x4E80, v7  }
0x2b: {  	v8 =	vsel vm9, $0x1280, v8;
	v9 =	vsel vm9, $0x5280, v9;
	v10 =	vsel vm9, $0x1680, v10  }
0x2c: {  	v11 =	vsel vm9, $0x5680, v11;
	v12 =	vsel vm9, $0x1A80, v12;
	v13 =	vsel vm9, $0x5A80, v13  }
0x2d: {  	v14 =	vsel vm9, $0x1E80, v14;
	v15 =	vsel vm9, $0x5E80, v15;
	vm9 =	vmmov $0x3ff  }
0x2e: {  	v0 =	vsel vm8, $0x300, v0;
	v1 =	vsel vm8, $0x4300, v1;
	v2 =	vsel vm8, $0x700, v2  }
0x2f: {  	v3 =	vsel vm8, $0x4700, v3;
	v4 =	vsel vm8, $0xB00, v4;
	v5 =	vsel vm8, $0x4B00, v5  }
0x30: {  	v6 =	vsel vm8, $0xF00, v6;
	v7 =	vsel vm8, $0x4F00, v7;
	v8 =	vsel vm8, $0x1300, v8  }
0x31: {  	v9 =	vsel vm8, $0x5300, v9;
	v10 =	vsel vm8, $0x1700, v10;
	v11 =	vsel vm8, $0x5700, v11  }
0x32: {  	v12 =	vsel vm8, $0x1B00, v12;
	v13 =	vsel vm8, $0x5B00, v13;
	v14 =	vsel vm8, $0x1F00, v14  }
0x33: {  	v15 =	vsel vm8, $0x5F00, v15;
	vm8 =	vmmov $0x1ff;
	v0 =	vsel vm7, $0x380, v0  }
0x34: {  	v1 =	vsel vm7, $0x4380, v1;
	v2 =	vsel vm7, $0x780, v2;
	v3 =	vsel vm7, $0x4780, v3  }
0x35: {  	v4 =	vsel vm7, $0xB80, v4;
	v5 =	vsel vm7, $0x4B80, v5;
	v6 =	vsel vm7, $0xF80, v6  }
0x36: {  	v7 =	vsel vm7, $0x4F80, v7;
	v8 =	vsel vm7, $0x1380, v8;
	v9 =	vsel vm7, $0x5380, v9  }
0x37: {  	v10 =	vsel vm7, $0x1780, v10;
	v11 =	vsel vm7, $0x5780, v11;
	v12 =	vsel vm7, $0x1B80, v12  }
0x38: {  	v13 =	vsel vm7, $0x5B80, v13;
	v14 =	vsel vm7, $0x1F80, v14;
	v15 =	vsel vm7, $0x5F80, v15  }
0x39: {  	vm7 =	vmmov $0xff;
	v0 =	vsel vm6, $0x2000, v0;
	v1 =	vsel vm6, $0x6000, v1  }
0x3a: {  	v2 =	vsel vm6, $0x2400, v2;
	v3 =	vsel vm6, $0x6400, v3;
	v4 =	vsel vm6, $0x2800, v4  }
0x3b: {  	v5 =	vsel vm6, $0x6800, v5;
	v6 =	vsel vm6, $0x2C00, v6;
	v7 =	vsel vm6, $0x6C00, v7  }
0x3c: {  	v8 =	vsel vm6, $0x3000, v8;
	v9 =	vsel vm6, $0x7000, v9;
	v10 =	vsel vm6, $0x3400, v10  }
0x3d: {  	v11 =	vsel vm6, $0x7400, v11;
	v12 =	vsel vm6, $0x3800, v12;
	v13 =	vsel vm6, $0x7800, v13  }
0x3e: {  	v14 =	vsel vm6, $0x3C00, v14;
	v15 =	vsel vm6, $0x7C00, v15;
	vm6 =	vmmov $0x7f  }
0x3f: {  	v0 =	vsel vm5, $0x2080, v0;
	v1 =	vsel vm5, $0x6080, v1;
	v2 =	vsel vm5, $0x2480, v2  }
0x40: {  	v3 =	vsel vm5, $0x6480, v3;
	v4 =	vsel vm5, $0x2880, v4;
	v5 =	vsel vm5, $0x6880, v5  }
0x41: {  	v6 =	vsel vm5, $0x2C80, v6;
	v7 =	vsel vm5, $0x6C80, v7;
	v8 =	vsel vm5, $0x3080, v8  }
0x42: {  	v9 =	vsel vm5, $0x7080, v9;
	v10 =	vsel vm5, $0x3480, v10;
	v11 =	vsel vm5, $0x7480, v11  }
0x43: {  	v12 =	vsel vm5, $0x3880, v12;
	v13 =	vsel vm5, $0x7880, v13;
	v14 =	vsel vm5, $0x3C80, v14  }
0x44: {  	v15 =	vsel vm5, $0x7C80, v15;
	vm5 =	vmmov $0x3f;
	v0 =	vsel vm4, $0x2100, v0  }
0x45: {  	v1 =	vsel vm4, $0x6100, v1;
	v2 =	vsel vm4, $0x2500, v2;
	v3 =	vsel vm4, $0x6500, v3  }
0x46: {  	v4 =	vsel vm4, $0x2900, v4;
	v5 =	vsel vm4, $0x6900, v5;
	v6 =	vsel vm4, $0x2D00, v6  }
0x47: {  	v7 =	vsel vm4, $0x6D00, v7;
	v8 =	vsel vm4, $0x3100, v8;
	v9 =	vsel vm4, $0x7100, v9  }
0x48: {  	v10 =	vsel vm4, $0x3500, v10;
	v11 =	vsel vm4, $0x7500, v11;
	v12 =	vsel vm4, $0x3900, v12  }
0x49: {  	v13 =	vsel vm4, $0x7900, v13;
	v14 =	vsel vm4, $0x3D00, v14;
	v15 =	vsel vm4, $0x7D00, v15  }
0x4a: {  	vm4 =	vmmov $0x1f;
	v0 =	vsel vm3, $0x2180, v0;
	v1 =	vsel vm3, $0x6180, v1  }
0x4b: {  	v2 =	vsel vm3, $0x2580, v2;
	v3 =	vsel vm3, $0x6580, v3;
	v4 =	vsel vm3, $0x2980, v4  }
0x4c: {  	v5 =	vsel vm3, $0x6980, v5;
	v6 =	vsel vm3, $0x2D80, v6;
	v7 =	vsel vm3, $0x6D80, v7  }
0x4d: {  	v8 =	vsel vm3, $0x3180, v8;
	v9 =	vsel vm3, $0x7180, v9;
	v10 =	vsel vm3, $0x3580, v10  }
0x4e: {  	s2 =	rddreg [dreg:$0x0];
	v11 =	vsel vm3, $0x7580, v11;
	v12 =	vsel vm3, $0x3980, v12;
	v13 =	vsel vm3, $0x7980, v13  }
0x4f: {  	s3 =	rddreg [dreg:$0x1];
	v14 =	vsel vm3, $0x3D80, v14;
	v15 =	vsel vm3, $0x7D80, v15;
	vm3 =	vmmov $0xf  }
0x50: {  	s0 =	rddreg [dreg:$0x2];
	v0 =	vsel vm2, $0x2200, v0;
	v1 =	vsel vm2, $0x6200, v1;
	v2 =	vsel vm2, $0x2600, v2  }
0x51: {  	s1 =	rddreg [dreg:$0x3];
	v3 =	vsel vm2, $0x6600, v3;
	v4 =	vsel vm2, $0x2A00, v4;
	v5 =	vsel vm2, $0x6A00, v5  }
0x52: {  	s4 =	rddreg [dreg:$0x6];
	s5 =	srdreg.scid;
	v6 =	vsel vm2, $0x2E00, v6;
	v7 =	vsel vm2, $0x6E00, v7;
	v8 =	vsel vm2, $0x3200, v8  }
0x53: {  	s6 =	simm.s32 $0x0;
	s8 =	stileid.u32;
	s15 =	simm.s32 $0x400;
	v9 =	vsel vm2, $0x7200, v9;
	v10 =	vsel vm2, $0x3600, v10;
	v11 =	vsel vm2, $0x7600, v11  }
0x54: {  	s19 =	simm.s32 $0x8400;
	s28 =	simm.s32 $0x1;
	s29 =	simm.s32 $0x2;
	v12 =	vsel vm2, $0x3A00, v12;
	v13 =	vsel vm2, $0x7A00, v13;
	v14 =	vsel vm2, $0x3E00, v14  }
0x55: {  	s30 =	simm.s32 $0x3;
	s31 =	simm.s32 $0x4;
	s16 =	simm.s32 $0x2400;
	v15 =	vsel vm2, $0x7E00, v15;
	vm2 =	vmmov $0x7;
	v0 =	vsel vm1, $0x2280, v0  }
0x56: {  	s17 =	simm.s32 $0x4400;
	s18 =	simm.s32 $0x6400;
	s20 =	simm.s32 $0xA400;
	v1 =	vsel vm1, $0x6280, v1;
	v2 =	vsel vm1, $0x2680, v2;
	v3 =	vsel vm1, $0x6680, v3  }
0x57: {  	s21 =	simm.s32 $0xC400;
	s22 =	simm.s32 $0xE400;
	s23 =	simm.s32 $0x800;
	v4 =	vsel vm1, $0x2A80, v4;
	v5 =	vsel vm1, $0x6A80, v5;
	v6 =	vsel vm1, $0x2E80, v6  }
0x58: {  	s13 =	simm.s32 $0xE800;
	s5 =	sand.u32 $0x1, s5;
	s8 =	sshll.u32 s8, $0x7;
	v7 =	vsel vm1, $0x6E80, v7;
	v8 =	vsel vm1, $0x3280, v8;
	v9 =	vsel vm1, $0x7280, v9  }
0x59: {  	[smem:$0x7FF] =	sst s6;
	s7 =	ssub.s32 $0x2, s5;
	s5 =	sshll.u32 s5, $0x6;
	v10 =	vsel vm1, $0x3680, v10;
	v11 =	vsel vm1, $0x7680, v11;
	v12 =	vsel vm1, $0x3A80, v12  }
0x5a: {  	_ =	strace $0x80000047;
	s9 =	sshrl.u32 s7, $0x1;
	s5 =	sor.u32 s5, s8;
	v13 =	vsel vm1, $0x7A80, v13;
	v14 =	vsel vm1, $0x3E80, v14;
	v15 =	vsel vm1, $0x7E80, v15  }
0x5b: {  	s8 =	simm.s32 $0x9;
	s7 =	ssub.s32 s7, s9;
	s2 =	sadd.s32 s2, s5;
	vm1 =	vmmov $0x3;
	v0 =	vsel vm0, $0x2300, v0;
	v1 =	vsel vm0, $0x6300, v1  }
0x5c: {  	s24 =	sadd.s32 s3, s5;
	s25 =	sadd.s32 s4, s5;
	[dreg:$0x8] =	wrdreg s2;
	v2 =	vsel vm0, $0x2700, v2;
	v3 =	vsel vm0, $0x6700, v3;
	v4 =	vsel vm0, $0x2B00, v4  }
0x5d: {  	s4 =	simm.s32 $0x5;
	s5 =	simm.s32 $0x6;
	[dreg:$0x9] =	wrdreg s24;
	v5 =	vsel vm0, $0x6B00, v5;
	v6 =	vsel vm0, $0x2F00, v6;
	v7 =	vsel vm0, $0x6F00, v7  }
0x5e: {  	s3 =	simm.s32 $0x8;
	s9 =	simm.s32 $0x0;
	[dreg:$0xa] =	wrdreg s25;
	v8 =	vsel vm0, $0x3300, v8;
	v9 =	vsel vm0, $0x7300, v9;
	v10 =	vsel vm0, $0x3700, v10  }
0x5f: {  	s26 =	smax.u32 s7, $0x1;
	s2 =	simm.s32 $0x7;
	s24 =	simm.s32 $0x2800;
	v11 =	vsel vm0, $0x7700, v11;
	v12 =	vsel vm0, $0x3B00, v12;
	v13 =	vsel vm0, $0x7B00, v13  }
0x60: {  	s25 =	simm.s32 $0x4800;
	[dreg:$0xb] =	wrdreg s26;
	s26 =	simm.s32 $0x6800;
	v14 =	vsel vm0, $0x3F00, v14;
	v15 =	vsel vm0, $0x7F00, v15;
	vm0 =	vmmov $0x1  }
.LBB2_1:
0x61: {  	[dreg:$0xc] =	wrdreg s9  }
0x62: {  	s7 =	rddreg [dreg:$0x8]  }
0x63: {  	[tilespmem:s6], [sflag:$0x9] =	stream.linear.gather [hbm4b:s7+s6], $0x200, $0x38;
	[tilespmem:$0x10700] =	vst v63  }
0x64: {  	_ =	swait.ge [sflag:s8], $0x200  }
0x65: {  	[sflag:s8] =	ssyncset.done $0x0  }
0x66: {  	s14 =	simm.s32 $0x200;
	s12 =	rddreg [dreg:$0x9];
	[sflag:s8] =	ssyncadd.s32 $0xFFFFFE00  }
0x67: {  	[tilespmem:s14], [sflag:$0x9] =	stream.linear.gather [hbm4b:s12+s6], $0x200, $0x38;
	[tilespmem:$0x10700] =	vst v63  }
0x68: {  	_ =	swait.ge [sflag:s8], $0x200  }
0x69: {  	[sflag:s8] =	ssyncset.done $0x0  }
0x6a: {  	[sflag:s8] =	ssyncadd.s32 $0xFFFFFE00  }
0x6b: {  	s11 =	simm.s32 $0x10400;
	s10 =	rddreg [dreg:$0x4]  }
0x6c: {  	[tilespmem:s11], [sflag:$0x9] =	stream.linear.gather [hbm4b:s10+s6], $0x80, $0x38;
	[tilespmem:$0x10700] =	vst v63  }
0x6d: {  	_ =	swait.ge [sflag:s8], $0x80  }
0x6e: {  	[sflag:s8] =	ssyncset.done $0x0  }
0x6f: {  	[sflag:s8] =	ssyncadd.s32 $0xFFFFFF80  }
0x70: {  	s14 =	simm.s32 $0x10480;
	s12 =	rddreg [dreg:$0x5]  }
0x71: {  	[tilespmem:s14], [sflag:$0x9] =	stream.linear.gather [hbm4b:s12+s6], $0x1, $0x38;
	[tilespmem:$0x10700] =	vst v63  }
0x72: {  	_ =	swait.ge [sflag:s8], $0x1  }
0x73: {  	[sflag:s8] =	ssyncset.done $0x0  }
0x74: {  	[sflag:s8] =	ssyncadd.s32 $0xFFFFFFFF  }
0x75: {  	v16 =	vld [tilespmem:$0x10400]  }
0x76: {  	v17 =	vld [tilespmem:$0x10410]  }
0x77: {  	s12 =	simm.s32 $0x0;
	v18 =	vld.msk [tilespmem:$0x10480 ss:$0x0], $0xffff  }
.LBB2_2:
0x78: {  	s7 =	sshra.s32 s12, $0x2  }
0x79: {  	v22 =	vld [tilespmem:s7+$0x0];
	_ =	sdelay $0x4  }
0x7a: {  	(v2sf) =	vpush v22, $0x0  }
0x7b: {  	v21 =	vld [tilespmem:s7+$0x200];
	_ =	sdelay $0x4  }
0x7c: {  	(v2sf) =	vpush v21, $0x0;
	_ =	sdelay $0x8  }
0x7d: {  	[dreg:$0xd] =	wrdreg s7;
	s7 =	spop (v2sf)  }
0x7e: {  	(v2sf) =	vpush v22, $0x1;
	s14 =	sand.u32 $0xFFFFF80, s7  }
0x7f: {  	s14 =	sadd.s32 s0, s14  }
0x80: {  	[tilespmem:s15], [sflag:$0x1] =	stream.linear.gather [hbm4b:s14+s6], $0x400, $0x38;
	[tilespmem:$0x10700] =	vst v63  }
0x81: {  	s8 =	sadd.s32 $0xF4280, s14  }
0x82: {  	[tilespmem:s16], [sflag:$0x1] =	stream.linear.gather [hbm4b:s8+s6], $0x400, $0x38;
	[tilespmem:$0x10700] =	vst v63  }
0x83: {  	s11 =	sadd.s32 $0x1E8500, s14;
	s9 =	sadd.s32 $0x2DC780, s14;
	s14 =	spop (v2sf)  }
0x84: {  	[tilespmem:s17], [sflag:$0x1] =	stream.linear.gather [hbm4b:s11+s6], $0x400, $0x38;
	[tilespmem:$0x10700] =	vst v63  }
0x85: {  	s10 =	sand.u32 $0xFFFFF80, s14  }
0x86: {  	[tilespmem:s18], [sflag:$0x1] =	stream.linear.gather [hbm4b:s9+s6], $0x400, $0x38;
	[tilespmem:$0x10700] =	vst v63  }
0x87: {  	(v2sf) =	vpush v21, $0x1;
	s8 =	sadd.s32 s1, s10  }
0x88: {  	[tilespmem:s19], [sflag:$0x1] =	stream.linear.gather [hbm4b:s8+s6], $0x400, $0x38;
	[tilespmem:$0x10700] =	vst v63  }
0x89: {  	s9 =	sadd.s32 $0xF4280, s8  }
0x8a: {  	[tilespmem:s20], [sflag:$0x1] =	stream.linear.gather [hbm4b:s9+s6], $0x400, $0x38;
	[tilespmem:$0x10700] =	vst v63  }
0x8b: {  	s11 =	sadd.s32 $0x1E8500, s8  }
0x8c: {  	[tilespmem:s21], [sflag:$0x1] =	stream.linear.gather [hbm4b:s11+s6], $0x400, $0x38;
	[tilespmem:$0x10700] =	vst v63  }
0x8d: {  	s8 =	sadd.s32 $0x2DC780, s8;
	s10 =	spop (v2sf)  }
0x8e: {  	[tilespmem:s22], [sflag:$0x1] =	stream.linear.gather [hbm4b:s8+s6], $0x400, $0x38;
	[tilespmem:$0x10700] =	vst v63  }
0x8f: {  	s8 =	sand.u32 $0xFFFFF80, s10  }
0x90: {  	(v2sf) =	vpush v22, $0x2;
	s8 =	sadd.s32 s0, s8  }
0x91: {  	[tilespmem:s23], [sflag:$0x2] =	stream.linear.gather [hbm4b:s8+s6], $0x400, $0x38;
	[tilespmem:$0x10700] =	vst v63  }
0x92: {  	s11 =	sadd.s32 $0xF4280, s8  }
0x93: {  	[tilespmem:s24], [sflag:$0x2] =	stream.linear.gather [hbm4b:s11+s6], $0x400, $0x38;
	[tilespmem:$0x10700] =	vst v63  }
0x94: {  	s10 =	sadd.s32 $0x1E8500, s8  }
0x95: {  	[tilespmem:s25], [sflag:$0x2] =	stream.linear.gather [hbm4b:s10+s6], $0x400, $0x38;
	[tilespmem:$0x10700] =	vst v63  }
0x96: {  	s8 =	sadd.s32 $0x2DC780, s8;
	s11 =	spop (v2sf)  }
0x97: {  	[tilespmem:s26], [sflag:$0x2] =	stream.linear.gather [hbm4b:s8+s6], $0x400, $0x38;
	[tilespmem:$0x10700] =	vst v63  }
0x98: {  	s8 =	sand.u32 $0xFFFFF80, s11  }
0x99: {  	(v2sf) =	vpush v21, $0x2;
	s10 =	simm.s32 $0x8800;
	s8 =	sadd.s32 s1, s8  }
0x9a: {  	[tilespmem:s10], [sflag:$0x2] =	stream.linear.gather [hbm4b:s8+s6], $0x400, $0x38;
	[tilespmem:$0x10700] =	vst v63  }
0x9b: {  	s11 =	simm.s32 $0xA800;
	s9 =	sadd.s32 $0xF4280, s8  }
0x9c: {  	[tilespmem:s11], [sflag:$0x2] =	stream.linear.gather [hbm4b:s9+s6], $0x400, $0x38;
	[tilespmem:$0x10700] =	vst v63  }
0x9d: {  	s9 =	sadd.s32 $0x1E8500, s8;
	s11 =	simm.s32 $0xC800  }
0x9e: {  	[tilespmem:s11], [sflag:$0x2] =	stream.linear.gather [hbm4b:s9+s6], $0x400, $0x38;
	[tilespmem:$0x10700] =	vst v63  }
0x9f: {  	s8 =	sadd.s32 $0x2DC780, s8;
	s9 =	spop (v2sf)  }
0xa0: {  	[tilespmem:s13], [sflag:$0x2] =	stream.linear.gather [hbm4b:s8+s6], $0x400, $0x38;
	[tilespmem:$0x10700] =	vst v63  }
0xa1: {  	s8 =	sand.u32 $0xFFFFF80, s9  }
0xa2: {  	s11 =	simm.s32 $0xC00;
	(v2sf) =	vpush v22, $0x3;
	s8 =	sadd.s32 s0, s8  }
0xa3: {  	[tilespmem:s11], [sflag:$0x3] =	stream.linear.gather [hbm4b:s8+s6], $0x400, $0x38;
	[tilespmem:$0x10700] =	vst v63  }
0xa4: {  	s9 =	sadd.s32 $0xF4280, s8;
	s11 =	simm.s32 $0x2C00  }
0xa5: {  	[tilespmem:s11], [sflag:$0x3] =	stream.linear.gather [hbm4b:s9+s6], $0x400, $0x38;
	[tilespmem:$0x10700] =	vst v63  }
0xa6: {  	s9 =	sadd.s32 $0x1E8500, s8;
	s11 =	simm.s32 $0x4C00  }
0xa7: {  	[tilespmem:s11], [sflag:$0x3] =	stream.linear.gather [hbm4b:s9+s6], $0x400, $0x38;
	[tilespmem:$0x10700] =	vst v63  }
0xa8: {  	s8 =	sadd.s32 $0x2DC780, s8;
	s11 =	simm.s32 $0x6C00;
	s9 =	spop (v2sf)  }
0xa9: {  	[tilespmem:s11], [sflag:$0x3] =	stream.linear.gather [hbm4b:s8+s6], $0x400, $0x38;
	[tilespmem:$0x10700] =	vst v63  }
0xaa: {  	s8 =	sand.u32 $0xFFFFF80, s9  }
0xab: {  	(v2sf) =	vpush v21, $0x3;
	s11 =	simm.s32 $0x8C00;
	s8 =	sadd.s32 s1, s8  }
0xac: {  	[tilespmem:s11], [sflag:$0x3] =	stream.linear.gather [hbm4b:s8+s6], $0x400, $0x38;
	[tilespmem:$0x10700] =	vst v63  }
0xad: {  	s9 =	sadd.s32 $0xF4280, s8;
	s11 =	simm.s32 $0xAC00  }
0xae: {  	[tilespmem:s11], [sflag:$0x3] =	stream.linear.gather [hbm4b:s9+s6], $0x400, $0x38;
	[tilespmem:$0x10700] =	vst v63  }
0xaf: {  	s9 =	sadd.s32 $0x1E8500, s8;
	s11 =	simm.s32 $0xCC00  }
0xb0: {  	[tilespmem:s11], [sflag:$0x3] =	stream.linear.gather [hbm4b:s9+s6], $0x400, $0x38;
	[tilespmem:$0x10700] =	vst v63  }
0xb1: {  	s8 =	sadd.s32 $0x2DC780, s8;
	s11 =	simm.s32 $0xEC00;
	s9 =	spop (v2sf)  }
0xb2: {  	[tilespmem:s11], [sflag:$0x3] =	stream.linear.gather [hbm4b:s8+s6], $0x400, $0x38;
	[tilespmem:$0x10700] =	vst v63  }
0xb3: {  	s8 =	sand.u32 $0xFFFFF80, s9  }
0xb4: {  	(v2sf) =	vpush v22, $0x4;
	s11 =	simm.s32 $0x1000;
	s8 =	sadd.s32 s0, s8  }
0xb5: {  	[tilespmem:s11], [sflag:$0x4] =	stream.linear.gather [hbm4b:s8+s6], $0x400, $0x38;
	[tilespmem:$0x10700] =	vst v63  }
0xb6: {  	s9 =	sadd.s32 $0xF4280, s8;
	s11 =	simm.s32 $0x3000  }
0xb7: {  	[tilespmem:s11], [sflag:$0x4] =	stream.linear.gather [hbm4b:s9+s6], $0x400, $0x38;
	[tilespmem:$0x10700] =	vst v63  }
0xb8: {  	s9 =	sadd.s32 $0x1E8500, s8;
	s11 =	simm.s32 $0x5000  }
0xb9: {  	[tilespmem:s11], [sflag:$0x4] =	stream.linear.gather [hbm4b:s9+s6], $0x400, $0x38;
	[tilespmem:$0x10700] =	vst v63  }
0xba: {  	s8 =	sadd.s32 $0x2DC780, s8;
	s11 =	simm.s32 $0x7000;
	s9 =	spop (v2sf)  }
0xbb: {  	[tilespmem:s11], [sflag:$0x4] =	stream.linear.gather [hbm4b:s8+s6], $0x400, $0x38;
	[tilespmem:$0x10700] =	vst v63  }
0xbc: {  	s8 =	sand.u32 $0xFFFFF80, s9  }
0xbd: {  	(v2sf) =	vpush v21, $0x4;
	s11 =	simm.s32 $0x9000;
	s8 =	sadd.s32 s1, s8  }
0xbe: {  	[tilespmem:s11], [sflag:$0x4] =	stream.linear.gather [hbm4b:s8+s6], $0x400, $0x38;
	[tilespmem:$0x10700] =	vst v63  }
0xbf: {  	s9 =	sadd.s32 $0xF4280, s8;
	s11 =	simm.s32 $0xB000  }
0xc0: {  	[tilespmem:s11], [sflag:$0x4] =	stream.linear.gather [hbm4b:s9+s6], $0x400, $0x38;
	[tilespmem:$0x10700] =	vst v63  }
0xc1: {  	s9 =	sadd.s32 $0x1E8500, s8;
	s11 =	simm.s32 $0xD000  }
0xc2: {  	[tilespmem:s11], [sflag:$0x4] =	stream.linear.gather [hbm4b:s9+s6], $0x400, $0x38;
	[tilespmem:$0x10700] =	vst v63  }
0xc3: {  	s8 =	sadd.s32 $0x2DC780, s8;
	s11 =	simm.s32 $0xF000;
	s9 =	spop (v2sf)  }
0xc4: {  	[tilespmem:s11], [sflag:$0x4] =	stream.linear.gather [hbm4b:s8+s6], $0x400, $0x38;
	[tilespmem:$0x10700] =	vst v63  }
0xc5: {  	s8 =	sand.u32 $0xFFFFF80, s9  }
0xc6: {  	(v2sf) =	vpush v22, $0x5;
	s11 =	simm.s32 $0x1400;
	s8 =	sadd.s32 s0, s8  }
0xc7: {  	[tilespmem:s11], [sflag:$0x5] =	stream.linear.gather [hbm4b:s8+s6], $0x400, $0x38;
	[tilespmem:$0x10700] =	vst v63  }
0xc8: {  	s9 =	sadd.s32 $0xF4280, s8;
	s11 =	simm.s32 $0x3400  }
0xc9: {  	[tilespmem:s11], [sflag:$0x5] =	stream.linear.gather [hbm4b:s9+s6], $0x400, $0x38;
	[tilespmem:$0x10700] =	vst v63  }
0xca: {  	s9 =	sadd.s32 $0x1E8500, s8;
	s11 =	simm.s32 $0x5400  }
0xcb: {  	[tilespmem:s11], [sflag:$0x5] =	stream.linear.gather [hbm4b:s9+s6], $0x400, $0x38;
	[tilespmem:$0x10700] =	vst v63  }
0xcc: {  	s8 =	sadd.s32 $0x2DC780, s8;
	s11 =	simm.s32 $0x7400;
	s9 =	spop (v2sf)  }
0xcd: {  	[tilespmem:s11], [sflag:$0x5] =	stream.linear.gather [hbm4b:s8+s6], $0x400, $0x38;
	[tilespmem:$0x10700] =	vst v63  }
0xce: {  	s8 =	sand.u32 $0xFFFFF80, s9  }
0xcf: {  	(v2sf) =	vpush v21, $0x5;
	s11 =	simm.s32 $0x9400;
	s8 =	sadd.s32 s1, s8  }
0xd0: {  	[tilespmem:s11], [sflag:$0x5] =	stream.linear.gather [hbm4b:s8+s6], $0x400, $0x38;
	[tilespmem:$0x10700] =	vst v63  }
0xd1: {  	s9 =	sadd.s32 $0xF4280, s8;
	s11 =	simm.s32 $0xB400  }
0xd2: {  	[tilespmem:s11], [sflag:$0x5] =	stream.linear.gather [hbm4b:s9+s6], $0x400, $0x38;
	[tilespmem:$0x10700] =	vst v63  }
0xd3: {  	s9 =	sadd.s32 $0x1E8500, s8;
	s11 =	simm.s32 $0xD400  }
0xd4: {  	[tilespmem:s11], [sflag:$0x5] =	stream.linear.gather [hbm4b:s9+s6], $0x400, $0x38;
	[tilespmem:$0x10700] =	vst v63  }
0xd5: {  	s8 =	sadd.s32 $0x2DC780, s8;
	s11 =	simm.s32 $0xF400;
	s9 =	spop (v2sf)  }
0xd6: {  	[tilespmem:s11], [sflag:$0x5] =	stream.linear.gather [hbm4b:s8+s6], $0x400, $0x38;
	[tilespmem:$0x10700] =	vst v63  }
0xd7: {  	s8 =	sand.u32 $0xFFFFF80, s9  }
0xd8: {  	(v2sf) =	vpush v22, $0x6;
	s11 =	simm.s32 $0x1800;
	s8 =	sadd.s32 s0, s8  }
0xd9: {  	[tilespmem:s11], [sflag:$0x6] =	stream.linear.gather [hbm4b:s8+s6], $0x400, $0x38;
	[tilespmem:$0x10700] =	vst v63  }
0xda: {  	s9 =	sadd.s32 $0xF4280, s8;
	s11 =	simm.s32 $0x3800  }
0xdb: {  	[tilespmem:s11], [sflag:$0x6] =	stream.linear.gather [hbm4b:s9+s6], $0x400, $0x38;
	[tilespmem:$0x10700] =	vst v63  }
0xdc: {  	s9 =	sadd.s32 $0x1E8500, s8;
	s11 =	simm.s32 $0x5800  }
0xdd: {  	[tilespmem:s11], [sflag:$0x6] =	stream.linear.gather [hbm4b:s9+s6], $0x400, $0x38;
	[tilespmem:$0x10700] =	vst v63  }
0xde: {  	s8 =	sadd.s32 $0x2DC780, s8;
	s11 =	simm.s32 $0x7800;
	s9 =	spop (v2sf)  }
0xdf: {  	[tilespmem:s11], [sflag:$0x6] =	stream.linear.gather [hbm4b:s8+s6], $0x400, $0x38;
	[tilespmem:$0x10700] =	vst v63  }
0xe0: {  	s8 =	sand.u32 $0xFFFFF80, s9  }
0xe1: {  	(v2sf) =	vpush v21, $0x6;
	s11 =	simm.s32 $0x9800;
	s8 =	sadd.s32 s1, s8  }
0xe2: {  	[tilespmem:s11], [sflag:$0x6] =	stream.linear.gather [hbm4b:s8+s6], $0x400, $0x38;
	[tilespmem:$0x10700] =	vst v63  }
0xe3: {  	s9 =	sadd.s32 $0xF4280, s8;
	s11 =	simm.s32 $0xB800  }
0xe4: {  	[tilespmem:s11], [sflag:$0x6] =	stream.linear.gather [hbm4b:s9+s6], $0x400, $0x38;
	[tilespmem:$0x10700] =	vst v63  }
0xe5: {  	s9 =	sadd.s32 $0x1E8500, s8;
	s11 =	simm.s32 $0xD800  }
0xe6: {  	[tilespmem:s11], [sflag:$0x6] =	stream.linear.gather [hbm4b:s9+s6], $0x400, $0x38;
	[tilespmem:$0x10700] =	vst v63  }
0xe7: {  	s8 =	sadd.s32 $0x2DC780, s8;
	s11 =	simm.s32 $0xF800;
	s9 =	spop (v2sf)  }
0xe8: {  	[tilespmem:s11], [sflag:$0x6] =	stream.linear.gather [hbm4b:s8+s6], $0x400, $0x38;
	[tilespmem:$0x10700] =	vst v63  }
0xe9: {  	s8 =	sand.u32 $0xFFFFF80, s9  }
0xea: {  	(v2sf) =	vpush v22, $0x7;
	s11 =	simm.s32 $0x1C00;
	s8 =	sadd.s32 s0, s8  }
0xeb: {  	[tilespmem:s11], [sflag:$0x7] =	stream.linear.gather [hbm4b:s8+s6], $0x400, $0x38;
	[tilespmem:$0x10700] =	vst v63  }
0xec: {  	s9 =	sadd.s32 $0xF4280, s8;
	s11 =	simm.s32 $0x3C00  }
0xed: {  	[tilespmem:s11], [sflag:$0x7] =	stream.linear.gather [hbm4b:s9+s6], $0x400, $0x38;
	[tilespmem:$0x10700] =	vst v63  }
0xee: {  	s9 =	sadd.s32 $0x1E8500, s8;
	s11 =	simm.s32 $0x5C00  }
0xef: {  	[tilespmem:s11], [sflag:$0x7] =	stream.linear.gather [hbm4b:s9+s6], $0x400, $0x38;
	[tilespmem:$0x10700] =	vst v63  }
0xf0: {  	s8 =	sadd.s32 $0x2DC780, s8;
	s11 =	simm.s32 $0x7C00;
	s9 =	spop (v2sf)  }
0xf1: {  	[tilespmem:s11], [sflag:$0x7] =	stream.linear.gather [hbm4b:s8+s6], $0x400, $0x38;
	[tilespmem:$0x10700] =	vst v63  }
0xf2: {  	s8 =	sand.u32 $0xFFFFF80, s9  }
0xf3: {  	(v2sf) =	vpush v21, $0x7;
	s11 =	simm.s32 $0x9C00;
	s8 =	sadd.s32 s1, s8  }
0xf4: {  	[tilespmem:s11], [sflag:$0x7] =	stream.linear.gather [hbm4b:s8+s6], $0x400, $0x38;
	[tilespmem:$0x10700] =	vst v63  }
0xf5: {  	s9 =	sadd.s32 $0xF4280, s8;
	s11 =	simm.s32 $0xBC00  }
0xf6: {  	[tilespmem:s11], [sflag:$0x7] =	stream.linear.gather [hbm4b:s9+s6], $0x400, $0x38;
	[tilespmem:$0x10700] =	vst v63  }
0xf7: {  	s9 =	sadd.s32 $0x1E8500, s8;
	s11 =	simm.s32 $0xDC00  }
0xf8: {  	[tilespmem:s11], [sflag:$0x7] =	stream.linear.gather [hbm4b:s9+s6], $0x400, $0x38;
	[tilespmem:$0x10700] =	vst v63  }
0xf9: {  	s8 =	sadd.s32 $0x2DC780, s8;
	s11 =	simm.s32 $0xFC00;
	s9 =	spop (v2sf)  }
0xfa: {  	[tilespmem:s11], [sflag:$0x7] =	stream.linear.gather [hbm4b:s8+s6], $0x400, $0x38;
	[tilespmem:$0x10700] =	vst v63  }
0xfb: {  	s8 =	sand.u32 $0xFFFFF80, s9  }
0xfc: {  	s11 =	simm.s32 $0x2000;
	s8 =	sadd.s32 s0, s8  }
0xfd: {  	[tilespmem:s11], [sflag:$0x8] =	stream.linear.gather [hbm4b:s8+s6], $0x400, $0x38;
	[tilespmem:$0x10700] =	vst v63  }
0xfe: {  	s9 =	sadd.s32 $0xF4280, s8;
	s11 =	simm.s32 $0x4000  }
0xff: {  	[tilespmem:s11], [sflag:$0x8] =	stream.linear.gather [hbm4b:s9+s6], $0x400, $0x38;
	[tilespmem:$0x10700] =	vst v63  }
0x100: {  	s9 =	sadd.s32 $0x1E8500, s8;
	s11 =	simm.s32 $0x6000  }
0x101: {  	[tilespmem:s11], [sflag:$0x8] =	stream.linear.gather [hbm4b:s9+s6], $0x400, $0x38;
	[tilespmem:$0x10700] =	vst v63  }
0x102: {  	s8 =	sadd.s32 $0x2DC780, s8;
	s11 =	simm.s32 $0x8000;
	s9 =	spop (v2sf)  }
0x103: {  	[tilespmem:s11], [sflag:$0x8] =	stream.linear.gather [hbm4b:s8+s6], $0x400, $0x38;
	[tilespmem:$0x10700] =	vst v63  }
0x104: {  	s8 =	sand.u32 $0xFFFFF80, s9  }
0x105: {  	s11 =	simm.s32 $0xA000;
	s8 =	sadd.s32 s1, s8  }
0x106: {  	[tilespmem:s11], [sflag:$0x8] =	stream.linear.gather [hbm4b:s8+s6], $0x400, $0x38;
	[tilespmem:$0x10700] =	vst v63  }
0x107: {  	s9 =	sadd.s32 $0xF4280, s8;
	s11 =	simm.s32 $0xC000  }
0x108: {  	[tilespmem:s11], [sflag:$0x8] =	stream.linear.gather [hbm4b:s9+s6], $0x400, $0x38;
	[tilespmem:$0x10700] =	vst v63  }
0x109: {  	s9 =	sadd.s32 $0x1E8500, s8;
	s11 =	simm.s32 $0xE000  }
0x10a: {  	[tilespmem:s11], [sflag:$0x8] =	stream.linear.gather [hbm4b:s9+s6], $0x400, $0x38;
	[tilespmem:$0x10700] =	vst v63  }
0x10b: {  	s8 =	sadd.s32 $0x2DC780, s8;
	s9 =	simm.s32 $0x10000  }
0x10c: {  	[tilespmem:s9], [sflag:$0x8] =	stream.linear.gather [hbm4b:s8+s6], $0x400, $0x38;
	[tilespmem:$0x10700] =	vst v63  }
0x10d: {  	_ =	swait.ge [sflag:s28], $0x1000  }
0x10e: {  	[sflag:s28] =	ssyncset.done $0x0  }
0x10f: {  	[sflag:s28] =	ssyncadd.s32 $0xFFFFF000  }
0x110: {  	_ =	swait.ge [sflag:s28], $0x1000  }
0x111: {  	(v2sf) =	vpush v22, $0x8;
	_ =	sdelay $0x8  }
0x112: {  	s7 =	sand.u32 $0x7F, s7  }
0x113: {  	v19 =	vor.u32 s7, v0;
	(v2sf) =	vpush v21, $0x8  }
0x114: {  	v20 =	vor.u32 s7, v1;
	s14 =	sand.u32 $0x7F, s14  }
0x115: {  	v25 =	vor.u32 s14, v0  }
0x116: {  	v26 =	vor.u32 s14, v1;
	[sflag:s28] =	ssyncset.done $0x0  }
0x117: {  	[sflag:s28] =	ssyncadd.s32 $0xFFFFF000  }
0x118: {  	v23 =	vld.idx.msk [tilespmem:v19+s15+$0x0], $0xffff;
	s14 =	spop (v2sf)  }
0x119: {  	v24 =	vld.idx.msk [tilespmem:v20+s15+$0x0], $0xffff;
	s8 =	sand.u32 $0xFFFFF80, s14  }
0x11a: {  	v25 =	vld.idx.msk [tilespmem:v25+s19+$0x0], $0xffff;
	s7 =	sadd.s32 s0, s8  }
0x11b: {  	v26 =	vld.idx.msk [tilespmem:v26+s19+$0x0], $0xffff;
	[tilespmem:s15], [sflag:$0x1] =	stream.linear.gather [hbm4b:s7+s6], $0x400, $0x38  }
0x11c: {  	s9 =	sadd.s32 $0xF4280, s7  }
0x11d: {  	[tilespmem:s16], [sflag:$0x1] =	stream.linear.gather [hbm4b:s9+s6], $0x400, $0x38;
	[tilespmem:$0x10700] =	vst v63  }
0x11e: {  	s9 =	sadd.s32 $0x1E8500, s7  }
0x11f: {  	[tilespmem:s17], [sflag:$0x1] =	stream.linear.gather [hbm4b:s9+s6], $0x400, $0x38;
	[tilespmem:$0x10700] =	vst v63  }
0x120: {  	s7 =	sadd.s32 $0x2DC780, s7  }
0x121: {  	[tilespmem:s18], [sflag:$0x1] =	stream.linear.gather [hbm4b:s7+s6], $0x400, $0x38;
	[tilespmem:$0x10700] =	vst v63  }
0x122: {  	s7 =	spop (v2sf)  }
0x123: {  	s9 =	sand.u32 $0xFFFFF80, s7  }
0x124: {  	s8 =	sadd.s32 s1, s9  }
0x125: {  	[tilespmem:s19], [sflag:$0x1] =	stream.linear.gather [hbm4b:s8+s6], $0x400, $0x38;
	[tilespmem:$0x10700] =	vst v63  }
0x126: {  	s9 =	sadd.s32 $0xF4280, s8  }
0x127: {  	[tilespmem:s20], [sflag:$0x1] =	stream.linear.gather [hbm4b:s9+s6], $0x400, $0x38;
	[tilespmem:$0x10700] =	vst v63  }
0x128: {  	s9 =	sadd.s32 $0x1E8500, s8  }
0x129: {  	[tilespmem:s21], [sflag:$0x1] =	stream.linear.gather [hbm4b:s9+s6], $0x400, $0x38;
	[tilespmem:$0x10700] =	vst v63  }
0x12a: {  	s8 =	sadd.s32 $0x2DC780, s8  }
0x12b: {  	[tilespmem:s22], [sflag:$0x1] =	stream.linear.gather [hbm4b:s8+s6], $0x400, $0x38;
	[tilespmem:$0x10700] =	vst v63  }
0x12c: {  	_ =	swait.ge [sflag:s29], $0x1000  }
0x12d: {  	[sflag:s29] =	ssyncset.done $0x0  }
0x12e: {  	[sflag:s29] =	ssyncadd.s32 $0xFFFFF000  }
0x12f: {  	_ =	swait.ge [sflag:s29], $0x1000  }
0x130: {  	(v2sf) =	vpush v22, $0x9;
	_ =	sdelay $0x6  }
0x131: {  	v20 =	vand.u32 $0x7F, v22  }
0x132: {  	v27 =	vbroadcast v20, $0x1;
	(v2sf) =	vpush v21, $0x9  }
0x133: {  	v19 =	vand.u32 $0x7F, v21  }
0x134: {  	v29 =	vbroadcast v19, $0x1;
	v28 =	vor.u32 v2, v27  }
0x135: {  	v30 =	vor.u32 v3, v27  }
0x136: {  	v31 =	vor.u32 v2, v29  }
0x137: {  	v32 =	vor.u32 v3, v29;
	[sflag:s29] =	ssyncset.done $0x0  }
0x138: {  	[sflag:s29] =	ssyncadd.s32 $0xFFFFF000  }
0x139: {  	v27 =	vld.idx.msk [tilespmem:v28+s15+$0x0], $0xffff;
	s9 =	spop (v2sf)  }
0x13a: {  	v28 =	vld.idx.msk [tilespmem:v30+s15+$0x0], $0xffff;
	s8 =	sand.u32 $0xFFFFF80, s9  }
0x13b: {  	v62 =	vld.idx.msk [tilespmem:v31+s19+$0x0], $0xffff;
	s8 =	sadd.s32 s0, s8  }
0x13c: {  	v63 =	vld.idx.msk [tilespmem:v32+s19+$0x0], $0xffff;
	[tilespmem:s23], [sflag:$0x2] =	stream.linear.gather [hbm4b:s8+s6], $0x400, $0x38  }
0x13d: {  	s9 =	sadd.s32 $0xF4280, s8  }
0x13e: {  	[tilespmem:s24], [sflag:$0x2] =	stream.linear.gather [hbm4b:s9+s6], $0x400, $0x38;
	[tilespmem:$0x10700] =	vst v63  }
0x13f: {  	s9 =	sadd.s32 $0x1E8500, s8  }
0x140: {  	[tilespmem:s25], [sflag:$0x2] =	stream.linear.gather [hbm4b:s9+s6], $0x400, $0x38;
	[tilespmem:$0x10700] =	vst v63  }
0x141: {  	s8 =	sadd.s32 $0x2DC780, s8;
	s9 =	spop (v2sf)  }
0x142: {  	[tilespmem:s26], [sflag:$0x2] =	stream.linear.gather [hbm4b:s8+s6], $0x400, $0x38;
	[tilespmem:$0x10700] =	vst v63  }
0x143: {  	s8 =	sand.u32 $0xFFFFF80, s9  }
0x144: {  	s8 =	sadd.s32 s1, s8  }
0x145: {  	[tilespmem:s10], [sflag:$0x2] =	stream.linear.gather [hbm4b:s8+s6], $0x400, $0x38;
	[tilespmem:$0x10700] =	vst v63  }
0x146: {  	s9 =	sadd.s32 $0xF4280, s8;
	s10 =	simm.s32 $0xA800  }
0x147: {  	[tilespmem:s10], [sflag:$0x2] =	stream.linear.gather [hbm4b:s9+s6], $0x400, $0x38;
	[tilespmem:$0x10700] =	vst v63  }
0x148: {  	s9 =	sadd.s32 $0x1E8500, s8;
	s10 =	simm.s32 $0xC800  }
0x149: {  	[tilespmem:s10], [sflag:$0x2] =	stream.linear.gather [hbm4b:s9+s6], $0x400, $0x38;
	[tilespmem:$0x10700] =	vst v63  }
0x14a: {  	s8 =	sadd.s32 $0x2DC780, s8  }
0x14b: {  	[tilespmem:s13], [sflag:$0x2] =	stream.linear.gather [hbm4b:s8+s6], $0x400, $0x38;
	[tilespmem:$0x10700] =	vst v63  }
0x14c: {  	_ =	swait.ge [sflag:s30], $0x1000  }
0x14d: {  	[sflag:s30] =	ssyncset.done $0x0  }
0x14e: {  	[sflag:s30] =	ssyncadd.s32 $0xFFFFF000  }
0x14f: {  	_ =	swait.ge [sflag:s30], $0x1000  }
0x150: {  	(v2sf) =	vpush v22, $0xA;
	_ =	sdelay $0x7  }
0x151: {  	v50 =	vbroadcast v20, $0x2;
	(v2sf) =	vpush v21, $0xA;
	_ =	sdelay $0x1  }
0x152: {  	v33 =	vbroadcast v19, $0x2;
	v51 =	vor.u32 v4, v50  }
0x153: {  	v34 =	vor.u32 v5, v50  }
0x154: {  	v35 =	vor.u32 v4, v33  }
0x155: {  	v36 =	vor.u32 v5, v33;
	[sflag:s30] =	ssyncset.done $0x0  }
0x156: {  	[sflag:s30] =	ssyncadd.s32 $0xFFFFF000  }
0x157: {  	v31 =	vld.idx.msk [tilespmem:v51+s15+$0x0], $0xffff;
	s9 =	spop (v2sf)  }
0x158: {  	v32 =	vld.idx.msk [tilespmem:v34+s15+$0x0], $0xffff;
	s8 =	sand.u32 $0xFFFFF80, s9  }
0x159: {  	s10 =	simm.s32 $0xC00;
	v33 =	vld.idx.msk [tilespmem:v35+s19+$0x0], $0xffff;
	s8 =	sadd.s32 s0, s8  }
0x15a: {  	v34 =	vld.idx.msk [tilespmem:v36+s19+$0x0], $0xffff;
	[tilespmem:s10], [sflag:$0x3] =	stream.linear.gather [hbm4b:s8+s6], $0x400, $0x38  }
0x15b: {  	s9 =	sadd.s32 $0xF4280, s8;
	s10 =	simm.s32 $0x2C00  }
0x15c: {  	[tilespmem:s10], [sflag:$0x3] =	stream.linear.gather [hbm4b:s9+s6], $0x400, $0x38;
	[tilespmem:$0x10700] =	vst v63  }
0x15d: {  	s9 =	sadd.s32 $0x1E8500, s8;
	s10 =	simm.s32 $0x4C00  }
0x15e: {  	[tilespmem:s10], [sflag:$0x3] =	stream.linear.gather [hbm4b:s9+s6], $0x400, $0x38;
	[tilespmem:$0x10700] =	vst v63  }
0x15f: {  	s8 =	sadd.s32 $0x2DC780, s8;
	s10 =	simm.s32 $0x6C00;
	s9 =	spop (v2sf)  }
0x160: {  	[tilespmem:s10], [sflag:$0x3] =	stream.linear.gather [hbm4b:s8+s6], $0x400, $0x38;
	[tilespmem:$0x10700] =	vst v63  }
0x161: {  	s8 =	sand.u32 $0xFFFFF80, s9  }
0x162: {  	s10 =	simm.s32 $0x8C00;
	s8 =	sadd.s32 s1, s8  }
0x163: {  	[tilespmem:s10], [sflag:$0x3] =	stream.linear.gather [hbm4b:s8+s6], $0x400, $0x38;
	[tilespmem:$0x10700] =	vst v63  }
0x164: {  	s9 =	sadd.s32 $0xF4280, s8;
	s10 =	simm.s32 $0xAC00  }
0x165: {  	[tilespmem:s10], [sflag:$0x3] =	stream.linear.gather [hbm4b:s9+s6], $0x400, $0x38;
	[tilespmem:$0x10700] =	vst v63  }
0x166: {  	s9 =	sadd.s32 $0x1E8500, s8;
	s10 =	simm.s32 $0xCC00  }
0x167: {  	[tilespmem:s10], [sflag:$0x3] =	stream.linear.gather [hbm4b:s9+s6], $0x400, $0x38;
	[tilespmem:$0x10700] =	vst v63  }
0x168: {  	s8 =	sadd.s32 $0x2DC780, s8;
	s10 =	simm.s32 $0xEC00  }
0x169: {  	[tilespmem:s10], [sflag:$0x3] =	stream.linear.gather [hbm4b:s8+s6], $0x400, $0x38;
	[tilespmem:$0x10700] =	vst v63  }
0x16a: {  	_ =	swait.ge [sflag:s31], $0x1000  }
0x16b: {  	[sflag:s31] =	ssyncset.done $0x0  }
0x16c: {  	[sflag:s31] =	ssyncadd.s32 $0xFFFFF000  }
0x16d: {  	_ =	swait.ge [sflag:s31], $0x1000  }
0x16e: {  	(v2sf) =	vpush v22, $0xB;
	_ =	sdelay $0x7  }
0x16f: {  	v52 =	vbroadcast v20, $0x3;
	(v2sf) =	vpush v21, $0xB;
	_ =	sdelay $0x1  }
0x170: {  	v37 =	vbroadcast v19, $0x3;
	v53 =	vor.u32 v6, v52  }
0x171: {  	v38 =	vor.u32 v7, v52  }
0x172: {  	v39 =	vor.u32 v6, v37  }
0x173: {  	v40 =	vor.u32 v7, v37;
	[sflag:s31] =	ssyncset.done $0x0  }
0x174: {  	[sflag:s31] =	ssyncadd.s32 $0xFFFFF000  }
0x175: {  	v35 =	vld.idx.msk [tilespmem:v53+s15+$0x0], $0xffff;
	s9 =	spop (v2sf)  }
0x176: {  	v36 =	vld.idx.msk [tilespmem:v38+s15+$0x0], $0xffff;
	s8 =	sand.u32 $0xFFFFF80, s9  }
0x177: {  	s10 =	simm.s32 $0x1000;
	v37 =	vld.idx.msk [tilespmem:v39+s19+$0x0], $0xffff;
	s8 =	sadd.s32 s0, s8  }
0x178: {  	v38 =	vld.idx.msk [tilespmem:v40+s19+$0x0], $0xffff;
	[tilespmem:s10], [sflag:$0x4] =	stream.linear.gather [hbm4b:s8+s6], $0x400, $0x38  }
0x179: {  	s9 =	sadd.s32 $0xF4280, s8;
	s10 =	simm.s32 $0x3000  }
0x17a: {  	[tilespmem:s10], [sflag:$0x4] =	stream.linear.gather [hbm4b:s9+s6], $0x400, $0x38;
	[tilespmem:$0x10700] =	vst v63  }
0x17b: {  	s9 =	sadd.s32 $0x1E8500, s8;
	s10 =	simm.s32 $0x5000  }
0x17c: {  	[tilespmem:s10], [sflag:$0x4] =	stream.linear.gather [hbm4b:s9+s6], $0x400, $0x38;
	[tilespmem:$0x10700] =	vst v63  }
0x17d: {  	s8 =	sadd.s32 $0x2DC780, s8;
	s10 =	simm.s32 $0x7000;
	s9 =	spop (v2sf)  }
0x17e: {  	[tilespmem:s10], [sflag:$0x4] =	stream.linear.gather [hbm4b:s8+s6], $0x400, $0x38;
	[tilespmem:$0x10700] =	vst v63  }
0x17f: {  	s8 =	sand.u32 $0xFFFFF80, s9  }
0x180: {  	s10 =	simm.s32 $0x9000;
	s8 =	sadd.s32 s1, s8  }
0x181: {  	[tilespmem:s10], [sflag:$0x4] =	stream.linear.gather [hbm4b:s8+s6], $0x400, $0x38;
	[tilespmem:$0x10700] =	vst v63  }
0x182: {  	s9 =	sadd.s32 $0xF4280, s8;
	s10 =	simm.s32 $0xB000  }
0x183: {  	[tilespmem:s10], [sflag:$0x4] =	stream.linear.gather [hbm4b:s9+s6], $0x400, $0x38;
	[tilespmem:$0x10700] =	vst v63  }
0x184: {  	s9 =	sadd.s32 $0x1E8500, s8;
	s10 =	simm.s32 $0xD000  }
0x185: {  	[tilespmem:s10], [sflag:$0x4] =	stream.linear.gather [hbm4b:s9+s6], $0x400, $0x38;
	[tilespmem:$0x10700] =	vst v63  }
0x186: {  	s8 =	sadd.s32 $0x2DC780, s8;
	s10 =	simm.s32 $0xF000  }
0x187: {  	[tilespmem:s10], [sflag:$0x4] =	stream.linear.gather [hbm4b:s8+s6], $0x400, $0x38;
	[tilespmem:$0x10700] =	vst v63  }
0x188: {  	_ =	swait.ge [sflag:s4], $0x1000  }
0x189: {  	[sflag:s4] =	ssyncset.done $0x0  }
0x18a: {  	[sflag:s4] =	ssyncadd.s32 $0xFFFFF000  }
0x18b: {  	_ =	swait.ge [sflag:s4], $0x1000  }
0x18c: {  	(v2sf) =	vpush v22, $0xC;
	_ =	sdelay $0x7  }
0x18d: {  	v54 =	vbroadcast v20, $0x4;
	(v2sf) =	vpush v21, $0xC;
	_ =	sdelay $0x1  }
0x18e: {  	v41 =	vbroadcast v19, $0x4;
	v55 =	vor.u32 v8, v54  }
0x18f: {  	v42 =	vor.u32 v9, v54  }
0x190: {  	v43 =	vor.u32 v8, v41  }
0x191: {  	v44 =	vor.u32 v9, v41;
	[sflag:s4] =	ssyncset.done $0x0  }
0x192: {  	[sflag:s4] =	ssyncadd.s32 $0xFFFFF000  }
0x193: {  	v56 =	vld.idx.msk [tilespmem:v55+s15+$0x0], $0xffff;
	s9 =	spop (v2sf)  }
0x194: {  	v40 =	vld.idx.msk [tilespmem:v42+s15+$0x0], $0xffff;
	s8 =	sand.u32 $0xFFFFF80, s9  }
0x195: {  	s10 =	simm.s32 $0x1400;
	v57 =	vld.idx.msk [tilespmem:v43+s19+$0x0], $0xffff;
	s8 =	sadd.s32 s0, s8  }
0x196: {  	v58 =	vld.idx.msk [tilespmem:v44+s19+$0x0], $0xffff;
	[tilespmem:s10], [sflag:$0x5] =	stream.linear.gather [hbm4b:s8+s6], $0x400, $0x38  }
0x197: {  	s9 =	sadd.s32 $0xF4280, s8;
	s10 =	simm.s32 $0x3400  }
0x198: {  	[tilespmem:s10], [sflag:$0x5] =	stream.linear.gather [hbm4b:s9+s6], $0x400, $0x38;
	[tilespmem:$0x10700] =	vst v63  }
0x199: {  	s9 =	sadd.s32 $0x1E8500, s8;
	s10 =	simm.s32 $0x5400  }
0x19a: {  	[tilespmem:s10], [sflag:$0x5] =	stream.linear.gather [hbm4b:s9+s6], $0x400, $0x38;
	[tilespmem:$0x10700] =	vst v63  }
0x19b: {  	s8 =	sadd.s32 $0x2DC780, s8;
	s10 =	simm.s32 $0x7400;
	s9 =	spop (v2sf)  }
0x19c: {  	[tilespmem:s10], [sflag:$0x5] =	stream.linear.gather [hbm4b:s8+s6], $0x400, $0x38;
	[tilespmem:$0x10700] =	vst v63  }
0x19d: {  	s8 =	sand.u32 $0xFFFFF80, s9  }
0x19e: {  	s10 =	simm.s32 $0x9400;
	s8 =	sadd.s32 s1, s8  }
0x19f: {  	[tilespmem:s10], [sflag:$0x5] =	stream.linear.gather [hbm4b:s8+s6], $0x400, $0x38;
	[tilespmem:$0x10700] =	vst v63  }
0x1a0: {  	s9 =	sadd.s32 $0xF4280, s8;
	s10 =	simm.s32 $0xB400  }
0x1a1: {  	[tilespmem:s10], [sflag:$0x5] =	stream.linear.gather [hbm4b:s9+s6], $0x400, $0x38;
	[tilespmem:$0x10700] =	vst v63  }
0x1a2: {  	s9 =	sadd.s32 $0x1E8500, s8;
	s10 =	simm.s32 $0xD400  }
0x1a3: {  	[tilespmem:s10], [sflag:$0x5] =	stream.linear.gather [hbm4b:s9+s6], $0x400, $0x38;
	[tilespmem:$0x10700] =	vst v63  }
0x1a4: {  	s8 =	sadd.s32 $0x2DC780, s8;
	s10 =	simm.s32 $0xF400  }
0x1a5: {  	[tilespmem:s10], [sflag:$0x5] =	stream.linear.gather [hbm4b:s8+s6], $0x400, $0x38;
	[tilespmem:$0x10700] =	vst v63  }
0x1a6: {  	_ =	swait.ge [sflag:s5], $0x1000  }
0x1a7: {  	[sflag:s5] =	ssyncset.done $0x0  }
0x1a8: {  	[sflag:s5] =	ssyncadd.s32 $0xFFFFF000  }
0x1a9: {  	_ =	swait.ge [sflag:s5], $0x1000  }
0x1aa: {  	(v2sf) =	vpush v22, $0xD;
	_ =	sdelay $0x7  }
0x1ab: {  	v59 =	vbroadcast v20, $0x5;
	(v2sf) =	vpush v21, $0xD;
	_ =	sdelay $0x1  }
0x1ac: {  	v45 =	vbroadcast v19, $0x5;
	v60 =	vor.u32 v10, v59  }
0x1ad: {  	v43 =	vor.u32 v11, v59  }
0x1ae: {  	v46 =	vor.u32 v10, v45  }
0x1af: {  	v45 =	vor.u32 v11, v45;
	[sflag:s5] =	ssyncset.done $0x0  }
0x1b0: {  	[sflag:s5] =	ssyncadd.s32 $0xFFFFF000  }
0x1b1: {  	v44 =	vld.idx.msk [tilespmem:v60+s15+$0x0], $0xffff;
	s9 =	spop (v2sf)  }
0x1b2: {  	v43 =	vld.idx.msk [tilespmem:v43+s15+$0x0], $0xffff;
	s8 =	sand.u32 $0xFFFFF80, s9  }
0x1b3: {  	s10 =	simm.s32 $0x1800;
	v46 =	vld.idx.msk [tilespmem:v46+s19+$0x0], $0xffff;
	s8 =	sadd.s32 s0, s8  }
0x1b4: {  	v45 =	vld.idx.msk [tilespmem:v45+s19+$0x0], $0xffff;
	[tilespmem:s10], [sflag:$0x6] =	stream.linear.gather [hbm4b:s8+s6], $0x400, $0x38  }
0x1b5: {  	s9 =	sadd.s32 $0xF4280, s8;
	s10 =	simm.s32 $0x3800  }
0x1b6: {  	[tilespmem:s10], [sflag:$0x6] =	stream.linear.gather [hbm4b:s9+s6], $0x400, $0x38;
	[tilespmem:$0x10700] =	vst v63  }
0x1b7: {  	s9 =	sadd.s32 $0x1E8500, s8;
	s10 =	simm.s32 $0x5800  }
0x1b8: {  	[tilespmem:s10], [sflag:$0x6] =	stream.linear.gather [hbm4b:s9+s6], $0x400, $0x38;
	[tilespmem:$0x10700] =	vst v63  }
0x1b9: {  	s8 =	sadd.s32 $0x2DC780, s8;
	s10 =	simm.s32 $0x7800;
	s9 =	spop (v2sf)  }
0x1ba: {  	[tilespmem:s10], [sflag:$0x6] =	stream.linear.gather [hbm4b:s8+s6], $0x400, $0x38;
	[tilespmem:$0x10700] =	vst v63  }
0x1bb: {  	s8 =	sand.u32 $0xFFFFF80, s9  }
0x1bc: {  	s10 =	simm.s32 $0x9800;
	s8 =	sadd.s32 s1, s8  }
0x1bd: {  	[tilespmem:s10], [sflag:$0x6] =	stream.linear.gather [hbm4b:s8+s6], $0x400, $0x38;
	[tilespmem:$0x10700] =	vst v63  }
0x1be: {  	s9 =	sadd.s32 $0xF4280, s8;
	s10 =	simm.s32 $0xB800  }
0x1bf: {  	[tilespmem:s10], [sflag:$0x6] =	stream.linear.gather [hbm4b:s9+s6], $0x400, $0x38;
	[tilespmem:$0x10700] =	vst v63  }
0x1c0: {  	s9 =	sadd.s32 $0x1E8500, s8;
	s10 =	simm.s32 $0xD800  }
0x1c1: {  	[tilespmem:s10], [sflag:$0x6] =	stream.linear.gather [hbm4b:s9+s6], $0x400, $0x38;
	[tilespmem:$0x10700] =	vst v63  }
0x1c2: {  	s8 =	sadd.s32 $0x2DC780, s8;
	s10 =	simm.s32 $0xF800  }
0x1c3: {  	[tilespmem:s10], [sflag:$0x6] =	stream.linear.gather [hbm4b:s8+s6], $0x400, $0x38;
	[tilespmem:$0x10700] =	vst v63  }
0x1c4: {  	_ =	swait.ge [sflag:s2], $0x1000  }
0x1c5: {  	[sflag:s2] =	ssyncset.done $0x0  }
0x1c6: {  	[sflag:s2] =	ssyncadd.s32 $0xFFFFF000  }
0x1c7: {  	_ =	swait.ge [sflag:s2], $0x1000  }
0x1c8: {  	(v2sf) =	vpush v22, $0xE;
	_ =	sdelay $0x7  }
0x1c9: {  	v47 =	vbroadcast v20, $0x6;
	(v2sf) =	vpush v21, $0xE;
	_ =	sdelay $0x1  }
0x1ca: {  	v49 =	vbroadcast v19, $0x6;
	v48 =	vor.u32 v12, v47  }
0x1cb: {  	v47 =	vor.u32 v13, v47  }
0x1cc: {  	v50 =	vor.u32 v12, v49  }
0x1cd: {  	v49 =	vor.u32 v13, v49;
	[sflag:s2] =	ssyncset.done $0x0  }
0x1ce: {  	[sflag:s2] =	ssyncadd.s32 $0xFFFFF000  }
0x1cf: {  	v48 =	vld.idx.msk [tilespmem:v48+s15+$0x0], $0xffff;
	s9 =	spop (v2sf)  }
0x1d0: {  	v47 =	vld.idx.msk [tilespmem:v47+s15+$0x0], $0xffff;
	s8 =	sand.u32 $0xFFFFF80, s9  }
0x1d1: {  	s10 =	simm.s32 $0x1C00;
	v50 =	vld.idx.msk [tilespmem:v50+s19+$0x0], $0xffff;
	s8 =	sadd.s32 s0, s8  }
0x1d2: {  	v49 =	vld.idx.msk [tilespmem:v49+s19+$0x0], $0xffff;
	[tilespmem:s10], [sflag:$0x7] =	stream.linear.gather [hbm4b:s8+s6], $0x400, $0x38  }
0x1d3: {  	s9 =	sadd.s32 $0xF4280, s8;
	s10 =	simm.s32 $0x3C00  }
0x1d4: {  	[tilespmem:s10], [sflag:$0x7] =	stream.linear.gather [hbm4b:s9+s6], $0x400, $0x38;
	[tilespmem:$0x10700] =	vst v63  }
0x1d5: {  	s9 =	sadd.s32 $0x1E8500, s8;
	s10 =	simm.s32 $0x5C00  }
0x1d6: {  	[tilespmem:s10], [sflag:$0x7] =	stream.linear.gather [hbm4b:s9+s6], $0x400, $0x38;
	[tilespmem:$0x10700] =	vst v63  }
0x1d7: {  	s8 =	sadd.s32 $0x2DC780, s8;
	s10 =	simm.s32 $0x7C00;
	s9 =	spop (v2sf)  }
0x1d8: {  	[tilespmem:s10], [sflag:$0x7] =	stream.linear.gather [hbm4b:s8+s6], $0x400, $0x38;
	[tilespmem:$0x10700] =	vst v63  }
0x1d9: {  	s8 =	sand.u32 $0xFFFFF80, s9  }
0x1da: {  	s10 =	simm.s32 $0x9C00;
	s8 =	sadd.s32 s1, s8  }
0x1db: {  	[tilespmem:s10], [sflag:$0x7] =	stream.linear.gather [hbm4b:s8+s6], $0x400, $0x38;
	[tilespmem:$0x10700] =	vst v63  }
0x1dc: {  	s9 =	sadd.s32 $0xF4280, s8;
	s10 =	simm.s32 $0xBC00  }
0x1dd: {  	[tilespmem:s10], [sflag:$0x7] =	stream.linear.gather [hbm4b:s9+s6], $0x400, $0x38;
	[tilespmem:$0x10700] =	vst v63  }
0x1de: {  	s9 =	sadd.s32 $0x1E8500, s8;
	s10 =	simm.s32 $0xDC00  }
0x1df: {  	[tilespmem:s10], [sflag:$0x7] =	stream.linear.gather [hbm4b:s9+s6], $0x400, $0x38;
	[tilespmem:$0x10700] =	vst v63  }
0x1e0: {  	s8 =	sadd.s32 $0x2DC780, s8;
	s10 =	simm.s32 $0xFC00  }
0x1e1: {  	[tilespmem:s10], [sflag:$0x7] =	stream.linear.gather [hbm4b:s8+s6], $0x400, $0x38;
	[tilespmem:$0x10700] =	vst v63  }
0x1e2: {  	_ =	swait.ge [sflag:s3], $0x1000  }
0x1e3: {  	[sflag:s3] =	ssyncset.done $0x0  }
0x1e4: {  	[sflag:s3] =	ssyncadd.s32 $0xFFFFF000  }
0x1e5: {  	_ =	swait.ge [sflag:s3], $0x1000  }
0x1e6: {  	(v2sf) =	vpush v22, $0xF;
	_ =	sdelay $0x4  }
0x1e7: {  	v61 =	vbroadcast v20, $0x7  }
0x1e8: {  	v52 =	vbroadcast v19, $0x7  }
0x1e9: {  	v51 =	vor.u32 v14, v61  }
0x1ea: {  	v53 =	vor.u32 v14, v52  }
0x1eb: {  	v23 =	vmul.f32 v25, v23;
	v24 =	vmul.f32 v26, v24;
	v52 =	vor.u32 v15, v52  }
0x1ec: {  	v62 =	vmul.f32 v62, v27;
	v63 =	vmul.f32 v63, v28;
	[sflag:s3] =	ssyncset.done $0x0  }
0x1ed: {  	v23 =	vmul.f32 v23, v16;
	v24 =	vmul.f32 v24, v17;
	[sflag:s3] =	ssyncadd.s32 $0xFFFFF000  }
0x1ee: {  	v26 =	vmul.f32 v62, v16;
	v27 =	vmul.f32 v63, v17;
	v22 =	vor.u32 v15, v61;
	v25 =	vld.idx.msk [tilespmem:v51+s15+$0x0], $0xffff  }
0x1ef: {  	v54 =	vmul.f32 v37, v35;
	v55 =	vmul.f32 v38, v36;
	v28 =	vld.idx.msk [tilespmem:v53+s19+$0x0], $0xffff  }
0x1f0: {  	v51 =	vld.idx.msk [tilespmem:v52+s19+$0x0], $0xffff;
	v52 =	vmul.f32 v33, v31;
	v53 =	vmul.f32 v34, v32  }
0x1f1: {  	v56 =	vmul.f32 v57, v56;
	v57 =	vmul.f32 v58, v40;
	s9 =	spop (v2sf);
	(v2sf) =	vpush v21, $0xF  }
0x1f2: {  	v23 =	vadd.f32 v24, v23;
	v30 =	vmul.f32 v52, v16;
	v31 =	vmul.f32 v53, v17  }
0x1f3: {  	v26 =	vadd.f32 v27, v26;
	v58 =	vmul.f32 v46, v44;
	v59 =	vmul.f32 v45, v43;
	v22 =	vld.idx.msk [tilespmem:v22+s15+$0x0], $0xffff  }
0x1f4: {  	(xrf2) =	vadd.scan.msk.f32 $0xffff, v23;
	v32 =	vmul.f32 v55, v17;
	v35 =	vadd.f32 v31, v30;
	v21 =	vmul.f32 v54, v16  }
0x1f5: {  	v60 =	vmul.f32 v56, v16;
	v62 =	vmul.f32 v58, v16;
	(xrf2) =	vadd.scan.msk.f32 $0xffff, v26;
	s8 =	sand.u32 $0xFFFFF80, s9  }
0x1f6: {  	v63 =	vmul.f32 v59, v17;
	s10 =	simm.s32 $0x2000;
	v61 =	vmul.f32 v57, v17;
	(xrf2) =	vadd.scan.msk.f32 $0xffff, v35;
	s8 =	sadd.s32 s0, s8;
	v21 =	vadd.f32 v32, v21  }
0x1f7: {  	v36 =	vmul.f32 v50, v48;
	v37 =	vmul.f32 v49, v47;
	[tilespmem:s10], [sflag:$0x8] =	stream.linear.gather [hbm4b:s8+s6], $0x400, $0x38;
	[tilespmem:$0x10700] =	vst v63  }
0x1f8: {  	v38 =	vadd.f32 v61, v60;
	v25 =	vmul.f32 v28, v25;
	v22 =	vmul.f32 v51, v22;
	s9 =	sadd.s32 $0xF4280, s8;
	s10 =	simm.s32 $0x4000;
	(xrf2) =	vadd.scan.msk.f32 $0xffff, v21  }
0x1f9: {  	v41 =	vadd.f32 v63, v62;
	v39 =	vmul.f32 v36, v16;
	v40 =	vmul.f32 v37, v17;
	[tilespmem:s10], [sflag:$0x8] =	stream.linear.gather [hbm4b:s9+s6], $0x400, $0x38;
	[tilespmem:$0x10700] =	vst v63  }
0x1fa: {  	v25 =	vmul.f32 v25, v16;
	v22 =	vmul.f32 v22, v17;
	(xrf2) =	vadd.scan.msk.f32 $0xffff, v38  }
0x1fb: {  	v42 =	vadd.f32 v40, v39;
	s9 =	sadd.s32 $0x1E8500, s8;
	s10 =	simm.s32 $0x6000;
	(xrf2) =	vadd.scan.msk.f32 $0xffff, v41  }
0x1fc: {  	v43 =	vadd.f32 v22, v25;
	[tilespmem:s10], [sflag:$0x8] =	stream.linear.gather [hbm4b:s9+s6], $0x400, $0x38;
	[tilespmem:$0x10700] =	vst v63  }
0x1fd: {  	(xrf2) =	vadd.scan.msk.f32 $0xffff, v42  }
0x1fe: {  	s8 =	sadd.s32 $0x2DC780, s8;
	s10 =	simm.s32 $0x8000;
	(xrf2) =	vadd.scan.msk.f32 $0xffff, v43  }
0x1ff: {  	[tilespmem:s10], [sflag:$0x8] =	stream.linear.gather [hbm4b:s8+s6], $0x400, $0x38;
	[tilespmem:$0x10700] =	vst v63  }
0x200: {  	s9 =	spop (v2sf)  }
0x201: {  	s8 =	sand.u32 $0xFFFFF80, s9  }
0x202: {  	v27, _, _ =	vpop (xrf2);
	s10 =	simm.s32 $0xA000;
	s8 =	sadd.s32 s1, s8  }
0x203: {  	v26, _, _ =	vpop (xrf2);
	[tilespmem:s10], [sflag:$0x8] =	stream.linear.gather [hbm4b:s8+s6], $0x400, $0x38;
	[tilespmem:$0x10700] =	vst v63  }
0x204: {  	v28, _, _ =	vpop (xrf2);
	s9 =	sadd.s32 $0xF4280, s8;
	s10 =	simm.s32 $0xC000  }
0x205: {  	v24, _, _ =	vpop (xrf2);
	[tilespmem:s10], [sflag:$0x8] =	stream.linear.gather [hbm4b:s9+s6], $0x400, $0x38;
	[tilespmem:$0x10700] =	vst v63  }
0x206: {  	s11 =	simm.s32 $0xE000;
	v25, _, _ =	vpop (xrf2);
	s10 =	sadd.s32 $0x1E8500, s8  }
0x207: {  	v23, _, _ =	vpop (xrf2);
	[tilespmem:s11], [sflag:$0x8] =	stream.linear.gather [hbm4b:s10+s6], $0x400, $0x38;
	[tilespmem:$0x10700] =	vst v63  }
0x208: {  	v22, _, _ =	vpop (xrf2);
	s8 =	sadd.s32 $0x2DC780, s8;
	s10 =	simm.s32 $0x10000  }
0x209: {  	v21, _, _ =	vpop (xrf2);
	[tilespmem:s10], [sflag:$0x8] =	stream.linear.gather [hbm4b:s8+s6], $0x400, $0x38;
	[tilespmem:$0x10700] =	vst v63  }
0x20a: {  	s11 =	sand.u32 $0x7F, s14;
	_ =	swait.ge [sflag:s28], $0x1000  }
0x20b: {  	v44 =	vor.u32 s11, v0;
	[sflag:s28] =	ssyncset.done $0x0  }
0x20c: {  	s7 =	sand.u32 $0x7F, s7;
	v45 =	vor.u32 s11, v1;
	[sflag:s28] =	ssyncadd.s32 $0xFFFFF000  }
0x20d: {  	v46 =	vor.u32 s7, v0;
	_ =	swait.ge [sflag:s28], $0x1000  }
0x20e: {  	v47 =	vor.u32 s7, v1;
	[sflag:s28] =	ssyncset.done $0x0  }
0x20f: {  	[sflag:s28] =	ssyncadd.s32 $0xFFFFF000  }
0x210: {  	v29 =	vld.idx.msk [tilespmem:v44+s15+$0x0], $0xffff  }
0x211: {  	v30 =	vld.idx.msk [tilespmem:v45+s15+$0x0], $0xffff  }
0x212: {  	v31 =	vld.idx.msk [tilespmem:v46+s19+$0x0], $0xffff  }
0x213: {  	v32 =	vld.idx.msk [tilespmem:v47+s19+$0x0], $0xffff;
	_ =	sdelay $0x4  }
0x214: {  	v29 =	vmul.f32 v31, v29;
	v30 =	vmul.f32 v32, v30;
	_ =	sdelay $0x1  }
0x215: {  	v29 =	vmul.f32 v29, v16;
	v30 =	vmul.f32 v30, v17;
	_ =	sdelay $0x1  }
0x216: {  	v29 =	vadd.f32 v30, v29;
	_ =	sdelay $0x1  }
0x217: {  	(xrf2) =	vadd.scan.msk.f32 $0xffff, v29;
	_ =	sdelay $0x9  }
0x218: {  	v48 =	vbroadcast v20, $0x9;
	v29, _, _ =	vpop (xrf2)  }
0x219: {  	_ =	swait.ge [sflag:s29], $0x1000  }
0x21a: {  	v50 =	vbroadcast v19, $0x9;
	v49 =	vor.u32 v2, v48;
	[sflag:s29] =	ssyncset.done $0x0  }
0x21b: {  	v30 =	vor.u32 v3, v48;
	[sflag:s29] =	ssyncadd.s32 $0xFFFFF000  }
0x21c: {  	v51 =	vor.u32 v2, v50;
	_ =	swait.ge [sflag:s29], $0x1000  }
0x21d: {  	v32 =	vor.u32 v3, v50;
	[sflag:s29] =	ssyncset.done $0x0  }
0x21e: {  	[sflag:s29] =	ssyncadd.s32 $0xFFFFF000  }
0x21f: {  	v31 =	vld.idx.msk [tilespmem:v49+s15+$0x0], $0xffff  }
0x220: {  	v30 =	vld.idx.msk [tilespmem:v30+s15+$0x0], $0xffff  }
0x221: {  	v33 =	vld.idx.msk [tilespmem:v51+s19+$0x0], $0xffff  }
0x222: {  	v32 =	vld.idx.msk [tilespmem:v32+s19+$0x0], $0xffff;
	_ =	sdelay $0x4  }
0x223: {  	v31 =	vmul.f32 v33, v31;
	v30 =	vmul.f32 v32, v30;
	_ =	sdelay $0x1  }
0x224: {  	v31 =	vmul.f32 v31, v16;
	v30 =	vmul.f32 v30, v17;
	_ =	sdelay $0x1  }
0x225: {  	v30 =	vadd.f32 v30, v31;
	_ =	sdelay $0x1  }
0x226: {  	(xrf2) =	vadd.scan.msk.f32 $0xffff, v30;
	_ =	sdelay $0x9  }
0x227: {  	v52 =	vbroadcast v20, $0xA;
	v30, _, _ =	vpop (xrf2)  }
0x228: {  	_ =	swait.ge [sflag:s30], $0x1000  }
0x229: {  	v53 =	vor.u32 v4, v52;
	v54 =	vbroadcast v19, $0xA;
	[sflag:s30] =	ssyncset.done $0x0  }
0x22a: {  	v31 =	vor.u32 v5, v52;
	[sflag:s30] =	ssyncadd.s32 $0xFFFFF000  }
0x22b: {  	v55 =	vor.u32 v4, v54;
	_ =	swait.ge [sflag:s30], $0x1000  }
0x22c: {  	v33 =	vor.u32 v5, v54;
	[sflag:s30] =	ssyncset.done $0x0  }
0x22d: {  	[sflag:s30] =	ssyncadd.s32 $0xFFFFF000  }
0x22e: {  	v32 =	vld.idx.msk [tilespmem:v53+s15+$0x0], $0xffff  }
0x22f: {  	v31 =	vld.idx.msk [tilespmem:v31+s15+$0x0], $0xffff  }
0x230: {  	v34 =	vld.idx.msk [tilespmem:v55+s19+$0x0], $0xffff  }
0x231: {  	v33 =	vld.idx.msk [tilespmem:v33+s19+$0x0], $0xffff;
	_ =	sdelay $0x4  }
0x232: {  	v32 =	vmul.f32 v34, v32;
	v31 =	vmul.f32 v33, v31;
	_ =	sdelay $0x1  }
0x233: {  	v32 =	vmul.f32 v32, v16;
	v31 =	vmul.f32 v31, v17;
	_ =	sdelay $0x1  }
0x234: {  	v31 =	vadd.f32 v31, v32;
	_ =	sdelay $0x1  }
0x235: {  	(xrf2) =	vadd.scan.msk.f32 $0xffff, v31;
	_ =	sdelay $0x9  }
0x236: {  	v56 =	vbroadcast v20, $0xB;
	v31, _, _ =	vpop (xrf2)  }
0x237: {  	_ =	swait.ge [sflag:s31], $0x1000  }
0x238: {  	v58 =	vbroadcast v19, $0xB;
	v57 =	vor.u32 v6, v56;
	[sflag:s31] =	ssyncset.done $0x0  }
0x239: {  	v32 =	vor.u32 v7, v56;
	[sflag:s31] =	ssyncadd.s32 $0xFFFFF000  }
0x23a: {  	v59 =	vor.u32 v6, v58;
	_ =	swait.ge [sflag:s31], $0x1000  }
0x23b: {  	v34 =	vor.u32 v7, v58;
	[sflag:s31] =	ssyncset.done $0x0  }
0x23c: {  	[sflag:s31] =	ssyncadd.s32 $0xFFFFF000  }
0x23d: {  	v33 =	vld.idx.msk [tilespmem:v57+s15+$0x0], $0xffff  }
0x23e: {  	v32 =	vld.idx.msk [tilespmem:v32+s15+$0x0], $0xffff  }
0x23f: {  	v35 =	vld.idx.msk [tilespmem:v59+s19+$0x0], $0xffff  }
0x240: {  	v34 =	vld.idx.msk [tilespmem:v34+s19+$0x0], $0xffff;
	_ =	sdelay $0x4  }
0x241: {  	v33 =	vmul.f32 v35, v33;
	v32 =	vmul.f32 v34, v32;
	_ =	sdelay $0x1  }
0x242: {  	v33 =	vmul.f32 v33, v16;
	v32 =	vmul.f32 v32, v17;
	_ =	sdelay $0x1  }
0x243: {  	v32 =	vadd.f32 v32, v33;
	_ =	sdelay $0x1  }
0x244: {  	(xrf2) =	vadd.scan.msk.f32 $0xffff, v32;
	_ =	sdelay $0x9  }
0x245: {  	v60 =	vbroadcast v20, $0xC;
	v32, _, _ =	vpop (xrf2)  }
0x246: {  	_ =	swait.ge [sflag:s4], $0x1000  }
0x247: {  	v62 =	vbroadcast v19, $0xC;
	v61 =	vor.u32 v8, v60;
	[sflag:s4] =	ssyncset.done $0x0  }
0x248: {  	v33 =	vor.u32 v9, v60;
	[sflag:s4] =	ssyncadd.s32 $0xFFFFF000  }
0x249: {  	v63 =	vor.u32 v8, v62;
	_ =	swait.ge [sflag:s4], $0x1000  }
0x24a: {  	v35 =	vor.u32 v9, v62;
	[sflag:s4] =	ssyncset.done $0x0  }
0x24b: {  	[sflag:s4] =	ssyncadd.s32 $0xFFFFF000  }
0x24c: {  	v34 =	vld.idx.msk [tilespmem:v61+s15+$0x0], $0xffff  }
0x24d: {  	v33 =	vld.idx.msk [tilespmem:v33+s15+$0x0], $0xffff  }
0x24e: {  	v36 =	vld.idx.msk [tilespmem:v63+s19+$0x0], $0xffff  }
0x24f: {  	v35 =	vld.idx.msk [tilespmem:v35+s19+$0x0], $0xffff;
	_ =	sdelay $0x4  }
0x250: {  	v34 =	vmul.f32 v36, v34;
	v33 =	vmul.f32 v35, v33;
	_ =	sdelay $0x1  }
0x251: {  	v34 =	vmul.f32 v34, v16;
	v33 =	vmul.f32 v33, v17;
	_ =	sdelay $0x1  }
0x252: {  	v33 =	vadd.f32 v33, v34;
	_ =	sdelay $0x1  }
0x253: {  	(xrf2) =	vadd.scan.msk.f32 $0xffff, v33;
	_ =	sdelay $0x9  }
0x254: {  	v40 =	vbroadcast v20, $0xD;
	v33, _, _ =	vpop (xrf2)  }
0x255: {  	_ =	swait.ge [sflag:s5], $0x1000  }
0x256: {  	v41 =	vor.u32 v10, v40;
	v42 =	vbroadcast v19, $0xD;
	[sflag:s5] =	ssyncset.done $0x0  }
0x257: {  	v34 =	vor.u32 v11, v40;
	[sflag:s5] =	ssyncadd.s32 $0xFFFFF000  }
0x258: {  	v43 =	vor.u32 v10, v42;
	_ =	swait.ge [sflag:s5], $0x1000  }
0x259: {  	v36 =	vor.u32 v11, v42;
	[sflag:s5] =	ssyncset.done $0x0  }
0x25a: {  	[sflag:s5] =	ssyncadd.s32 $0xFFFFF000  }
0x25b: {  	v35 =	vld.idx.msk [tilespmem:v41+s15+$0x0], $0xffff  }
0x25c: {  	v34 =	vld.idx.msk [tilespmem:v34+s15+$0x0], $0xffff  }
0x25d: {  	v37 =	vld.idx.msk [tilespmem:v43+s19+$0x0], $0xffff  }
0x25e: {  	v36 =	vld.idx.msk [tilespmem:v36+s19+$0x0], $0xffff;
	_ =	sdelay $0x4  }
0x25f: {  	v35 =	vmul.f32 v37, v35;
	v34 =	vmul.f32 v36, v34;
	_ =	sdelay $0x1  }
0x260: {  	v35 =	vmul.f32 v35, v16;
	v34 =	vmul.f32 v34, v17;
	_ =	sdelay $0x1  }
0x261: {  	v34 =	vadd.f32 v34, v35;
	_ =	sdelay $0x1  }
0x262: {  	(xrf2) =	vadd.scan.msk.f32 $0xffff, v34;
	_ =	sdelay $0x9  }
0x263: {  	v44 =	vbroadcast v20, $0xE;
	v34, _, _ =	vpop (xrf2)  }
0x264: {  	_ =	swait.ge [sflag:s2], $0x1000  }
0x265: {  	v46 =	vbroadcast v19, $0xE;
	v45 =	vor.u32 v12, v44;
	[sflag:s2] =	ssyncset.done $0x0  }
0x266: {  	v35 =	vor.u32 v13, v44;
	[sflag:s2] =	ssyncadd.s32 $0xFFFFF000  }
0x267: {  	v47 =	vor.u32 v12, v46;
	_ =	swait.ge [sflag:s2], $0x1000  }
0x268: {  	v37 =	vor.u32 v13, v46;
	[sflag:s2] =	ssyncset.done $0x0  }
0x269: {  	[sflag:s2] =	ssyncadd.s32 $0xFFFFF000  }
0x26a: {  	v36 =	vld.idx.msk [tilespmem:v45+s15+$0x0], $0xffff  }
0x26b: {  	v35 =	vld.idx.msk [tilespmem:v35+s15+$0x0], $0xffff  }
0x26c: {  	v38 =	vld.idx.msk [tilespmem:v47+s19+$0x0], $0xffff  }
0x26d: {  	v37 =	vld.idx.msk [tilespmem:v37+s19+$0x0], $0xffff;
	_ =	sdelay $0x4  }
0x26e: {  	v36 =	vmul.f32 v38, v36;
	v35 =	vmul.f32 v37, v35;
	_ =	sdelay $0x1  }
0x26f: {  	v36 =	vmul.f32 v36, v16;
	v35 =	vmul.f32 v35, v17;
	_ =	sdelay $0x1  }
0x270: {  	v35 =	vadd.f32 v35, v36;
	_ =	sdelay $0x1  }
0x271: {  	(xrf2) =	vadd.scan.msk.f32 $0xffff, v35;
	_ =	sdelay $0x9  }
0x272: {  	v20 =	vbroadcast v20, $0xF;
	v35, _, _ =	vpop (xrf2)  }
0x273: {  	_ =	swait.ge [sflag:s3], $0x1000  }
0x274: {  	v19 =	vbroadcast v19, $0xF;
	v48 =	vor.u32 v14, v20;
	[sflag:s3] =	ssyncset.done $0x0  }
0x275: {  	v20 =	vor.u32 v15, v20;
	[sflag:s3] =	ssyncadd.s32 $0xFFFFF000  }
0x276: {  	v49 =	vor.u32 v14, v19;
	_ =	swait.ge [sflag:s3], $0x1000  }
0x277: {  	v19 =	vor.u32 v15, v19;
	[sflag:s3] =	ssyncset.done $0x0  }
0x278: {  	[sflag:s3] =	ssyncadd.s32 $0xFFFFF000  }
0x279: {  	v36 =	vld.idx.msk [tilespmem:v48+s15+$0x0], $0xffff  }
0x27a: {  	v20 =	vld.idx.msk [tilespmem:v20+s15+$0x0], $0xffff  }
0x27b: {  	v37 =	vld.idx.msk [tilespmem:v49+s19+$0x0], $0xffff  }
0x27c: {  	v19 =	vld.idx.msk [tilespmem:v19+s19+$0x0], $0xffff;
	_ =	sdelay $0x3  }
0x27d: {  	v27 =	vbroadcast v27, $0xF  }
0x27e: {  	v36 =	vmul.f32 v37, v36;
	v19 =	vmul.f32 v19, v20  }
0x27f: {  	v50 =	vbroadcast v28, $0xF;
	v20 =	vbroadcast v26, $0xF  }
0x280: {  	v51 =	vmul.f32 v36, v16;
	v19 =	vmul.f32 v19, v17  }
0x281: {  	v27 =	vadd.f32 v27, v18;
	v24 =	vbroadcast v24, $0xF;
	v20 =	vadd.f32 v20, v18  }
0x282: {  	v25 =	vbroadcast v25, $0xF;
	v26 =	vadd.f32 v50, v18;
	v19 =	vadd.f32 v19, v51  }
0x283: {  	v24 =	vadd.f32 v24, v18;
	v23 =	vbroadcast v23, $0xF;
	v20 =	vsel vm0, v27, v20  }
0x284: {  	v25 =	vadd.f32 v25, v18;
	v22 =	vbroadcast v22, $0xF;
	v20 =	vsel vm1, v20, v26;
	(xrf2) =	vadd.scan.msk.f32 $0xffff, v19  }
0x285: {  	v21 =	vbroadcast v21, $0xF;
	v19 =	vsel vm2, v20, v24;
	v20 =	vadd.f32 v23, v18  }
0x286: {  	v22 =	vadd.f32 v22, v18;
	v52 =	vbroadcast v29, $0xF;
	v19 =	vsel vm3, v19, v25  }
0x287: {  	v53 =	vbroadcast v30, $0xF;
	v19 =	vsel vm4, v19, v20;
	v20 =	vadd.f32 v21, v18  }
0x288: {  	v54 =	vadd.f32 v52, v18;
	v55 =	vbroadcast v31, $0xF;
	v19 =	vsel vm5, v19, v22  }
0x289: {  	v56 =	vbroadcast v32, $0xF;
	v19 =	vsel vm6, v19, v20;
	v20 =	vadd.f32 v53, v18  }
0x28a: {  	v57 =	vadd.f32 v55, v18;
	v58 =	vbroadcast v33, $0xF;
	v19 =	vsel vm7, v19, v54  }
0x28b: {  	v59 =	vbroadcast v34, $0xF;
	v19 =	vsel vm8, v19, v20;
	v20 =	vadd.f32 v56, v18  }
0x28c: {  	v60 =	vadd.f32 v58, v18;
	v61 =	vbroadcast v35, $0xF;
	v19 =	vsel vm9, v19, v57  }
0x28d: {  	p0 =	sne.s32 s12, $0x7C0;
	v19 =	vsel vm10, v19, v20;
	v20 =	vadd.f32 v59, v18  }
.Ltmp0:
0x28e: {  	v62 =	vadd.f32 v61, v18;
	v19 =	vsel vm11, v19, v60;
	v63, _, _ =	vpop (xrf2);
	(pc) =	sbr.rel @p0 .LBB2_2-.Ltmp0, $4  }
0x28f: {  	v19 =	vsel vm12, v19, v20;
	v20 =	vadd.f32 v63, v18  }
0x290: {  	v19 =	vsel vm13, v19, v62  }
0x291: {  	s14 =	rddreg [dreg:$0xd];
	v19 =	vsel vm14, v19, v20  }
0x292: {  	s12 =	sadd.s32 $0x40, s12;
	[tilespmem:s14+$0x10500] =	vst v19  }
0x293: {  	s7 =	rddreg [dreg:$0xa];
	s8 =	simm.s32 $0x10500  }
0x294: {  	[hbm4b:s7+s6] =	stream.linear.scatter [tilespmem:s8], [sflag:$0x9], $0x200, $0x38;
	[tilespmem:$0x10700] =	vst v63  }
0x295: {  	s8 =	simm.s32 $0x9  }
0x296: {  	_ =	swait.ge [sflag:s8], $0x200  }
0x297: {  	s9 =	rddreg [dreg:$0xc]  }
0x298: {  	s14 =	rddreg [dreg:$0xb];
	s9 =	sadd.s32 $0x1, s9  }
0x299: {  	p0 =	sne.s32 s9, s14  }
.Ltmp1:
0x29a: {  	_ = 	snop;
	(pc) =	sbr.rel @p0 .LBB2_1-.Ltmp1, $3  }
0x29b: {  	_ =	sdelay $0x1  }
0x29c: {  	[sflag:s8] =	ssyncset.done $0x0  }
0x29d: {  	[sflag:s8] =	ssyncadd.s32 $0xFFFFFE00  }
0x29e: {  	_ =	sfence.sel $0x180000  }
0x29f: {  	[bflag:$0x0] =	sbarrier.arrive $0xFFFF  }
0x2a0: {  	_ =	strace $0x90000047  }
0x2a1: {  	s0 =	stileid.u32;
	[bflag:$0x2] =	sbarrier.arrive $0xFFFF  }
0x2a2: {  	p0 =	sne.s32 s0, $0x0;
	s0 =	rddreg [dreg:$0x7]  }
0x2a3: {  	s0 =	sadd.s32 @!p0 $0x100000, s0  }
0x2a4: {  	[sflag:s0] =	ssyncadd.tile.s32 @!p0 $0x1;
	_ =	shalt  }
.Lfunc_end2:
_tile_overlayer_lowered:
.L_overlay_start_2:
0x2a5: {  	(tag) =	ssettag $0x2  }
0x2a6: {  	s0 =	rddreg [dreg:$0x0];
	s2 =	stileid.u32  }
0x2a7: {  	s1 =	rddreg [dreg:$0x1];
	p0 =	sne.s32 s2, $0x0  }
0x2a8: {  	s3 =	rddreg [dreg:$0x2];
	[bflag:$0x3] =	sbarrier.arrive $0xFFFF;
	s2 =	simm.s32 @!p0 $0x1C09  }
0x2a9: {  	[timem:s3], [sflag:s2] =	dma.local @!p0 [hbm:s0], s1  }
0x2aa: {  	s0 =	simm.s32 @!p0 $0x9  }
0x2ab: {  	_ =	swait.ge @!p0 [sflag:s0], s1  }
0x2ac: {  	s1 =	ssub.s32 @!p0 $0x0, s1;
	[sflag:s0] =	ssyncset.done @!p0 $0x0  }
0x2ad: {  	[sflag:s0] =	ssyncadd.s32 @!p0 s1  }
0x2ae: {  	[bflag:$0x3] =	sbarrier.arrive $0xFFFF  }
0x2af: {  	_ =	shalt  }

</sc_bundles>
